<compile_context>
chip_gen: v7x
topology: tpu7x:2x2x1
jax: 0.10.2.dev20260603
libtpu: 0.0.44.dev20260713+nightly
codegen_flags: <defaults>
</compile_context>

<pallas_src>
import dataclasses
import functools

import jax
import jax.numpy as jnp
from jax import lax
from jax.experimental import pallas as pl
from jax.experimental.pallas import tpu as pltpu
from jax.experimental.pallas import tpu_sc as plsc

N = 10000
E = 320000
D = 128
NP = 10240
NW = 32
EPW = 10240
CH = 64
RC = EPW // CH
RC2 = EPW // 128
ROWS_PER_TILE = NP // 16

_mesh = plsc.VectorSubcoreMesh(core_axis_name="c", subcore_axis_name="s")

_sc_params = pltpu.CompilerParams()
if "needs_layout_passes" in pltpu.CompilerParams.__dataclass_fields__:
    _sc_params = dataclasses.replace(_sc_params, needs_layout_passes=False)


@functools.partial(
    pl.kernel,
    out_type=[
        jax.ShapeDtypeStruct((2, NP), jnp.float32),
        jax.ShapeDtypeStruct((NW, RC2, 128), jnp.float32),
    ],
    mesh=_mesh,
    scratch_types=[
        pltpu.VMEM((RC2, 128), jnp.int32),
        pltpu.VMEM((RC2, 128), jnp.int32),
        pltpu.VMEM((RC2, 128), jnp.float32),
        pltpu.VMEM((RC2, 128), jnp.float32),
        pltpu.VMEM((RC2, 128), jnp.float32),
        pltpu.VMEM((ROWS_PER_TILE,), jnp.float32),
        pltpu.VMEM_SHARED((NP,), jnp.float32),
    ],
)
def _degree_kernel(ii_hbm, jj_hbm, attr_hbm, degp_hbm, attrm_hbm,
                   ii_v, jj_v, attr_v, ones_v, attrm_v, zbuf, deg_acc):
    cid = lax.axis_index("c")
    sid = lax.axis_index("s")
    wid = cid * 16 + sid

    @pl.loop(0, ROWS_PER_TILE, step=16)
    def _(k):
        zbuf[pl.ds(k, 16)] = jnp.zeros((16,), jnp.float32)

    pltpu.sync_copy(zbuf, deg_acc.at[pl.ds(sid * ROWS_PER_TILE, ROWS_PER_TILE)])

    pltpu.sync_copy(ii_hbm.at[wid], ii_v)
    pltpu.sync_copy(jj_hbm.at[wid], jj_v)
    pltpu.sync_copy(attr_hbm.at[wid], attr_v)

    @pl.loop(0, RC2)
    def _(r):
        for d in range(8):
            sl = pl.ds(d * 16, 16)
            iv = ii_v[r, sl]
            jv = jj_v[r, sl]
            mask = iv != jv
            ones_v[r, sl] = jnp.where(mask, 1.0, 0.0).astype(jnp.float32)
            attrm_v[r, sl] = jnp.where(mask, attr_v[r, sl], 0.0)

    plsc.subcore_barrier()

    @pl.loop(0, RC2)
    def _(r):
        pltpu.sync_copy(ones_v.at[r], deg_acc.at[ii_v.at[r]], add=True)
        pltpu.sync_copy(ones_v.at[r], deg_acc.at[jj_v.at[r]], add=True)

    plsc.subcore_barrier()

    base = sid * ROWS_PER_TILE
    pltpu.sync_copy(deg_acc.at[pl.ds(base, ROWS_PER_TILE)],
                    degp_hbm.at[cid].at[pl.ds(base, ROWS_PER_TILE)])
    pltpu.sync_copy(attrm_v, attrm_hbm.at[wid])


@functools.partial(
    pl.kernel,
    out_type=[jax.ShapeDtypeStruct((2, NP, D), jnp.float32),
              jax.ShapeDtypeStruct((2, NP), jnp.float32)],
    mesh=_mesh,
    scratch_types=[
        pltpu.VMEM((RC // 5, CH), jnp.int32),
        pltpu.VMEM((RC // 5, CH), jnp.int32),
        pltpu.VMEM((RC // 5, CH), jnp.float32),
        pltpu.VMEM((CH, D), jnp.float32),
        pltpu.VMEM((CH, D), jnp.float32),
        pltpu.VMEM((NP,), jnp.float32),
        pltpu.VMEM_SHARED((NP, D), jnp.float32),
        pltpu.SemaphoreType.DMA,
        pltpu.SemaphoreType.DMA,
    ],
    compiler_params=_sc_params,
)
def _edge_pass_kernel(ii_hbm, jj_hbm, attrm_hbm, degp_hbm, h_hbm,
                      out_hbm, isd_hbm,
                      ii_v, jj_v, attrm_v, rows_a, rows_b,
                      isd_v, acc, sem_a, sem_b):
    cid = lax.axis_index("c")
    sid = lax.axis_index("s")
    wid = cid * 16 + sid
    cpb = RC // 5
    base = sid * ROWS_PER_TILE

    @pl.loop(0, CH, step=8)
    def _(r):
        for u in range(8):
            for d in range(8):
                rows_a[r + u, pl.ds(d * 16, 16)] = jnp.zeros((16,), jnp.float32)

    @pl.loop(0, ROWS_PER_TILE // CH)
    def _(k):
        pltpu.sync_copy(rows_a, acc.at[pl.ds(base + k * CH, CH)])

    pa = isd_v.at[pl.ds(0, ROWS_PER_TILE)]
    pb = isd_v.at[pl.ds(ROWS_PER_TILE, ROWS_PER_TILE)]
    pltpu.sync_copy(degp_hbm.at[0].at[pl.ds(base, ROWS_PER_TILE)], pa)
    pltpu.sync_copy(degp_hbm.at[1].at[pl.ds(base, ROWS_PER_TILE)], pb)

    @pl.loop(0, ROWS_PER_TILE, step=16)
    def _(k):
        sl = pl.ds(k, 16)
        dg = pa[sl] + pb[sl] + 2.0
        bits = plsc.bitcast(dg, jnp.int32)
        seed = jnp.full((16,), 0x5F3759DF, jnp.int32) - lax.shift_right_logical(
            bits, jnp.full((16,), 1, jnp.int32))
        y = plsc.bitcast(seed, jnp.float32)
        for _ in range(3):
            y = y * (1.5 - 0.5 * dg * y * y)
        pa[sl] = y

    pltpu.sync_copy(pa, isd_hbm.at[cid].at[pl.ds(base, ROWS_PER_TILE)])
    plsc.subcore_barrier()
    pltpu.sync_copy(isd_hbm.at[cid], isd_v)

    def _start_gather(c, buf, sem):
        pltpu.async_copy(h_hbm.at[jj_v.at[c]], buf, sem)

    def _wait_gather(buf, sem):
        pltpu.make_async_copy(h_hbm.at[pl.ds(0, CH)], buf, sem).wait()

    def _fold_isd(r):
        for d4 in range(CH // 16):
            sl = pl.ds(d4 * 16, 16)
            vi = plsc.load_gather(isd_v, [ii_v[r, sl]])
            vj = plsc.load_gather(isd_v, [jj_v[r, sl]])
            attrm_v[r, sl] = attrm_v[r, sl] * vi * vj

    def _scale(c, buf):
        @pl.loop(0, CH, step=4)
        def _(r):
            for u in range(4):
                val = plsc.load_gather(
                    attrm_v,
                    [jnp.full((16,), c, jnp.int32),
                     jnp.full((16,), r + u, jnp.int32)],
                )
                for d in range(8):
                    sl = pl.ds(d * 16, 16)
                    buf[r + u, sl] = buf[r + u, sl] * val

    def _start_scatter(c, buf, sem):
        pltpu.async_copy(buf, acc.at[ii_v.at[c]], sem, add=True)

    def _wait_scatter(buf, sem):
        pltpu.make_async_copy(buf, acc.at[pl.ds(0, CH)], sem).wait()

    @pl.loop(0, 5)
    def _(ob):
        pltpu.sync_copy(ii_hbm.at[wid].at[pl.ds(ob * cpb, cpb)], ii_v)
        pltpu.sync_copy(jj_hbm.at[wid].at[pl.ds(ob * cpb, cpb)], jj_v)
        pltpu.sync_copy(attrm_hbm.at[wid].at[pl.ds(ob * cpb, cpb)], attrm_v)

        _start_gather(0, rows_a, sem_a)
        _start_gather(1, rows_b, sem_b)

        @pl.loop(0, cpb)
        def _(r):
            _fold_isd(r)

        @pl.loop(0, cpb, step=2)
        def _(c):
            _wait_gather(rows_a, sem_a)
            _scale(c, rows_a)
            pltpu.sync_copy(rows_a, acc.at[ii_v.at[c]], add=True)

            @pl.when(c + 2 < cpb)
            def _():
                _start_gather(c + 2, rows_a, sem_a)

            _wait_gather(rows_b, sem_b)
            _scale(c + 1, rows_b)
            pltpu.sync_copy(rows_b, acc.at[ii_v.at[c + 1]], add=True)

            @pl.when(c + 3 < cpb)
            def _():
                _start_gather(c + 3, rows_b, sem_b)

    plsc.subcore_barrier()

    base = sid * ROWS_PER_TILE
    pltpu.sync_copy(acc.at[pl.ds(base, ROWS_PER_TILE)],
                    out_hbm.at[cid].at[pl.ds(base, ROWS_PER_TILE)])


def _linear_body(x_ref, wt_ref, b_ref, h_ref):
    h_ref[...] = (
        jnp.dot(x_ref[...], wt_ref[...], preferred_element_type=jnp.float32)
        + b_ref[...]
    )


def _combine_body(p0_ref, p1_ref, h_ref, q0_ref, q1_ref, o_ref):
    deg = p0_ref[...] + p1_ref[...] + 2.0
    o_ref[...] = jnp.maximum(
        q0_ref[...] + q1_ref[...] + h_ref[...] / deg, 0.0
    )


def kernel(vertices, edges, edge_attr, W, b):
    ii = edges[0].astype(jnp.int32)
    jj = edges[1].astype(jnp.int32)
    ppw = EPW - E // NW
    pad_idx = jnp.broadcast_to(
        N + jnp.arange(ppw, dtype=jnp.int32)[None, :], (NW, ppw)
    )

    def _shard(x, pad):
        return jnp.concatenate(
            [x.reshape(NW, E // NW), pad], axis=1
        ).reshape(NW, RC, CH)

    ii_p = _shard(ii, pad_idx)
    jj_p = _shard(jj, pad_idx)
    attr_p = _shard(
        edge_attr.astype(jnp.float32), jnp.zeros((NW, ppw), jnp.float32)
    )

    v_pad = jnp.concatenate(
        [vertices, jnp.zeros((NP - N, D), jnp.float32)], axis=0
    )
    w_t = W.T
    b2d = b.reshape(1, D)

    wide = (NW, RC2, 128)
    degp, attrm = _degree_kernel(
        ii_p.reshape(wide), jj_p.reshape(wide), attr_p.reshape(wide)
    )
    attrm = attrm.reshape(NW, RC, CH)

    blk = 512
    grid = (NP // blk,)
    h_pad = pl.pallas_call(
        _linear_body,
        grid=grid,
        in_specs=[
            pl.BlockSpec((blk, D), lambda i: (i, 0)),
            pl.BlockSpec((D, D), lambda i: (0, 0)),
            pl.BlockSpec((1, D), lambda i: (0, 0)),
        ],
        out_specs=pl.BlockSpec((blk, D), lambda i: (i, 0)),
        out_shape=jax.ShapeDtypeStruct((NP, D), jnp.float32),
    )(v_pad, w_t, b2d)

    partials, _ = _edge_pass_kernel(ii_p, jj_p, attrm, degp, h_pad)

    p0 = degp[0].reshape(NP, 1)
    p1 = degp[1].reshape(NP, 1)
    col_spec = pl.BlockSpec((blk, 1), lambda i: (i, 0))
    mat_spec = pl.BlockSpec((blk, D), lambda i: (i, 0))
    out_pad = pl.pallas_call(
        _combine_body,
        grid=grid,
        in_specs=[col_spec, col_spec, mat_spec, mat_spec, mat_spec],
        out_specs=mat_spec,
        out_shape=jax.ShapeDtypeStruct((NP, D), jnp.float32),
    )(p0, p1, h_pad, partials[0], partials[1])

    return out_pad[:N]

# --- scband reference (transcript-rebuilt; emitter-appended) ---
"""Pipeline reference for scband-gcn-57775900066214 (READ-ONLY COPY).

The authoritative reference and input builder live on the scoring server;
editing this copy changes nothing except your own understanding.
"""

import jax, jax.numpy as jnp
import numpy as np

N_NODES = 10000
N_EDGES = 320000
IN_DIM = 128
OUT_DIM = 128

def setup_inputs(seed: int = 0) -> dict:
    key = jax.random.key(seed)
    k1, k2, k3, k4, k5 = jax.random.split(key, 5)
    vertices = jax.random.normal(k1, (N_NODES, IN_DIM), dtype=jnp.float32)
    edges = jax.random.randint(k2, (2, N_EDGES), 0, N_NODES, dtype=jnp.int64)
    edge_attr = jax.random.uniform(k3, (N_EDGES,), dtype=jnp.float32)
    # Linear layer params (PyTorch nn.Linear default init: U(-1/sqrt(in), 1/sqrt(in)))
    bound = 1.0 / np.sqrt(IN_DIM)
    W = jax.random.uniform(k4, (OUT_DIM, IN_DIM), dtype=jnp.float32, minval=-bound, maxval=bound)
    b = jax.random.uniform(k5, (OUT_DIM,), dtype=jnp.float32, minval=-bound, maxval=bound)
    return {"vertices": vertices, "edges": edges, "edge_attr": edge_attr, "W": W, "b": b}


def reference(vertices, edges, edge_attr, W, b):
    order = vertices.shape[0]
    loop_fill = 1.0
    i, j = edges[0], edges[1]
    # add_self_loops: drop existing self loops (via masking to zero), append identity
    non_loop_mask = i != j
    vals_nl = jnp.where(non_loop_mask, edge_attr, jnp.zeros_like(edge_attr))
    I_n = jnp.arange(order, dtype=edges.dtype)
    loop_idx = jnp.stack([I_n, I_n], axis=0)
    loop_val = jnp.ones((order,), dtype=vals_nl.dtype) * loop_fill
    A_ij = jnp.concatenate([edges, loop_idx], axis=1)
    A_val = jnp.concatenate([vals_nl, loop_val], axis=0)
    ii, jj = A_ij[0], A_ij[1]
    # degree matrix (counts both endpoints with ones; masked self loops count zero)
    ones_e = non_loop_mask.astype(A_val.dtype)
    ones_m = jnp.concatenate([ones_e, jnp.ones((order,), dtype=A_val.dtype)], axis=0)
    degree = jnp.zeros((order,), dtype=jnp.float32)
    degree = degree.at[ii].add(ones_m)
    degree = degree.at[jj].add(ones_m)
    invsqrt_D = 1.0 / jnp.sqrt(degree[ii] * degree[jj])
    A_val = A_val * invsqrt_D
    # linear transform then sparse matmul: out[i] += A_val * h[j]
    h = vertices @ W.T + b
    msg = A_val[:, None] * h[jj]
    out = jnp.zeros((order, h.shape[1]), dtype=h.dtype)
    out = out.at[ii].add(msg)
    return jax.nn.relu(out)

if __name__ == "__main__":
    import jax
    _d = setup_inputs()
    print(jax.jit(kernel)(*tuple(_d.values())))

</pallas_src>

<mosaic_0001>
#map = affine_map<(d0, d1) -> (0, 0, 0)>
#map1 = affine_map<(d0, d1) -> (0, 0)>
module attributes {stable_mosaic.version = 14 : i64} {
  func.func @_degree_kernel(%arg0: i32, %arg1: i32, %arg2: memref<32x80x128xi32, #tpu.memory_space<hbm>>, %arg3: memref<32x80x128xi32, #tpu.memory_space<hbm>>, %arg4: memref<32x80x128xf32, #tpu.memory_space<hbm>>, %arg5: memref<2x10240xf32, #tpu.memory_space<hbm>>, %arg6: memref<32x80x128xf32, #tpu.memory_space<hbm>>, %arg7: memref<80x128xi32, #tpu.memory_space<vmem>>, %arg8: memref<80x128xi32, #tpu.memory_space<vmem>>, %arg9: memref<80x128xf32, #tpu.memory_space<vmem>>, %arg10: memref<80x128xf32, #tpu.memory_space<vmem>>, %arg11: memref<80x128xf32, #tpu.memory_space<vmem>>, %arg12: memref<640xf32, #tpu.memory_space<vmem>>, %arg13: memref<10240xf32, #tpu.memory_space<vmem_shared>>) attributes {dimension_semantics = [#tpu.dimension_semantics<core_parallel>, #tpu.dimension_semantics<subcore_parallel>], iteration_bounds = array<i64: 2, 16>, scalar_prefetch = 0 : i64, scratch_operands = 7 : i64, tpu.core_type = #tpu.core_type<sc_vector_subcore>, window_params = [{transform_indices = #map}, {transform_indices = #map}, {transform_indices = #map}, {transform_indices = #map1}, {transform_indices = #map}]} {
    %mul3A = arith.constant 16 : i32
    %mul3A_0 = arith.muli %arg0, %mul3A : i32
    %add3A = arith.addi %mul3A_0, %arg1 : i32
    %scan3A = arith.constant 0 : i32
    %scan3A_1 = arith.constant 40 : i32
    %scan3A_2 = arith.addi %scan3A, %scan3A_1 : i32
    %scan3A_3 = arith.constant 1 : i32
    scf.for %scan3A_20 = %scan3A to %scan3A_2 step %scan3A_3  : i32 {
      %mul3A_21 = arith.constant 16 : i32
      %mul3A_22 = arith.muli %scan3A_20, %mul3A_21 : i32
      %add3A_23 = arith.constant 0 : i32
      %add3A_24 = arith.addi %add3A_23, %mul3A_22 : i32
      %broadcast_in_dim3A = arith.constant 0.000000e+00 : f32
      %broadcast_in_dim3A_25 = vector.broadcast %broadcast_in_dim3A : f32 to vector<16xf32>
      %swap3A = arith.index_cast %add3A_24 : i32 to index
      %swap3A_26 = tpu.vector_load %arg12[%swap3A] {strides = array<i32>} : memref<640xf32, #tpu.memory_space<vmem>>, vector<16xf32>,
      %swap3A_27 = vector.shape_cast %swap3A_26 : vector<16xf32> to vector<16xf32>
      %swap3A_28 = vector.shape_cast %broadcast_in_dim3A_25 : vector<16xf32> to vector<16xf32>
      tpu.vector_store %arg12[%swap3A], %swap3A_28 {strides = array<i32>} : memref<640xf32, #tpu.memory_space<vmem>>, vector<16xf32>,
    }
    %scan3A_4 = arith.constant 40 : i32
    %mul3A_5 = arith.constant 640 : i32
    %mul3A_6 = arith.muli %arg1, %mul3A_5 : i32
    "tpu.region"() ({
      %run_scoped3A = tpu.sem_alloc : memref<!tpu.dma_semaphore, #tpu.memory_space<semaphore_mem>>
      %dma_start3A = tpu.memref_slice %arg13[%mul3A_6] : memref<10240xf32, #tpu.memory_space<vmem_shared>> -> memref<640xf32, #tpu.memory_space<vmem_shared>>
      %dma_start3A_20 = tpu.memref_slice %arg13[%mul3A_6] : memref<10240xf32, #tpu.memory_space<vmem_shared>> -> memref<640xf32, #tpu.memory_space<vmem_shared>>
      tpu.enqueue_dma source(%arg12 : memref<640xf32, #tpu.memory_space<vmem>>) target(%dma_start3A_20 : memref<640xf32, #tpu.memory_space<vmem_shared>>) target_semaphore(%run_scoped3A : memref<!tpu.dma_semaphore, #tpu.memory_space<semaphore_mem>>)
      %dma_wait3A = tpu.memref_slice %arg13[%mul3A_6] : memref<10240xf32, #tpu.memory_space<vmem_shared>> -> memref<640xf32, #tpu.memory_space<vmem_shared>>
      %dma_wait3A_21 = tpu.memref_slice %arg13[%mul3A_6] : memref<10240xf32, #tpu.memory_space<vmem_shared>> -> memref<640xf32, #tpu.memory_space<vmem_shared>>
      tpu.wait_dma2 semaphore(%run_scoped3A : memref<!tpu.dma_semaphore, #tpu.memory_space<semaphore_mem>>) src(%arg12 : memref<640xf32, #tpu.memory_space<vmem>>) dst(%dma_wait3A_21 : memref<640xf32, #tpu.memory_space<vmem_shared>>)
      tpu.yield
    }) : () -> ()
    "tpu.region"() ({
      %run_scoped3A = tpu.sem_alloc : memref<!tpu.dma_semaphore, #tpu.memory_space<semaphore_mem>>
      %dma_start3A = arith.constant 0 : i32
      %dma_start3A_20 = arith.constant 0 : i32
      %dma_start3A_21 = tpu.memref_slice %arg2[%add3A, %dma_start3A, %dma_start3A_20] : memref<32x80x128xi32, #tpu.memory_space<hbm>> -> memref<1x80x128xi32, #tpu.memory_space<hbm>>
      %dma_start3A_22 = tpu.memref_squeeze %dma_start3A_21 : memref<1x80x128xi32, #tpu.memory_space<hbm>> -> memref<80x128xi32, #tpu.memory_space<hbm>>
      %dma_start3A_23 = arith.constant 0 : i32
      %dma_start3A_24 = arith.constant 0 : i32
      %dma_start3A_25 = tpu.memref_slice %arg2[%add3A, %dma_start3A_23, %dma_start3A_24] : memref<32x80x128xi32, #tpu.memory_space<hbm>> -> memref<1x80x128xi32, #tpu.memory_space<hbm>>
      %dma_start3A_26 = tpu.memref_squeeze %dma_start3A_25 : memref<1x80x128xi32, #tpu.memory_space<hbm>> -> memref<80x128xi32, #tpu.memory_space<hbm>>
      tpu.enqueue_dma source(%dma_start3A_26 : memref<80x128xi32, #tpu.memory_space<hbm>>) target(%arg7 : memref<80x128xi32, #tpu.memory_space<vmem>>) target_semaphore(%run_scoped3A : memref<!tpu.dma_semaphore, #tpu.memory_space<semaphore_mem>>)
      %dma_wait3A = arith.constant 0 : i32
      %dma_wait3A_27 = arith.constant 0 : i32
      %dma_wait3A_28 = tpu.memref_slice %arg2[%add3A, %dma_wait3A, %dma_wait3A_27] : memref<32x80x128xi32, #tpu.memory_space<hbm>> -> memref<1x80x128xi32, #tpu.memory_space<hbm>>
      %dma_wait3A_29 = tpu.memref_squeeze %dma_wait3A_28 : memref<1x80x128xi32, #tpu.memory_space<hbm>> -> memref<80x128xi32, #tpu.memory_space<hbm>>
      %dma_wait3A_30 = arith.constant 0 : i32
      %dma_wait3A_31 = arith.constant 0 : i32
      %dma_wait3A_32 = tpu.memref_slice %arg2[%add3A, %dma_wait3A_30, %dma_wait3A_31] : memref<32x80x128xi32, #tpu.memory_space<hbm>> -> memref<1x80x128xi32, #tpu.memory_space<hbm>>
      %dma_wait3A_33 = tpu.memref_squeeze %dma_wait3A_32 : memref<1x80x128xi32, #tpu.memory_space<hbm>> -> memref<80x128xi32, #tpu.memory_space<hbm>>
      tpu.wait_dma2 semaphore(%run_scoped3A : memref<!tpu.dma_semaphore, #tpu.memory_space<semaphore_mem>>) src(%dma_wait3A_33 : memref<80x128xi32, #tpu.memory_space<hbm>>) dst(%arg7 : memref<80x128xi32, #tpu.memory_space<vmem>>)
      tpu.yield
    }) : () -> ()
    "tpu.region"() ({
      %run_scoped3A = tpu.sem_alloc : memref<!tpu.dma_semaphore, #tpu.memory_space<semaphore_mem>>
      %dma_start3A = arith.constant 0 : i32
      %dma_start3A_20 = arith.constant 0 : i32
      %dma_start3A_21 = tpu.memref_slice %arg3[%add3A, %dma_start3A, %dma_start3A_20] : memref<32x80x128xi32, #tpu.memory_space<hbm>> -> memref<1x80x128xi32, #tpu.memory_space<hbm>>
      %dma_start3A_22 = tpu.memref_squeeze %dma_start3A_21 : memref<1x80x128xi32, #tpu.memory_space<hbm>> -> memref<80x128xi32, #tpu.memory_space<hbm>>
      %dma_start3A_23 = arith.constant 0 : i32
      %dma_start3A_24 = arith.constant 0 : i32
      %dma_start3A_25 = tpu.memref_slice %arg3[%add3A, %dma_start3A_23, %dma_start3A_24] : memref<32x80x128xi32, #tpu.memory_space<hbm>> -> memref<1x80x128xi32, #tpu.memory_space<hbm>>
      %dma_start3A_26 = tpu.memref_squeeze %dma_start3A_25 : memref<1x80x128xi32, #tpu.memory_space<hbm>> -> memref<80x128xi32, #tpu.memory_space<hbm>>
      tpu.enqueue_dma source(%dma_start3A_26 : memref<80x128xi32, #tpu.memory_space<hbm>>) target(%arg8 : memref<80x128xi32, #tpu.memory_space<vmem>>) target_semaphore(%run_scoped3A : memref<!tpu.dma_semaphore, #tpu.memory_space<semaphore_mem>>)
      %dma_wait3A = arith.constant 0 : i32
      %dma_wait3A_27 = arith.constant 0 : i32
      %dma_wait3A_28 = tpu.memref_slice %arg3[%add3A, %dma_wait3A, %dma_wait3A_27] : memref<32x80x128xi32, #tpu.memory_space<hbm>> -> memref<1x80x128xi32, #tpu.memory_space<hbm>>
      %dma_wait3A_29 = tpu.memref_squeeze %dma_wait3A_28 : memref<1x80x128xi32, #tpu.memory_space<hbm>> -> memref<80x128xi32, #tpu.memory_space<hbm>>
      %dma_wait3A_30 = arith.constant 0 : i32
      %dma_wait3A_31 = arith.constant 0 : i32
      %dma_wait3A_32 = tpu.memref_slice %arg3[%add3A, %dma_wait3A_30, %dma_wait3A_31] : memref<32x80x128xi32, #tpu.memory_space<hbm>> -> memref<1x80x128xi32, #tpu.memory_space<hbm>>
      %dma_wait3A_33 = tpu.memref_squeeze %dma_wait3A_32 : memref<1x80x128xi32, #tpu.memory_space<hbm>> -> memref<80x128xi32, #tpu.memory_space<hbm>>
      tpu.wait_dma2 semaphore(%run_scoped3A : memref<!tpu.dma_semaphore, #tpu.memory_space<semaphore_mem>>) src(%dma_wait3A_33 : memref<80x128xi32, #tpu.memory_space<hbm>>) dst(%arg8 : memref<80x128xi32, #tpu.memory_space<vmem>>)
      tpu.yield
    }) : () -> ()
    "tpu.region"() ({
      %run_scoped3A = tpu.sem_alloc : memref<!tpu.dma_semaphore, #tpu.memory_space<semaphore_mem>>
      %dma_start3A = arith.constant 0 : i32
      %dma_start3A_20 = arith.constant 0 : i32
      %dma_start3A_21 = tpu.memref_slice %arg4[%add3A, %dma_start3A, %dma_start3A_20] : memref<32x80x128xf32, #tpu.memory_space<hbm>> -> memref<1x80x128xf32, #tpu.memory_space<hbm>>
      %dma_start3A_22 = tpu.memref_squeeze %dma_start3A_21 : memref<1x80x128xf32, #tpu.memory_space<hbm>> -> memref<80x128xf32, #tpu.memory_space<hbm>>
      %dma_start3A_23 = arith.constant 0 : i32
      %dma_start3A_24 = arith.constant 0 : i32
      %dma_start3A_25 = tpu.memref_slice %arg4[%add3A, %dma_start3A_23, %dma_start3A_24] : memref<32x80x128xf32, #tpu.memory_space<hbm>> -> memref<1x80x128xf32, #tpu.memory_space<hbm>>
      %dma_start3A_26 = tpu.memref_squeeze %dma_start3A_25 : memref<1x80x128xf32, #tpu.memory_space<hbm>> -> memref<80x128xf32, #tpu.memory_space<hbm>>
      tpu.enqueue_dma source(%dma_start3A_26 : memref<80x128xf32, #tpu.memory_space<hbm>>) target(%arg9 : memref<80x128xf32, #tpu.memory_space<vmem>>) target_semaphore(%run_scoped3A : memref<!tpu.dma_semaphore, #tpu.memory_space<semaphore_mem>>)
      %dma_wait3A = arith.constant 0 : i32
      %dma_wait3A_27 = arith.constant 0 : i32
      %dma_wait3A_28 = tpu.memref_slice %arg4[%add3A, %dma_wait3A, %dma_wait3A_27] : memref<32x80x128xf32, #tpu.memory_space<hbm>> -> memref<1x80x128xf32, #tpu.memory_space<hbm>>
      %dma_wait3A_29 = tpu.memref_squeeze %dma_wait3A_28 : memref<1x80x128xf32, #tpu.memory_space<hbm>> -> memref<80x128xf32, #tpu.memory_space<hbm>>
      %dma_wait3A_30 = arith.constant 0 : i32
      %dma_wait3A_31 = arith.constant 0 : i32
      %dma_wait3A_32 = tpu.memref_slice %arg4[%add3A, %dma_wait3A_30, %dma_wait3A_31] : memref<32x80x128xf32, #tpu.memory_space<hbm>> -> memref<1x80x128xf32, #tpu.memory_space<hbm>>
      %dma_wait3A_33 = tpu.memref_squeeze %dma_wait3A_32 : memref<1x80x128xf32, #tpu.memory_space<hbm>> -> memref<80x128xf32, #tpu.memory_space<hbm>>
      tpu.wait_dma2 semaphore(%run_scoped3A : memref<!tpu.dma_semaphore, #tpu.memory_space<semaphore_mem>>) src(%dma_wait3A_33 : memref<80x128xf32, #tpu.memory_space<hbm>>) dst(%arg9 : memref<80x128xf32, #tpu.memory_space<vmem>>)
      tpu.yield
    }) : () -> ()
    %scan3A_7 = arith.constant 0 : i32
    %scan3A_8 = arith.constant 80 : i32
    %scan3A_9 = arith.addi %scan3A_7, %scan3A_8 : i32
    %scan3A_10 = arith.constant 1 : i32
    scf.for %scan3A_20 = %scan3A_7 to %scan3A_9 step %scan3A_10  : i32 {
      %mul3A_21 = arith.constant 1 : i32
      %mul3A_22 = arith.muli %scan3A_20, %mul3A_21 : i32
      %add3A_23 = arith.constant 0 : i32
      %add3A_24 = arith.addi %add3A_23, %mul3A_22 : i32
      %get3A = arith.index_cast %add3A_24 : i32 to index
      %get3A_25 = arith.constant 0 : index
      %get3A_26 = tpu.vector_load %arg7[%get3A, %get3A_25] {strides = array<i32>} : memref<80x128xi32, #tpu.memory_space<vmem>>, vector<1x16xi32>,
      %get3A_27 = vector.shape_cast %get3A_26 : vector<1x16xi32> to vector<16xi32>
      %get3A_28 = arith.index_cast %add3A_24 : i32 to index
      %get3A_29 = arith.constant 0 : index
      %get3A_30 = tpu.vector_load %arg8[%get3A_28, %get3A_29] {strides = array<i32>} : memref<80x128xi32, #tpu.memory_space<vmem>>, vector<1x16xi32>,
      %get3A_31 = vector.shape_cast %get3A_30 : vector<1x16xi32> to vector<16xi32>
      %ne3A = arith.cmpi ne, %get3A_27, %get3A_31 : vector<16xi32>
      %jit3A = arith.constant 1.000000e+00 : f32
      %jit3A_32 = arith.constant 0.000000e+00 : f32
      %broadcast_in_dim3A = vector.broadcast %jit3A : f32 to vector<16xf32>
      %broadcast_in_dim3A_33 = vector.broadcast %jit3A_32 : f32 to vector<16xf32>
      %select_n3A = arith.select %ne3A, %broadcast_in_dim3A, %broadcast_in_dim3A_33 : vector<16xi1>, vector<16xf32>
      %swap3A = arith.index_cast %add3A_24 : i32 to index
      %swap3A_34 = arith.constant 0 : index
      %swap3A_35 = tpu.vector_load %arg10[%swap3A, %swap3A_34] {strides = array<i32>} : memref<80x128xf32, #tpu.memory_space<vmem>>, vector<1x16xf32>,
      %swap3A_36 = vector.shape_cast %swap3A_35 : vector<1x16xf32> to vector<16xf32>
      %swap3A_37 = vector.shape_cast %select_n3A : vector<16xf32> to vector<1x16xf32>
      tpu.vector_store %arg10[%swap3A, %swap3A_34], %swap3A_37 {strides = array<i32>} : memref<80x128xf32, #tpu.memory_space<vmem>>, vector<1x16xf32>,
      %get3A_38 = arith.index_cast %add3A_24 : i32 to index
      %get3A_39 = arith.constant 0 : index
      %get3A_40 = tpu.vector_load %arg9[%get3A_38, %get3A_39] {strides = array<i32>} : memref<80x128xf32, #tpu.memory_space<vmem>>, vector<1x16xf32>,
      %get3A_41 = vector.shape_cast %get3A_40 : vector<1x16xf32> to vector<16xf32>
      %jit3A_42 = arith.constant 0.000000e+00 : f32
      %broadcast_in_dim3A_43 = vector.broadcast %jit3A_42 : f32 to vector<16xf32>
      %select_n3A_44 = arith.select %ne3A, %get3A_41, %broadcast_in_dim3A_43 : vector<16xi1>, vector<16xf32>
      %swap3A_45 = arith.index_cast %add3A_24 : i32 to index
      %swap3A_46 = arith.constant 0 : index
      %swap3A_47 = tpu.vector_load %arg11[%swap3A_45, %swap3A_46] {strides = array<i32>} : memref<80x128xf32, #tpu.memory_space<vmem>>, vector<1x16xf32>,
      %swap3A_48 = vector.shape_cast %swap3A_47 : vector<1x16xf32> to vector<16xf32>
      %swap3A_49 = vector.shape_cast %select_n3A_44 : vector<16xf32> to vector<1x16xf32>
      tpu.vector_store %arg11[%swap3A_45, %swap3A_46], %swap3A_49 {strides = array<i32>} : memref<80x128xf32, #tpu.memory_space<vmem>>, vector<1x16xf32>,
      %get3A_50 = arith.index_cast %add3A_24 : i32 to index
      %get3A_51 = arith.constant 16 : index
      %get3A_52 = tpu.vector_load %arg7[%get3A_50, %get3A_51] {strides = array<i32>} : memref<80x128xi32, #tpu.memory_space<vmem>>, vector<1x16xi32>,
      %get3A_53 = vector.shape_cast %get3A_52 : vector<1x16xi32> to vector<16xi32>
      %get3A_54 = arith.index_cast %add3A_24 : i32 to index
      %get3A_55 = arith.constant 16 : index
      %get3A_56 = tpu.vector_load %arg8[%get3A_54, %get3A_55] {strides = array<i32>} : memref<80x128xi32, #tpu.memory_space<vmem>>, vector<1x16xi32>,
      %get3A_57 = vector.shape_cast %get3A_56 : vector<1x16xi32> to vector<16xi32>
      %ne3A_58 = arith.cmpi ne, %get3A_53, %get3A_57 : vector<16xi32>
      %jit3A_59 = arith.constant 1.000000e+00 : f32
      %jit3A_60 = arith.constant 0.000000e+00 : f32
      %broadcast_in_dim3A_61 = vector.broadcast %jit3A_59 : f32 to vector<16xf32>
      %broadcast_in_dim3A_62 = vector.broadcast %jit3A_60 : f32 to vector<16xf32>
      %select_n3A_63 = arith.select %ne3A_58, %broadcast_in_dim3A_61, %broadcast_in_dim3A_62 : vector<16xi1>, vector<16xf32>
      %swap3A_64 = arith.index_cast %add3A_24 : i32 to index
      %swap3A_65 = arith.constant 16 : index
      %swap3A_66 = tpu.vector_load %arg10[%swap3A_64, %swap3A_65] {strides = array<i32>} : memref<80x128xf32, #tpu.memory_space<vmem>>, vector<1x16xf32>,
      %swap3A_67 = vector.shape_cast %swap3A_66 : vector<1x16xf32> to vector<16xf32>
      %swap3A_68 = vector.shape_cast %select_n3A_63 : vector<16xf32> to vector<1x16xf32>
      tpu.vector_store %arg10[%swap3A_64, %swap3A_65], %swap3A_68 {strides = array<i32>} : memref<80x128xf32, #tpu.memory_space<vmem>>, vector<1x16xf32>,
      %get3A_69 = arith.index_cast %add3A_24 : i32 to index
      %get3A_70 = arith.constant 16 : index
      %get3A_71 = tpu.vector_load %arg9[%get3A_69, %get3A_70] {strides = array<i32>} : memref<80x128xf32, #tpu.memory_space<vmem>>, vector<1x16xf32>,
      %get3A_72 = vector.shape_cast %get3A_71 : vector<1x16xf32> to vector<16xf32>
      %jit3A_73 = arith.constant 0.000000e+00 : f32
      %broadcast_in_dim3A_74 = vector.broadcast %jit3A_73 : f32 to vector<16xf32>
      %select_n3A_75 = arith.select %ne3A_58, %get3A_72, %broadcast_in_dim3A_74 : vector<16xi1>, vector<16xf32>
      %swap3A_76 = arith.index_cast %add3A_24 : i32 to index
      %swap3A_77 = arith.constant 16 : index
      %swap3A_78 = tpu.vector_load %arg11[%swap3A_76, %swap3A_77] {strides = array<i32>} : memref<80x128xf32, #tpu.memory_space<vmem>>, vector<1x16xf32>,
      %swap3A_79 = vector.shape_cast %swap3A_78 : vector<1x16xf32> to vector<16xf32>
      %swap3A_80 = vector.shape_cast %select_n3A_75 : vector<16xf32> to vector<1x16xf32>
      tpu.vector_store %arg11[%swap3A_76, %swap3A_77], %swap3A_80 {strides = array<i32>} : memref<80x128xf32, #tpu.memory_space<vmem>>, vector<1x16xf32>,
      %get3A_81 = arith.index_cast %add3A_24 : i32 to index
      %get3A_82 = arith.constant 32 : index
      %get3A_83 = tpu.vector_load %arg7[%get3A_81, %get3A_82] {strides = array<i32>} : memref<80x128xi32, #tpu.memory_space<vmem>>, vector<1x16xi32>,
      %get3A_84 = vector.shape_cast %get3A_83 : vector<1x16xi32> to vector<16xi32>
      %get3A_85 = arith.index_cast %add3A_24 : i32 to index
      %get3A_86 = arith.constant 32 : index
      %get3A_87 = tpu.vector_load %arg8[%get3A_85, %get3A_86] {strides = array<i32>} : memref<80x128xi32, #tpu.memory_space<vmem>>, vector<1x16xi32>,
      %get3A_88 = vector.shape_cast %get3A_87 : vector<1x16xi32> to vector<16xi32>
      %ne3A_89 = arith.cmpi ne, %get3A_84, %get3A_88 : vector<16xi32>
      %jit3A_90 = arith.constant 1.000000e+00 : f32
      %jit3A_91 = arith.constant 0.000000e+00 : f32
      %broadcast_in_dim3A_92 = vector.broadcast %jit3A_90 : f32 to vector<16xf32>
      %broadcast_in_dim3A_93 = vector.broadcast %jit3A_91 : f32 to vector<16xf32>
      %select_n3A_94 = arith.select %ne3A_89, %broadcast_in_dim3A_92, %broadcast_in_dim3A_93 : vector<16xi1>, vector<16xf32>
      %swap3A_95 = arith.index_cast %add3A_24 : i32 to index
      %swap3A_96 = arith.constant 32 : index
      %swap3A_97 = tpu.vector_load %arg10[%swap3A_95, %swap3A_96] {strides = array<i32>} : memref<80x128xf32, #tpu.memory_space<vmem>>, vector<1x16xf32>,
      %swap3A_98 = vector.shape_cast %swap3A_97 : vector<1x16xf32> to vector<16xf32>
      %swap3A_99 = vector.shape_cast %select_n3A_94 : vector<16xf32> to vector<1x16xf32>
      tpu.vector_store %arg10[%swap3A_95, %swap3A_96], %swap3A_99 {strides = array<i32>} : memref<80x128xf32, #tpu.memory_space<vmem>>, vector<1x16xf32>,
      %get3A_100 = arith.index_cast %add3A_24 : i32 to index
      %get3A_101 = arith.constant 32 : index
      %get3A_102 = tpu.vector_load %arg9[%get3A_100, %get3A_101] {strides = array<i32>} : memref<80x128xf32, #tpu.memory_space<vmem>>, vector<1x16xf32>,
      %get3A_103 = vector.shape_cast %get3A_102 : vector<1x16xf32> to vector<16xf32>
      %jit3A_104 = arith.constant 0.000000e+00 : f32
      %broadcast_in_dim3A_105 = vector.broadcast %jit3A_104 : f32 to vector<16xf32>
      %select_n3A_106 = arith.select %ne3A_89, %get3A_103, %broadcast_in_dim3A_105 : vector<16xi1>, vector<16xf32>
      %swap3A_107 = arith.index_cast %add3A_24 : i32 to index
      %swap3A_108 = arith.constant 32 : index
      %swap3A_109 = tpu.vector_load %arg11[%swap3A_107, %swap3A_108] {strides = array<i32>} : memref<80x128xf32, #tpu.memory_space<vmem>>, vector<1x16xf32>,
      %swap3A_110 = vector.shape_cast %swap3A_109 : vector<1x16xf32> to vector<16xf32>
      %swap3A_111 = vector.shape_cast %select_n3A_106 : vector<16xf32> to vector<1x16xf32>
      tpu.vector_store %arg11[%swap3A_107, %swap3A_108], %swap3A_111 {strides = array<i32>} : memref<80x128xf32, #tpu.memory_space<vmem>>, vector<1x16xf32>,
      %get3A_112 = arith.index_cast %add3A_24 : i32 to index
      %get3A_113 = arith.constant 48 : index
      %get3A_114 = tpu.vector_load %arg7[%get3A_112, %get3A_113] {strides = array<i32>} : memref<80x128xi32, #tpu.memory_space<vmem>>, vector<1x16xi32>,
      %get3A_115 = vector.shape_cast %get3A_114 : vector<1x16xi32> to vector<16xi32>
      %get3A_116 = arith.index_cast %add3A_24 : i32 to index
      %get3A_117 = arith.constant 48 : index
      %get3A_118 = tpu.vector_load %arg8[%get3A_116, %get3A_117] {strides = array<i32>} : memref<80x128xi32, #tpu.memory_space<vmem>>, vector<1x16xi32>,
      %get3A_119 = vector.shape_cast %get3A_118 : vector<1x16xi32> to vector<16xi32>
      %ne3A_120 = arith.cmpi ne, %get3A_115, %get3A_119 : vector<16xi32>
      %jit3A_121 = arith.constant 1.000000e+00 : f32
      %jit3A_122 = arith.constant 0.000000e+00 : f32
      %broadcast_in_dim3A_123 = vector.broadcast %jit3A_121 : f32 to vector<16xf32>
      %broadcast_in_dim3A_124 = vector.broadcast %jit3A_122 : f32 to vector<16xf32>
      %select_n3A_125 = arith.select %ne3A_120, %broadcast_in_dim3A_123, %broadcast_in_dim3A_124 : vector<16xi1>, vector<16xf32>
      %swap3A_126 = arith.index_cast %add3A_24 : i32 to index
      %swap3A_127 = arith.constant 48 : index
      %swap3A_128 = tpu.vector_load %arg10[%swap3A_126, %swap3A_127] {strides = array<i32>} : memref<80x128xf32, #tpu.memory_space<vmem>>, vector<1x16xf32>,
      %swap3A_129 = vector.shape_cast %swap3A_128 : vector<1x16xf32> to vector<16xf32>
      %swap3A_130 = vector.shape_cast %select_n3A_125 : vector<16xf32> to vector<1x16xf32>
      tpu.vector_store %arg10[%swap3A_126, %swap3A_127], %swap3A_130 {strides = array<i32>} : memref<80x128xf32, #tpu.memory_space<vmem>>, vector<1x16xf32>,
      %get3A_131 = arith.index_cast %add3A_24 : i32 to index
      %get3A_132 = arith.constant 48 : index
      %get3A_133 = tpu.vector_load %arg9[%get3A_131, %get3A_132] {strides = array<i32>} : memref<80x128xf32, #tpu.memory_space<vmem>>, vector<1x16xf32>,
      %get3A_134 = vector.shape_cast %get3A_133 : vector<1x16xf32> to vector<16xf32>
      %jit3A_135 = arith.constant 0.000000e+00 : f32
      %broadcast_in_dim3A_136 = vector.broadcast %jit3A_135 : f32 to vector<16xf32>
      %select_n3A_137 = arith.select %ne3A_120, %get3A_134, %broadcast_in_dim3A_136 : vector<16xi1>, vector<16xf32>
      %swap3A_138 = arith.index_cast %add3A_24 : i32 to index
      %swap3A_139 = arith.constant 48 : index
      %swap3A_140 = tpu.vector_load %arg11[%swap3A_138, %swap3A_139] {strides = array<i32>} : memref<80x128xf32, #tpu.memory_space<vmem>>, vector<1x16xf32>,
      %swap3A_141 = vector.shape_cast %swap3A_140 : vector<1x16xf32> to vector<16xf32>
      %swap3A_142 = vector.shape_cast %select_n3A_137 : vector<16xf32> to vector<1x16xf32>
      tpu.vector_store %arg11[%swap3A_138, %swap3A_139], %swap3A_142 {strides = array<i32>} : memref<80x128xf32, #tpu.memory_space<vmem>>, vector<1x16xf32>,
      %get3A_143 = arith.index_cast %add3A_24 : i32 to index
      %get3A_144 = arith.constant 64 : index
      %get3A_145 = tpu.vector_load %arg7[%get3A_143, %get3A_144] {strides = array<i32>} : memref<80x128xi32, #tpu.memory_space<vmem>>, vector<1x16xi32>,
      %get3A_146 = vector.shape_cast %get3A_145 : vector<1x16xi32> to vector<16xi32>
      %get3A_147 = arith.index_cast %add3A_24 : i32 to index
      %get3A_148 = arith.constant 64 : index
      %get3A_149 = tpu.vector_load %arg8[%get3A_147, %get3A_148] {strides = array<i32>} : memref<80x128xi32, #tpu.memory_space<vmem>>, vector<1x16xi32>,
      %get3A_150 = vector.shape_cast %get3A_149 : vector<1x16xi32> to vector<16xi32>
      %ne3A_151 = arith.cmpi ne, %get3A_146, %get3A_150 : vector<16xi32>
      %jit3A_152 = arith.constant 1.000000e+00 : f32
      %jit3A_153 = arith.constant 0.000000e+00 : f32
      %broadcast_in_dim3A_154 = vector.broadcast %jit3A_152 : f32 to vector<16xf32>
      %broadcast_in_dim3A_155 = vector.broadcast %jit3A_153 : f32 to vector<16xf32>
      %select_n3A_156 = arith.select %ne3A_151, %broadcast_in_dim3A_154, %broadcast_in_dim3A_155 : vector<16xi1>, vector<16xf32>
      %swap3A_157 = arith.index_cast %add3A_24 : i32 to index
      %swap3A_158 = arith.constant 64 : index
      %swap3A_159 = tpu.vector_load %arg10[%swap3A_157, %swap3A_158] {strides = array<i32>} : memref<80x128xf32, #tpu.memory_space<vmem>>, vector<1x16xf32>,
      %swap3A_160 = vector.shape_cast %swap3A_159 : vector<1x16xf32> to vector<16xf32>
      %swap3A_161 = vector.shape_cast %select_n3A_156 : vector<16xf32> to vector<1x16xf32>
      tpu.vector_store %arg10[%swap3A_157, %swap3A_158], %swap3A_161 {strides = array<i32>} : memref<80x128xf32, #tpu.memory_space<vmem>>, vector<1x16xf32>,
      %get3A_162 = arith.index_cast %add3A_24 : i32 to index
      %get3A_163 = arith.constant 64 : index
      %get3A_164 = tpu.vector_load %arg9[%get3A_162, %get3A_163] {strides = array<i32>} : memref<80x128xf32, #tpu.memory_space<vmem>>, vector<1x16xf32>,
      %get3A_165 = vector.shape_cast %get3A_164 : vector<1x16xf32> to vector<16xf32>
      %jit3A_166 = arith.constant 0.000000e+00 : f32
      %broadcast_in_dim3A_167 = vector.broadcast %jit3A_166 : f32 to vector<16xf32>
      %select_n3A_168 = arith.select %ne3A_151, %get3A_165, %broadcast_in_dim3A_167 : vector<16xi1>, vector<16xf32>
      %swap3A_169 = arith.index_cast %add3A_24 : i32 to index
      %swap3A_170 = arith.constant 64 : index
      %swap3A_171 = tpu.vector_load %arg11[%swap3A_169, %swap3A_170] {strides = array<i32>} : memref<80x128xf32, #tpu.memory_space<vmem>>, vector<1x16xf32>,
      %swap3A_172 = vector.shape_cast %swap3A_171 : vector<1x16xf32> to vector<16xf32>
      %swap3A_173 = vector.shape_cast %select_n3A_168 : vector<16xf32> to vector<1x16xf32>
      tpu.vector_store %arg11[%swap3A_169, %swap3A_170], %swap3A_173 {strides = array<i32>} : memref<80x128xf32, #tpu.memory_space<vmem>>, vector<1x16xf32>,
      %get3A_174 = arith.index_cast %add3A_24 : i32 to index
      %get3A_175 = arith.constant 80 : index
      %get3A_176 = tpu.vector_load %arg7[%get3A_174, %get3A_175] {strides = array<i32>} : memref<80x128xi32, #tpu.memory_space<vmem>>, vector<1x16xi32>,
      %get3A_177 = vector.shape_cast %get3A_176 : vector<1x16xi32> to vector<16xi32>
      %get3A_178 = arith.index_cast %add3A_24 : i32 to index
      %get3A_179 = arith.constant 80 : index
      %get3A_180 = tpu.vector_load %arg8[%get3A_178, %get3A_179] {strides = array<i32>} : memref<80x128xi32, #tpu.memory_space<vmem>>, vector<1x16xi32>,
      %get3A_181 = vector.shape_cast %get3A_180 : vector<1x16xi32> to vector<16xi32>
      %ne3A_182 = arith.cmpi ne, %get3A_177, %get3A_181 : vector<16xi32>
      %jit3A_183 = arith.constant 1.000000e+00 : f32
      %jit3A_184 = arith.constant 0.000000e+00 : f32
      %broadcast_in_dim3A_185 = vector.broadcast %jit3A_183 : f32 to vector<16xf32>
      %broadcast_in_dim3A_186 = vector.broadcast %jit3A_184 : f32 to vector<16xf32>
      %select_n3A_187 = arith.select %ne3A_182, %broadcast_in_dim3A_185, %broadcast_in_dim3A_186 : vector<16xi1>, vector<16xf32>
      %swap3A_188 = arith.index_cast %add3A_24 : i32 to index
      %swap3A_189 = arith.constant 80 : index
      %swap3A_190 = tpu.vector_load %arg10[%swap3A_188, %swap3A_189] {strides = array<i32>} : memref<80x128xf32, #tpu.memory_space<vmem>>, vector<1x16xf32>,
      %swap3A_191 = vector.shape_cast %swap3A_190 : vector<1x16xf32> to vector<16xf32>
      %swap3A_192 = vector.shape_cast %select_n3A_187 : vector<16xf32> to vector<1x16xf32>
      tpu.vector_store %arg10[%swap3A_188, %swap3A_189], %swap3A_192 {strides = array<i32>} : memref<80x128xf32, #tpu.memory_space<vmem>>, vector<1x16xf32>,
      %get3A_193 = arith.index_cast %add3A_24 : i32 to index
      %get3A_194 = arith.constant 80 : index
      %get3A_195 = tpu.vector_load %arg9[%get3A_193, %get3A_194] {strides = array<i32>} : memref<80x128xf32, #tpu.memory_space<vmem>>, vector<1x16xf32>,
      %get3A_196 = vector.shape_cast %get3A_195 : vector<1x16xf32> to vector<16xf32>
      %jit3A_197 = arith.constant 0.000000e+00 : f32
      %broadcast_in_dim3A_198 = vector.broadcast %jit3A_197 : f32 to vector<16xf32>
      %select_n3A_199 = arith.select %ne3A_182, %get3A_196, %broadcast_in_dim3A_198 : vector<16xi1>, vector<16xf32>
      %swap3A_200 = arith.index_cast %add3A_24 : i32 to index
      %swap3A_201 = arith.constant 80 : index
      %swap3A_202 = tpu.vector_load %arg11[%swap3A_200, %swap3A_201] {strides = array<i32>} : memref<80x128xf32, #tpu.memory_space<vmem>>, vector<1x16xf32>,
      %swap3A_203 = vector.shape_cast %swap3A_202 : vector<1x16xf32> to vector<16xf32>
      %swap3A_204 = vector.shape_cast %select_n3A_199 : vector<16xf32> to vector<1x16xf32>
      tpu.vector_store %arg11[%swap3A_200, %swap3A_201], %swap3A_204 {strides = array<i32>} : memref<80x128xf32, #tpu.memory_space<vmem>>, vector<1x16xf32>,
      %get3A_205 = arith.index_cast %add3A_24 : i32 to index
      %get3A_206 = arith.constant 96 : index
      %get3A_207 = tpu.vector_load %arg7[%get3A_205, %get3A_206] {strides = array<i32>} : memref<80x128xi32, #tpu.memory_space<vmem>>, vector<1x16xi32>,
      %get3A_208 = vector.shape_cast %get3A_207 : vector<1x16xi32> to vector<16xi32>
      %get3A_209 = arith.index_cast %add3A_24 : i32 to index
      %get3A_210 = arith.constant 96 : index
      %get3A_211 = tpu.vector_load %arg8[%get3A_209, %get3A_210] {strides = array<i32>} : memref<80x128xi32, #tpu.memory_space<vmem>>, vector<1x16xi32>,
      %get3A_212 = vector.shape_cast %get3A_211 : vector<1x16xi32> to vector<16xi32>
      %ne3A_213 = arith.cmpi ne, %get3A_208, %get3A_212 : vector<16xi32>
      %jit3A_214 = arith.constant 1.000000e+00 : f32
      %jit3A_215 = arith.constant 0.000000e+00 : f32
      %broadcast_in_dim3A_216 = vector.broadcast %jit3A_214 : f32 to vector<16xf32>
      %broadcast_in_dim3A_217 = vector.broadcast %jit3A_215 : f32 to vector<16xf32>
      %select_n3A_218 = arith.select %ne3A_213, %broadcast_in_dim3A_216, %broadcast_in_dim3A_217 : vector<16xi1>, vector<16xf32>
      %swap3A_219 = arith.index_cast %add3A_24 : i32 to index
      %swap3A_220 = arith.constant 96 : index
      %swap3A_221 = tpu.vector_load %arg10[%swap3A_219, %swap3A_220] {strides = array<i32>} : memref<80x128xf32, #tpu.memory_space<vmem>>, vector<1x16xf32>,
      %swap3A_222 = vector.shape_cast %swap3A_221 : vector<1x16xf32> to vector<16xf32>
      %swap3A_223 = vector.shape_cast %select_n3A_218 : vector<16xf32> to vector<1x16xf32>
      tpu.vector_store %arg10[%swap3A_219, %swap3A_220], %swap3A_223 {strides = array<i32>} : memref<80x128xf32, #tpu.memory_space<vmem>>, vector<1x16xf32>,
      %get3A_224 = arith.index_cast %add3A_24 : i32 to index
      %get3A_225 = arith.constant 96 : index
      %get3A_226 = tpu.vector_load %arg9[%get3A_224, %get3A_225] {strides = array<i32>} : memref<80x128xf32, #tpu.memory_space<vmem>>, vector<1x16xf32>,
      %get3A_227 = vector.shape_cast %get3A_226 : vector<1x16xf32> to vector<16xf32>
      %jit3A_228 = arith.constant 0.000000e+00 : f32
      %broadcast_in_dim3A_229 = vector.broadcast %jit3A_228 : f32 to vector<16xf32>
      %select_n3A_230 = arith.select %ne3A_213, %get3A_227, %broadcast_in_dim3A_229 : vector<16xi1>, vector<16xf32>
      %swap3A_231 = arith.index_cast %add3A_24 : i32 to index
      %swap3A_232 = arith.constant 96 : index
      %swap3A_233 = tpu.vector_load %arg11[%swap3A_231, %swap3A_232] {strides = array<i32>} : memref<80x128xf32, #tpu.memory_space<vmem>>, vector<1x16xf32>,
      %swap3A_234 = vector.shape_cast %swap3A_233 : vector<1x16xf32> to vector<16xf32>
      %swap3A_235 = vector.shape_cast %select_n3A_230 : vector<16xf32> to vector<1x16xf32>
      tpu.vector_store %arg11[%swap3A_231, %swap3A_232], %swap3A_235 {strides = array<i32>} : memref<80x128xf32, #tpu.memory_space<vmem>>, vector<1x16xf32>,
      %get3A_236 = arith.index_cast %add3A_24 : i32 to index
      %get3A_237 = arith.constant 112 : index
      %get3A_238 = tpu.vector_load %arg7[%get3A_236, %get3A_237] {strides = array<i32>} : memref<80x128xi32, #tpu.memory_space<vmem>>, vector<1x16xi32>,
      %get3A_239 = vector.shape_cast %get3A_238 : vector<1x16xi32> to vector<16xi32>
      %get3A_240 = arith.index_cast %add3A_24 : i32 to index
      %get3A_241 = arith.constant 112 : index
      %get3A_242 = tpu.vector_load %arg8[%get3A_240, %get3A_241] {strides = array<i32>} : memref<80x128xi32, #tpu.memory_space<vmem>>, vector<1x16xi32>,
      %get3A_243 = vector.shape_cast %get3A_242 : vector<1x16xi32> to vector<16xi32>
      %ne3A_244 = arith.cmpi ne, %get3A_239, %get3A_243 : vector<16xi32>
      %jit3A_245 = arith.constant 1.000000e+00 : f32
      %jit3A_246 = arith.constant 0.000000e+00 : f32
      %broadcast_in_dim3A_247 = vector.broadcast %jit3A_245 : f32 to vector<16xf32>
      %broadcast_in_dim3A_248 = vector.broadcast %jit3A_246 : f32 to vector<16xf32>
      %select_n3A_249 = arith.select %ne3A_244, %broadcast_in_dim3A_247, %broadcast_in_dim3A_248 : vector<16xi1>, vector<16xf32>
      %swap3A_250 = arith.index_cast %add3A_24 : i32 to index
      %swap3A_251 = arith.constant 112 : index
      %swap3A_252 = tpu.vector_load %arg10[%swap3A_250, %swap3A_251] {strides = array<i32>} : memref<80x128xf32, #tpu.memory_space<vmem>>, vector<1x16xf32>,
      %swap3A_253 = vector.shape_cast %swap3A_252 : vector<1x16xf32> to vector<16xf32>
      %swap3A_254 = vector.shape_cast %select_n3A_249 : vector<16xf32> to vector<1x16xf32>
      tpu.vector_store %arg10[%swap3A_250, %swap3A_251], %swap3A_254 {strides = array<i32>} : memref<80x128xf32, #tpu.memory_space<vmem>>, vector<1x16xf32>,
      %get3A_255 = arith.index_cast %add3A_24 : i32 to index
      %get3A_256 = arith.constant 112 : index
      %get3A_257 = tpu.vector_load %arg9[%get3A_255, %get3A_256] {strides = array<i32>} : memref<80x128xf32, #tpu.memory_space<vmem>>, vector<1x16xf32>,
      %get3A_258 = vector.shape_cast %get3A_257 : vector<1x16xf32> to vector<16xf32>
      %jit3A_259 = arith.constant 0.000000e+00 : f32
      %broadcast_in_dim3A_260 = vector.broadcast %jit3A_259 : f32 to vector<16xf32>
      %select_n3A_261 = arith.select %ne3A_244, %get3A_258, %broadcast_in_dim3A_260 : vector<16xi1>, vector<16xf32>
      %swap3A_262 = arith.index_cast %add3A_24 : i32 to index
      %swap3A_263 = arith.constant 112 : index
      %swap3A_264 = tpu.vector_load %arg11[%swap3A_262, %swap3A_263] {strides = array<i32>} : memref<80x128xf32, #tpu.memory_space<vmem>>, vector<1x16xf32>,
      %swap3A_265 = vector.shape_cast %swap3A_264 : vector<1x16xf32> to vector<16xf32>
      %swap3A_266 = vector.shape_cast %select_n3A_261 : vector<16xf32> to vector<1x16xf32>
      tpu.vector_store %arg11[%swap3A_262, %swap3A_263], %swap3A_266 {strides = array<i32>} : memref<80x128xf32, #tpu.memory_space<vmem>>, vector<1x16xf32>,
    }
    %scan3A_11 = arith.constant 80 : i32
    %barrier3A = arith.constant 0 : index
    tpu.barrier barrier_id(%barrier3A)
    %scan3A_12 = arith.constant 0 : i32
    %scan3A_13 = arith.constant 80 : i32
    %scan3A_14 = arith.addi %scan3A_12, %scan3A_13 : i32
    %scan3A_15 = arith.constant 1 : i32
    scf.for %scan3A_20 = %scan3A_12 to %scan3A_14 step %scan3A_15  : i32 {
      %mul3A_21 = arith.constant 1 : i32
      %mul3A_22 = arith.muli %scan3A_20, %mul3A_21 : i32
      %add3A_23 = arith.constant 0 : i32
      %add3A_24 = arith.addi %add3A_23, %mul3A_22 : i32
      "tpu.region"() ({
        %run_scoped3A = tpu.sem_alloc : memref<!tpu.dma_semaphore, #tpu.memory_space<semaphore_mem>>
        %dma_start3A = arith.constant 0 : i32
        %dma_start3A_25 = tpu.memref_slice %arg10[%add3A_24, %dma_start3A] : memref<80x128xf32, #tpu.memory_space<vmem>> -> memref<1x128xf32, #tpu.memory_space<vmem>>
        %dma_start3A_26 = tpu.memref_squeeze %dma_start3A_25 : memref<1x128xf32, #tpu.memory_space<vmem>> -> memref<128xf32, #tpu.memory_space<vmem>>
        %dma_start3A_27 = arith.constant 0 : i32
        %dma_start3A_28 = tpu.memref_slice %arg7[%add3A_24, %dma_start3A_27] : memref<80x128xi32, #tpu.memory_space<vmem>> -> memref<1x128xi32, #tpu.memory_space<vmem>>
        %dma_start3A_29 = tpu.memref_squeeze %dma_start3A_28 : memref<1x128xi32, #tpu.memory_space<vmem>> -> memref<128xi32, #tpu.memory_space<vmem>>
        %dma_start3A_30 = arith.constant 0 : i32
        %dma_start3A_31 = tpu.memref_slice %arg13[%dma_start3A_30] : memref<10240xf32, #tpu.memory_space<vmem_shared>> -> memref<10240xf32, #tpu.memory_space<vmem_shared>>
        tpu.enqueue_indirect_dma source(%dma_start3A_26 : memref<128xf32, #tpu.memory_space<vmem>>) target(%dma_start3A_31 : memref<10240xf32, #tpu.memory_space<vmem_shared>>) offsets(%dma_start3A_29 : memref<128xi32, #tpu.memory_space<vmem>>) semaphore(%run_scoped3A : memref<!tpu.dma_semaphore, #tpu.memory_space<semaphore_mem>>) {add = true}
        %dma_wait3A = arith.constant 0 : i32
        %dma_wait3A_32 = tpu.memref_slice %arg10[%add3A_24, %dma_wait3A] : memref<80x128xf32, #tpu.memory_space<vmem>> -> memref<1x128xf32, #tpu.memory_space<vmem>>
        %dma_wait3A_33 = tpu.memref_squeeze %dma_wait3A_32 : memref<1x128xf32, #tpu.memory_space<vmem>> -> memref<128xf32, #tpu.memory_space<vmem>>
        %dma_wait3A_34 = arith.constant 0 : i32
        %dma_wait3A_35 = tpu.memref_slice %arg7[%add3A_24, %dma_wait3A_34] : memref<80x128xi32, #tpu.memory_space<vmem>> -> memref<1x128xi32, #tpu.memory_space<vmem>>
        %dma_wait3A_36 = tpu.memref_squeeze %dma_wait3A_35 : memref<1x128xi32, #tpu.memory_space<vmem>> -> memref<128xi32, #tpu.memory_space<vmem>>
        %dma_wait3A_37 = arith.constant 0 : i32
        %dma_wait3A_38 = tpu.memref_slice %arg13[%dma_wait3A_37] : memref<10240xf32, #tpu.memory_space<vmem_shared>> -> memref<10240xf32, #tpu.memory_space<vmem_shared>>
        tpu.wait_indirect_dma semaphore(%run_scoped3A : memref<!tpu.dma_semaphore, #tpu.memory_space<semaphore_mem>>) src(%dma_wait3A_33 : memref<128xf32, #tpu.memory_space<vmem>>) dst(%dma_wait3A_38 : memref<10240xf32, #tpu.memory_space<vmem_shared>>)
        tpu.yield
      }) : () -> ()
      "tpu.region"() ({
        %run_scoped3A = tpu.sem_alloc : memref<!tpu.dma_semaphore, #tpu.memory_space<semaphore_mem>>
        %dma_start3A = arith.constant 0 : i32
        %dma_start3A_25 = tpu.memref_slice %arg10[%add3A_24, %dma_start3A] : memref<80x128xf32, #tpu.memory_space<vmem>> -> memref<1x128xf32, #tpu.memory_space<vmem>>
        %dma_start3A_26 = tpu.memref_squeeze %dma_start3A_25 : memref<1x128xf32, #tpu.memory_space<vmem>> -> memref<128xf32, #tpu.memory_space<vmem>>
        %dma_start3A_27 = arith.constant 0 : i32
        %dma_start3A_28 = tpu.memref_slice %arg8[%add3A_24, %dma_start3A_27] : memref<80x128xi32, #tpu.memory_space<vmem>> -> memref<1x128xi32, #tpu.memory_space<vmem>>
        %dma_start3A_29 = tpu.memref_squeeze %dma_start3A_28 : memref<1x128xi32, #tpu.memory_space<vmem>> -> memref<128xi32, #tpu.memory_space<vmem>>
        %dma_start3A_30 = arith.constant 0 : i32
        %dma_start3A_31 = tpu.memref_slice %arg13[%dma_start3A_30] : memref<10240xf32, #tpu.memory_space<vmem_shared>> -> memref<10240xf32, #tpu.memory_space<vmem_shared>>
        tpu.enqueue_indirect_dma source(%dma_start3A_26 : memref<128xf32, #tpu.memory_space<vmem>>) target(%dma_start3A_31 : memref<10240xf32, #tpu.memory_space<vmem_shared>>) offsets(%dma_start3A_29 : memref<128xi32, #tpu.memory_space<vmem>>) semaphore(%run_scoped3A : memref<!tpu.dma_semaphore, #tpu.memory_space<semaphore_mem>>) {add = true}
        %dma_wait3A = arith.constant 0 : i32
        %dma_wait3A_32 = tpu.memref_slice %arg10[%add3A_24, %dma_wait3A] : memref<80x128xf32, #tpu.memory_space<vmem>> -> memref<1x128xf32, #tpu.memory_space<vmem>>
        %dma_wait3A_33 = tpu.memref_squeeze %dma_wait3A_32 : memref<1x128xf32, #tpu.memory_space<vmem>> -> memref<128xf32, #tpu.memory_space<vmem>>
        %dma_wait3A_34 = arith.constant 0 : i32
        %dma_wait3A_35 = tpu.memref_slice %arg8[%add3A_24, %dma_wait3A_34] : memref<80x128xi32, #tpu.memory_space<vmem>> -> memref<1x128xi32, #tpu.memory_space<vmem>>
        %dma_wait3A_36 = tpu.memref_squeeze %dma_wait3A_35 : memref<1x128xi32, #tpu.memory_space<vmem>> -> memref<128xi32, #tpu.memory_space<vmem>>
        %dma_wait3A_37 = arith.constant 0 : i32
        %dma_wait3A_38 = tpu.memref_slice %arg13[%dma_wait3A_37] : memref<10240xf32, #tpu.memory_space<vmem_shared>> -> memref<10240xf32, #tpu.memory_space<vmem_shared>>
        tpu.wait_indirect_dma semaphore(%run_scoped3A : memref<!tpu.dma_semaphore, #tpu.memory_space<semaphore_mem>>) src(%dma_wait3A_33 : memref<128xf32, #tpu.memory_space<vmem>>) dst(%dma_wait3A_38 : memref<10240xf32, #tpu.memory_space<vmem_shared>>)
        tpu.yield
      }) : () -> ()
    }
    %scan3A_16 = arith.constant 80 : i32
    %barrier3A_17 = arith.constant 0 : index
    tpu.barrier barrier_id(%barrier3A_17)
    %mul3A_18 = arith.constant 640 : i32
    %mul3A_19 = arith.muli %arg1, %mul3A_18 : i32
    "tpu.region"() ({
      %run_scoped3A = tpu.sem_alloc : memref<!tpu.dma_semaphore, #tpu.memory_space<semaphore_mem>>
      %dma_start3A = arith.constant 0 : i32
      %dma_start3A_20 = tpu.memref_slice %arg5[%arg0, %dma_start3A] : memref<2x10240xf32, #tpu.memory_space<hbm>> -> memref<1x10240xf32, #tpu.memory_space<hbm>>
      %dma_start3A_21 = tpu.memref_squeeze %dma_start3A_20 : memref<1x10240xf32, #tpu.memory_space<hbm>> -> memref<10240xf32, #tpu.memory_space<hbm>>
      %dma_start3A_22 = tpu.memref_slice %dma_start3A_21[%mul3A_19] : memref<10240xf32, #tpu.memory_space<hbm>> -> memref<640xf32, #tpu.memory_space<hbm>>
      %dma_start3A_23 = tpu.memref_slice %arg13[%mul3A_19] : memref<10240xf32, #tpu.memory_space<vmem_shared>> -> memref<640xf32, #tpu.memory_space<vmem_shared>>
      tpu.enqueue_dma source(%dma_start3A_23 : memref<640xf32, #tpu.memory_space<vmem_shared>>) target(%dma_start3A_22 : memref<640xf32, #tpu.memory_space<hbm>>) target_semaphore(%run_scoped3A : memref<!tpu.dma_semaphore, #tpu.memory_space<semaphore_mem>>)
      %dma_wait3A = arith.constant 0 : i32
      %dma_wait3A_24 = tpu.memref_slice %arg5[%arg0, %dma_wait3A] : memref<2x10240xf32, #tpu.memory_space<hbm>> -> memref<1x10240xf32, #tpu.memory_space<hbm>>
      %dma_wait3A_25 = tpu.memref_squeeze %dma_wait3A_24 : memref<1x10240xf32, #tpu.memory_space<hbm>> -> memref<10240xf32, #tpu.memory_space<hbm>>
      %dma_wait3A_26 = tpu.memref_slice %dma_wait3A_25[%mul3A_19] : memref<10240xf32, #tpu.memory_space<hbm>> -> memref<640xf32, #tpu.memory_space<hbm>>
      %dma_wait3A_27 = tpu.memref_slice %arg13[%mul3A_19] : memref<10240xf32, #tpu.memory_space<vmem_shared>> -> memref<640xf32, #tpu.memory_space<vmem_shared>>
      tpu.wait_dma2 semaphore(%run_scoped3A : memref<!tpu.dma_semaphore, #tpu.memory_space<semaphore_mem>>) src(%dma_wait3A_27 : memref<640xf32, #tpu.memory_space<vmem_shared>>) dst(%dma_wait3A_26 : memref<640xf32, #tpu.memory_space<hbm>>)
      tpu.yield
    }) : () -> ()
    "tpu.region"() ({
      %run_scoped3A = tpu.sem_alloc : memref<!tpu.dma_semaphore, #tpu.memory_space<semaphore_mem>>
      %dma_start3A = arith.constant 0 : i32
      %dma_start3A_20 = arith.constant 0 : i32
      %dma_start3A_21 = tpu.memref_slice %arg6[%add3A, %dma_start3A, %dma_start3A_20] : memref<32x80x128xf32, #tpu.memory_space<hbm>> -> memref<1x80x128xf32, #tpu.memory_space<hbm>>
      %dma_start3A_22 = tpu.memref_squeeze %dma_start3A_21 : memref<1x80x128xf32, #tpu.memory_space<hbm>> -> memref<80x128xf32, #tpu.memory_space<hbm>>
      %dma_start3A_23 = arith.constant 0 : i32
      %dma_start3A_24 = arith.constant 0 : i32
      %dma_start3A_25 = tpu.memref_slice %arg6[%add3A, %dma_start3A_23, %dma_start3A_24] : memref<32x80x128xf32, #tpu.memory_space<hbm>> -> memref<1x80x128xf32, #tpu.memory_space<hbm>>
      %dma_start3A_26 = tpu.memref_squeeze %dma_start3A_25 : memref<1x80x128xf32, #tpu.memory_space<hbm>> -> memref<80x128xf32, #tpu.memory_space<hbm>>
      tpu.enqueue_dma source(%arg11 : memref<80x128xf32, #tpu.memory_space<vmem>>) target(%dma_start3A_26 : memref<80x128xf32, #tpu.memory_space<hbm>>) target_semaphore(%run_scoped3A : memref<!tpu.dma_semaphore, #tpu.memory_space<semaphore_mem>>)
      %dma_wait3A = arith.constant 0 : i32
      %dma_wait3A_27 = arith.constant 0 : i32
      %dma_wait3A_28 = tpu.memref_slice %arg6[%add3A, %dma_wait3A, %dma_wait3A_27] : memref<32x80x128xf32, #tpu.memory_space<hbm>> -> memref<1x80x128xf32, #tpu.memory_space<hbm>>
      %dma_wait3A_29 = tpu.memref_squeeze %dma_wait3A_28 : memref<1x80x128xf32, #tpu.memory_space<hbm>> -> memref<80x128xf32, #tpu.memory_space<hbm>>
      %dma_wait3A_30 = arith.constant 0 : i32
      %dma_wait3A_31 = arith.constant 0 : i32
      %dma_wait3A_32 = tpu.memref_slice %arg6[%add3A, %dma_wait3A_30, %dma_wait3A_31] : memref<32x80x128xf32, #tpu.memory_space<hbm>> -> memref<1x80x128xf32, #tpu.memory_space<hbm>>
      %dma_wait3A_33 = tpu.memref_squeeze %dma_wait3A_32 : memref<1x80x128xf32, #tpu.memory_space<hbm>> -> memref<80x128xf32, #tpu.memory_space<hbm>>
      tpu.wait_dma2 semaphore(%run_scoped3A : memref<!tpu.dma_semaphore, #tpu.memory_space<semaphore_mem>>) src(%arg11 : memref<80x128xf32, #tpu.memory_space<vmem>>) dst(%dma_wait3A_33 : memref<80x128xf32, #tpu.memory_space<hbm>>)
      tpu.yield
    }) : () -> ()
    return
  }
}

#map = affine_map<(d0, d1) -> (0, 0, 0)>
#map1 = affine_map<(d0, d1) -> (0, 0)>
module attributes {stable_mosaic.version = 14 : i64} {
  func.func @_edge_pass_kernel(%arg0: i32, %arg1: i32, %arg2: memref<32x160x64xi32, #tpu.memory_space<hbm>>, %arg3: memref<32x160x64xi32, #tpu.memory_space<hbm>>, %arg4: memref<32x160x64xf32, #tpu.memory_space<hbm>>, %arg5: memref<2x10240xf32, #tpu.memory_space<hbm>>, %arg6: memref<10240x128xf32, #tpu.memory_space<hbm>>, %arg7: memref<2x10240x128xf32, #tpu.memory_space<hbm>>, %arg8: memref<2x10240xf32, #tpu.memory_space<hbm>>, %arg9: memref<32x64xi32, #tpu.memory_space<vmem>>, %arg10: memref<32x64xi32, #tpu.memory_space<vmem>>, %arg11: memref<32x64xf32, #tpu.memory_space<vmem>>, %arg12: memref<64x128xf32, #tpu.memory_space<vmem>>, %arg13: memref<64x128xf32, #tpu.memory_space<vmem>>, %arg14: memref<10240xf32, #tpu.memory_space<vmem>>, %arg15: memref<10240x128xf32, #tpu.memory_space<vmem_shared>>, %arg16: memref<!tpu.dma_semaphore, #tpu.memory_space<semaphore_mem>>, %arg17: memref<!tpu.dma_semaphore, #tpu.memory_space<semaphore_mem>>) attributes {dimension_semantics = [#tpu.dimension_semantics<core_parallel>, #tpu.dimension_semantics<subcore_parallel>], iteration_bounds = array<i64: 2, 16>, scalar_prefetch = 0 : i64, scratch_operands = 9 : i64, tpu.core_type = #tpu.core_type<sc_vector_subcore>, window_params = [{transform_indices = #map}, {transform_indices = #map}, {transform_indices = #map}, {transform_indices = #map1}, {transform_indices = #map1}, {transform_indices = #map}, {transform_indices = #map1}]} {
    %mul3A = arith.constant 16 : i32
    %mul3A_0 = arith.muli %arg0, %mul3A : i32
    %add3A = arith.addi %mul3A_0, %arg1 : i32
    %mul3A_1 = arith.constant 640 : i32
    %mul3A_2 = arith.muli %arg1, %mul3A_1 : i32
    %scan3A = arith.constant 0 : i32
    %scan3A_3 = arith.constant 8 : i32
    %scan3A_4 = arith.addi %scan3A, %scan3A_3 : i32
    %scan3A_5 = arith.constant 1 : i32
    scf.for %scan3A_26 = %scan3A to %scan3A_4 step %scan3A_5  : i32 {
      %mul3A_27 = arith.constant 8 : i32
      %mul3A_28 = arith.muli %scan3A_26, %mul3A_27 : i32
      %add3A_29 = arith.constant 0 : i32
      %add3A_30 = arith.addi %add3A_29, %mul3A_28 : i32
      %broadcast_in_dim3A = arith.constant 0.000000e+00 : f32
      %broadcast_in_dim3A_31 = vector.broadcast %broadcast_in_dim3A : f32 to vector<16xf32>
      %add3A_32 = arith.constant 0 : i32
      %add3A_33 = arith.addi %add3A_30, %add3A_32 : i32
      %swap3A = arith.index_cast %add3A_33 : i32 to index
      %swap3A_34 = arith.constant 0 : index
      %swap3A_35 = tpu.vector_load %arg12[%swap3A, %swap3A_34] {strides = array<i32>} : memref<64x128xf32, #tpu.memory_space<vmem>>, vector<16xf32>,
      tpu.vector_store %arg12[%swap3A, %swap3A_34], %broadcast_in_dim3A_31 {strides = array<i32>} : memref<64x128xf32, #tpu.memory_space<vmem>>, vector<16xf32>,
      %broadcast_in_dim3A_36 = arith.constant 0.000000e+00 : f32
      %broadcast_in_dim3A_37 = vector.broadcast %broadcast_in_dim3A_36 : f32 to vector<16xf32>
      %add3A_38 = arith.constant 0 : i32
      %add3A_39 = arith.addi %add3A_30, %add3A_38 : i32
      %swap3A_40 = arith.index_cast %add3A_39 : i32 to index
      %swap3A_41 = arith.constant 16 : index
      %swap3A_42 = tpu.vector_load %arg12[%swap3A_40, %swap3A_41] {strides = array<i32>} : memref<64x128xf32, #tpu.memory_space<vmem>>, vector<16xf32>,
      tpu.vector_store %arg12[%swap3A_40, %swap3A_41], %broadcast_in_dim3A_37 {strides = array<i32>} : memref<64x128xf32, #tpu.memory_space<vmem>>, vector<16xf32>,
      %broadcast_in_dim3A_43 = arith.constant 0.000000e+00 : f32
      %broadcast_in_dim3A_44 = vector.broadcast %broadcast_in_dim3A_43 : f32 to vector<16xf32>
      %add3A_45 = arith.constant 0 : i32
      %add3A_46 = arith.addi %add3A_30, %add3A_45 : i32
      %swap3A_47 = arith.index_cast %add3A_46 : i32 to index
      %swap3A_48 = arith.constant 32 : index
      %swap3A_49 = tpu.vector_load %arg12[%swap3A_47, %swap3A_48] {strides = array<i32>} : memref<64x128xf32, #tpu.memory_space<vmem>>, vector<16xf32>,
      tpu.vector_store %arg12[%swap3A_47, %swap3A_48], %broadcast_in_dim3A_44 {strides = array<i32>} : memref<64x128xf32, #tpu.memory_space<vmem>>, vector<16xf32>,
      %broadcast_in_dim3A_50 = arith.constant 0.000000e+00 : f32
      %broadcast_in_dim3A_51 = vector.broadcast %broadcast_in_dim3A_50 : f32 to vector<16xf32>
      %add3A_52 = arith.constant 0 : i32
      %add3A_53 = arith.addi %add3A_30, %add3A_52 : i32
      %swap3A_54 = arith.index_cast %add3A_53 : i32 to index
      %swap3A_55 = arith.constant 48 : index
      %swap3A_56 = tpu.vector_load %arg12[%swap3A_54, %swap3A_55] {strides = array<i32>} : memref<64x128xf32, #tpu.memory_space<vmem>>, vector<16xf32>,
      tpu.vector_store %arg12[%swap3A_54, %swap3A_55], %broadcast_in_dim3A_51 {strides = array<i32>} : memref<64x128xf32, #tpu.memory_space<vmem>>, vector<16xf32>,
      %broadcast_in_dim3A_57 = arith.constant 0.000000e+00 : f32
      %broadcast_in_dim3A_58 = vector.broadcast %broadcast_in_dim3A_57 : f32 to vector<16xf32>
      %add3A_59 = arith.constant 0 : i32
      %add3A_60 = arith.addi %add3A_30, %add3A_59 : i32
      %swap3A_61 = arith.index_cast %add3A_60 : i32 to index
      %swap3A_62 = arith.constant 64 : index
      %swap3A_63 = tpu.vector_load %arg12[%swap3A_61, %swap3A_62] {strides = array<i32>} : memref<64x128xf32, #tpu.memory_space<vmem>>, vector<16xf32>,
      tpu.vector_store %arg12[%swap3A_61, %swap3A_62], %broadcast_in_dim3A_58 {strides = array<i32>} : memref<64x128xf32, #tpu.memory_space<vmem>>, vector<16xf32>,
      %broadcast_in_dim3A_64 = arith.constant 0.000000e+00 : f32
      %broadcast_in_dim3A_65 = vector.broadcast %broadcast_in_dim3A_64 : f32 to vector<16xf32>
      %add3A_66 = arith.constant 0 : i32
      %add3A_67 = arith.addi %add3A_30, %add3A_66 : i32
      %swap3A_68 = arith.index_cast %add3A_67 : i32 to index
      %swap3A_69 = arith.constant 80 : index
      %swap3A_70 = tpu.vector_load %arg12[%swap3A_68, %swap3A_69] {strides = array<i32>} : memref<64x128xf32, #tpu.memory_space<vmem>>, vector<16xf32>,
      tpu.vector_store %arg12[%swap3A_68, %swap3A_69], %broadcast_in_dim3A_65 {strides = array<i32>} : memref<64x128xf32, #tpu.memory_space<vmem>>, vector<16xf32>,
      %broadcast_in_dim3A_71 = arith.constant 0.000000e+00 : f32
      %broadcast_in_dim3A_72 = vector.broadcast %broadcast_in_dim3A_71 : f32 to vector<16xf32>
      %add3A_73 = arith.constant 0 : i32
      %add3A_74 = arith.addi %add3A_30, %add3A_73 : i32
      %swap3A_75 = arith.index_cast %add3A_74 : i32 to index
      %swap3A_76 = arith.constant 96 : index
      %swap3A_77 = tpu.vector_load %arg12[%swap3A_75, %swap3A_76] {strides = array<i32>} : memref<64x128xf32, #tpu.memory_space<vmem>>, vector<16xf32>,
      tpu.vector_store %arg12[%swap3A_75, %swap3A_76], %broadcast_in_dim3A_72 {strides = array<i32>} : memref<64x128xf32, #tpu.memory_space<vmem>>, vector<16xf32>,
      %broadcast_in_dim3A_78 = arith.constant 0.000000e+00 : f32
      %broadcast_in_dim3A_79 = vector.broadcast %broadcast_in_dim3A_78 : f32 to vector<16xf32>
      %add3A_80 = arith.constant 0 : i32
      %add3A_81 = arith.addi %add3A_30, %add3A_80 : i32
      %swap3A_82 = arith.index_cast %add3A_81 : i32 to index
      %swap3A_83 = arith.constant 112 : index
      %swap3A_84 = tpu.vector_load %arg12[%swap3A_82, %swap3A_83] {strides = array<i32>} : memref<64x128xf32, #tpu.memory_space<vmem>>, vector<16xf32>,
      tpu.vector_store %arg12[%swap3A_82, %swap3A_83], %broadcast_in_dim3A_79 {strides = array<i32>} : memref<64x128xf32, #tpu.memory_space<vmem>>, vector<16xf32>,
      %broadcast_in_dim3A_85 = arith.constant 0.000000e+00 : f32
      %broadcast_in_dim3A_86 = vector.broadcast %broadcast_in_dim3A_85 : f32 to vector<16xf32>
      %add3A_87 = arith.constant 1 : i32
      %add3A_88 = arith.addi %add3A_30, %add3A_87 : i32
      %swap3A_89 = arith.index_cast %add3A_88 : i32 to index
      %swap3A_90 = arith.constant 0 : index
      %swap3A_91 = tpu.vector_load %arg12[%swap3A_89, %swap3A_90] {strides = array<i32>} : memref<64x128xf32, #tpu.memory_space<vmem>>, vector<16xf32>,
      tpu.vector_store %arg12[%swap3A_89, %swap3A_90], %broadcast_in_dim3A_86 {strides = array<i32>} : memref<64x128xf32, #tpu.memory_space<vmem>>, vector<16xf32>,
      %broadcast_in_dim3A_92 = arith.constant 0.000000e+00 : f32
      %broadcast_in_dim3A_93 = vector.broadcast %broadcast_in_dim3A_92 : f32 to vector<16xf32>
      %add3A_94 = arith.constant 1 : i32
      %add3A_95 = arith.addi %add3A_30, %add3A_94 : i32
      %swap3A_96 = arith.index_cast %add3A_95 : i32 to index
      %swap3A_97 = arith.constant 16 : index
      %swap3A_98 = tpu.vector_load %arg12[%swap3A_96, %swap3A_97] {strides = array<i32>} : memref<64x128xf32, #tpu.memory_space<vmem>>, vector<16xf32>,
      tpu.vector_store %arg12[%swap3A_96, %swap3A_97], %broadcast_in_dim3A_93 {strides = array<i32>} : memref<64x128xf32, #tpu.memory_space<vmem>>, vector<16xf32>,
      %broadcast_in_dim3A_99 = arith.constant 0.000000e+00 : f32
      %broadcast_in_dim3A_100 = vector.broadcast %broadcast_in_dim3A_99 : f32 to vector<16xf32>
      %add3A_101 = arith.constant 1 : i32
      %add3A_102 = arith.addi %add3A_30, %add3A_101 : i32
      %swap3A_103 = arith.index_cast %add3A_102 : i32 to index
      %swap3A_104 = arith.constant 32 : index
      %swap3A_105 = tpu.vector_load %arg12[%swap3A_103, %swap3A_104] {strides = array<i32>} : memref<64x128xf32, #tpu.memory_space<vmem>>, vector<16xf32>,
      tpu.vector_store %arg12[%swap3A_103, %swap3A_104], %broadcast_in_dim3A_100 {strides = array<i32>} : memref<64x128xf32, #tpu.memory_space<vmem>>, vector<16xf32>,
      %broadcast_in_dim3A_106 = arith.constant 0.000000e+00 : f32
      %broadcast_in_dim3A_107 = vector.broadcast %broadcast_in_dim3A_106 : f32 to vector<16xf32>
      %add3A_108 = arith.constant 1 : i32
      %add3A_109 = arith.addi %add3A_30, %add3A_108 : i32
      %swap3A_110 = arith.index_cast %add3A_109 : i32 to index
      %swap3A_111 = arith.constant 48 : index
      %swap3A_112 = tpu.vector_load %arg12[%swap3A_110, %swap3A_111] {strides = array<i32>} : memref<64x128xf32, #tpu.memory_space<vmem>>, vector<16xf32>,
      tpu.vector_store %arg12[%swap3A_110, %swap3A_111], %broadcast_in_dim3A_107 {strides = array<i32>} : memref<64x128xf32, #tpu.memory_space<vmem>>, vector<16xf32>,
      %broadcast_in_dim3A_113 = arith.constant 0.000000e+00 : f32
      %broadcast_in_dim3A_114 = vector.broadcast %broadcast_in_dim3A_113 : f32 to vector<16xf32>
      %add3A_115 = arith.constant 1 : i32
      %add3A_116 = arith.addi %add3A_30, %add3A_115 : i32
      %swap3A_117 = arith.index_cast %add3A_116 : i32 to index
      %swap3A_118 = arith.constant 64 : index
      %swap3A_119 = tpu.vector_load %arg12[%swap3A_117, %swap3A_118] {strides = array<i32>} : memref<64x128xf32, #tpu.memory_space<vmem>>, vector<16xf32>,
      tpu.vector_store %arg12[%swap3A_117, %swap3A_118], %broadcast_in_dim3A_114 {strides = array<i32>} : memref<64x128xf32, #tpu.memory_space<vmem>>, vector<16xf32>,
      %broadcast_in_dim3A_120 = arith.constant 0.000000e+00 : f32
      %broadcast_in_dim3A_121 = vector.broadcast %broadcast_in_dim3A_120 : f32 to vector<16xf32>
      %add3A_122 = arith.constant 1 : i32
      %add3A_123 = arith.addi %add3A_30, %add3A_122 : i32
      %swap3A_124 = arith.index_cast %add3A_123 : i32 to index
      %swap3A_125 = arith.constant 80 : index
      %swap3A_126 = tpu.vector_load %arg12[%swap3A_124, %swap3A_125] {strides = array<i32>} : memref<64x128xf32, #tpu.memory_space<vmem>>, vector<16xf32>,
      tpu.vector_store %arg12[%swap3A_124, %swap3A_125], %broadcast_in_dim3A_121 {strides = array<i32>} : memref<64x128xf32, #tpu.memory_space<vmem>>, vector<16xf32>,
      %broadcast_in_dim3A_127 = arith.constant 0.000000e+00 : f32
      %broadcast_in_dim3A_128 = vector.broadcast %broadcast_in_dim3A_127 : f32 to vector<16xf32>
      %add3A_129 = arith.constant 1 : i32
      %add3A_130 = arith.addi %add3A_30, %add3A_129 : i32
      %swap3A_131 = arith.index_cast %add3A_130 : i32 to index
      %swap3A_132 = arith.constant 96 : index
      %swap3A_133 = tpu.vector_load %arg12[%swap3A_131, %swap3A_132] {strides = array<i32>} : memref<64x128xf32, #tpu.memory_space<vmem>>, vector<16xf32>,
      tpu.vector_store %arg12[%swap3A_131, %swap3A_132], %broadcast_in_dim3A_128 {strides = array<i32>} : memref<64x128xf32, #tpu.memory_space<vmem>>, vector<16xf32>,
      %broadcast_in_dim3A_134 = arith.constant 0.000000e+00 : f32
      %broadcast_in_dim3A_135 = vector.broadcast %broadcast_in_dim3A_134 : f32 to vector<16xf32>
      %add3A_136 = arith.constant 1 : i32
      %add3A_137 = arith.addi %add3A_30, %add3A_136 : i32
      %swap3A_138 = arith.index_cast %add3A_137 : i32 to index
      %swap3A_139 = arith.constant 112 : index
      %swap3A_140 = tpu.vector_load %arg12[%swap3A_138, %swap3A_139] {strides = array<i32>} : memref<64x128xf32, #tpu.memory_space<vmem>>, vector<16xf32>,
      tpu.vector_store %arg12[%swap3A_138, %swap3A_139], %broadcast_in_dim3A_135 {strides = array<i32>} : memref<64x128xf32, #tpu.memory_space<vmem>>, vector<16xf32>,
      %broadcast_in_dim3A_141 = arith.constant 0.000000e+00 : f32
      %broadcast_in_dim3A_142 = vector.broadcast %broadcast_in_dim3A_141 : f32 to vector<16xf32>
      %add3A_143 = arith.constant 2 : i32
      %add3A_144 = arith.addi %add3A_30, %add3A_143 : i32
      %swap3A_145 = arith.index_cast %add3A_144 : i32 to index
      %swap3A_146 = arith.constant 0 : index
      %swap3A_147 = tpu.vector_load %arg12[%swap3A_145, %swap3A_146] {strides = array<i32>} : memref<64x128xf32, #tpu.memory_space<vmem>>, vector<16xf32>,
      tpu.vector_store %arg12[%swap3A_145, %swap3A_146], %broadcast_in_dim3A_142 {strides = array<i32>} : memref<64x128xf32, #tpu.memory_space<vmem>>, vector<16xf32>,
      %broadcast_in_dim3A_148 = arith.constant 0.000000e+00 : f32
      %broadcast_in_dim3A_149 = vector.broadcast %broadcast_in_dim3A_148 : f32 to vector<16xf32>
      %add3A_150 = arith.constant 2 : i32
      %add3A_151 = arith.addi %add3A_30, %add3A_150 : i32
      %swap3A_152 = arith.index_cast %add3A_151 : i32 to index
      %swap3A_153 = arith.constant 16 : index
      %swap3A_154 = tpu.vector_load %arg12[%swap3A_152, %swap3A_153] {strides = array<i32>} : memref<64x128xf32, #tpu.memory_space<vmem>>, vector<16xf32>,
      tpu.vector_store %arg12[%swap3A_152, %swap3A_153], %broadcast_in_dim3A_149 {strides = array<i32>} : memref<64x128xf32, #tpu.memory_space<vmem>>, vector<16xf32>,
      %broadcast_in_dim3A_155 = arith.constant 0.000000e+00 : f32
      %broadcast_in_dim3A_156 = vector.broadcast %broadcast_in_dim3A_155 : f32 to vector<16xf32>
      %add3A_157 = arith.constant 2 : i32
      %add3A_158 = arith.addi %add3A_30, %add3A_157 : i32
      %swap3A_159 = arith.index_cast %add3A_158 : i32 to index
      %swap3A_160 = arith.constant 32 : index
      %swap3A_161 = tpu.vector_load %arg12[%swap3A_159, %swap3A_160] {strides = array<i32>} : memref<64x128xf32, #tpu.memory_space<vmem>>, vector<16xf32>,
      tpu.vector_store %arg12[%swap3A_159, %swap3A_160], %broadcast_in_dim3A_156 {strides = array<i32>} : memref<64x128xf32, #tpu.memory_space<vmem>>, vector<16xf32>,
      %broadcast_in_dim3A_162 = arith.constant 0.000000e+00 : f32
      %broadcast_in_dim3A_163 = vector.broadcast %broadcast_in_dim3A_162 : f32 to vector<16xf32>
      %add3A_164 = arith.constant 2 : i32
      %add3A_165 = arith.addi %add3A_30, %add3A_164 : i32
      %swap3A_166 = arith.index_cast %add3A_165 : i32 to index
      %swap3A_167 = arith.constant 48 : index
      %swap3A_168 = tpu.vector_load %arg12[%swap3A_166, %swap3A_167] {strides = array<i32>} : memref<64x128xf32, #tpu.memory_space<vmem>>, vector<16xf32>,
      tpu.vector_store %arg12[%swap3A_166, %swap3A_167], %broadcast_in_dim3A_163 {strides = array<i32>} : memref<64x128xf32, #tpu.memory_space<vmem>>, vector<16xf32>,
      %broadcast_in_dim3A_169 = arith.constant 0.000000e+00 : f32
      %broadcast_in_dim3A_170 = vector.broadcast %broadcast_in_dim3A_169 : f32 to vector<16xf32>
      %add3A_171 = arith.constant 2 : i32
      %add3A_172 = arith.addi %add3A_30, %add3A_171 : i32
      %swap3A_173 = arith.index_cast %add3A_172 : i32 to index
      %swap3A_174 = arith.constant 64 : index
      %swap3A_175 = tpu.vector_load %arg12[%swap3A_173, %swap3A_174] {strides = array<i32>} : memref<64x128xf32, #tpu.memory_space<vmem>>, vector<16xf32>,
      tpu.vector_store %arg12[%swap3A_173, %swap3A_174], %broadcast_in_dim3A_170 {strides = array<i32>} : memref<64x128xf32, #tpu.memory_space<vmem>>, vector<16xf32>,
      %broadcast_in_dim3A_176 = arith.constant 0.000000e+00 : f32
      %broadcast_in_dim3A_177 = vector.broadcast %broadcast_in_dim3A_176 : f32 to vector<16xf32>
      %add3A_178 = arith.constant 2 : i32
      %add3A_179 = arith.addi %add3A_30, %add3A_178 : i32
      %swap3A_180 = arith.index_cast %add3A_179 : i32 to index
      %swap3A_181 = arith.constant 80 : index
      %swap3A_182 = tpu.vector_load %arg12[%swap3A_180, %swap3A_181] {strides = array<i32>} : memref<64x128xf32, #tpu.memory_space<vmem>>, vector<16xf32>,
      tpu.vector_store %arg12[%swap3A_180, %swap3A_181], %broadcast_in_dim3A_177 {strides = array<i32>} : memref<64x128xf32, #tpu.memory_space<vmem>>, vector<16xf32>,
      %broadcast_in_dim3A_183 = arith.constant 0.000000e+00 : f32
      %broadcast_in_dim3A_184 = vector.broadcast %broadcast_in_dim3A_183 : f32 to vector<16xf32>
      %add3A_185 = arith.constant 2 : i32
      %add3A_186 = arith.addi %add3A_30, %add3A_185 : i32
      %swap3A_187 = arith.index_cast %add3A_186 : i32 to index
      %swap3A_188 = arith.constant 96 : index
      %swap3A_189 = tpu.vector_load %arg12[%swap3A_187, %swap3A_188] {strides = array<i32>} : memref<64x128xf32, #tpu.memory_space<vmem>>, vector<16xf32>,
      tpu.vector_store %arg12[%swap3A_187, %swap3A_188], %broadcast_in_dim3A_184 {strides = array<i32>} : memref<64x128xf32, #tpu.memory_space<vmem>>, vector<16xf32>,
      %broadcast_in_dim3A_190 = arith.constant 0.000000e+00 : f32
      %broadcast_in_dim3A_191 = vector.broadcast %broadcast_in_dim3A_190 : f32 to vector<16xf32>
      %add3A_192 = arith.constant 2 : i32
      %add3A_193 = arith.addi %add3A_30, %add3A_192 : i32
      %swap3A_194 = arith.index_cast %add3A_193 : i32 to index
      %swap3A_195 = arith.constant 112 : index
      %swap3A_196 = tpu.vector_load %arg12[%swap3A_194, %swap3A_195] {strides = array<i32>} : memref<64x128xf32, #tpu.memory_space<vmem>>, vector<16xf32>,
      tpu.vector_store %arg12[%swap3A_194, %swap3A_195], %broadcast_in_dim3A_191 {strides = array<i32>} : memref<64x128xf32, #tpu.memory_space<vmem>>, vector<16xf32>,
      %broadcast_in_dim3A_197 = arith.constant 0.000000e+00 : f32
      %broadcast_in_dim3A_198 = vector.broadcast %broadcast_in_dim3A_197 : f32 to vector<16xf32>
      %add3A_199 = arith.constant 3 : i32
      %add3A_200 = arith.addi %add3A_30, %add3A_199 : i32
      %swap3A_201 = arith.index_cast %add3A_200 : i32 to index
      %swap3A_202 = arith.constant 0 : index
      %swap3A_203 = tpu.vector_load %arg12[%swap3A_201, %swap3A_202] {strides = array<i32>} : memref<64x128xf32, #tpu.memory_space<vmem>>, vector<16xf32>,
      tpu.vector_store %arg12[%swap3A_201, %swap3A_202], %broadcast_in_dim3A_198 {strides = array<i32>} : memref<64x128xf32, #tpu.memory_space<vmem>>, vector<16xf32>,
      %broadcast_in_dim3A_204 = arith.constant 0.000000e+00 : f32
      %broadcast_in_dim3A_205 = vector.broadcast %broadcast_in_dim3A_204 : f32 to vector<16xf32>
      %add3A_206 = arith.constant 3 : i32
      %add3A_207 = arith.addi %add3A_30, %add3A_206 : i32
      %swap3A_208 = arith.index_cast %add3A_207 : i32 to index
      %swap3A_209 = arith.constant 16 : index
      %swap3A_210 = tpu.vector_load %arg12[%swap3A_208, %swap3A_209] {strides = array<i32>} : memref<64x128xf32, #tpu.memory_space<vmem>>, vector<16xf32>,
      tpu.vector_store %arg12[%swap3A_208, %swap3A_209], %broadcast_in_dim3A_205 {strides = array<i32>} : memref<64x128xf32, #tpu.memory_space<vmem>>, vector<16xf32>,
      %broadcast_in_dim3A_211 = arith.constant 0.000000e+00 : f32
      %broadcast_in_dim3A_212 = vector.broadcast %broadcast_in_dim3A_211 : f32 to vector<16xf32>
      %add3A_213 = arith.constant 3 : i32
      %add3A_214 = arith.addi %add3A_30, %add3A_213 : i32
      %swap3A_215 = arith.index_cast %add3A_214 : i32 to index
      %swap3A_216 = arith.constant 32 : index
      %swap3A_217 = tpu.vector_load %arg12[%swap3A_215, %swap3A_216] {strides = array<i32>} : memref<64x128xf32, #tpu.memory_space<vmem>>, vector<16xf32>,
      tpu.vector_store %arg12[%swap3A_215, %swap3A_216], %broadcast_in_dim3A_212 {strides = array<i32>} : memref<64x128xf32, #tpu.memory_space<vmem>>, vector<16xf32>,
      %broadcast_in_dim3A_218 = arith.constant 0.000000e+00 : f32
      %broadcast_in_dim3A_219 = vector.broadcast %broadcast_in_dim3A_218 : f32 to vector<16xf32>
      %add3A_220 = arith.constant 3 : i32
      %add3A_221 = arith.addi %add3A_30, %add3A_220 : i32
      %swap3A_222 = arith.index_cast %add3A_221 : i32 to index
      %swap3A_223 = arith.constant 48 : index
      %swap3A_224 = tpu.vector_load %arg12[%swap3A_222, %swap3A_223] {strides = array<i32>} : memref<64x128xf32, #tpu.memory_space<vmem>>, vector<16xf32>,
      tpu.vector_store %arg12[%swap3A_222, %swap3A_223], %broadcast_in_dim3A_219 {strides = array<i32>} : memref<64x128xf32, #tpu.memory_space<vmem>>, vector<16xf32>,
      %broadcast_in_dim3A_225 = arith.constant 0.000000e+00 : f32
      %broadcast_in_dim3A_226 = vector.broadcast %broadcast_in_dim3A_225 : f32 to vector<16xf32>
      %add3A_227 = arith.constant 3 : i32
      %add3A_228 = arith.addi %add3A_30, %add3A_227 : i32
      %swap3A_229 = arith.index_cast %add3A_228 : i32 to index
      %swap3A_230 = arith.constant 64 : index
      %swap3A_231 = tpu.vector_load %arg12[%swap3A_229, %swap3A_230] {strides = array<i32>} : memref<64x128xf32, #tpu.memory_space<vmem>>, vector<16xf32>,
      tpu.vector_store %arg12[%swap3A_229, %swap3A_230], %broadcast_in_dim3A_226 {strides = array<i32>} : memref<64x128xf32, #tpu.memory_space<vmem>>, vector<16xf32>,
      %broadcast_in_dim3A_232 = arith.constant 0.000000e+00 : f32
      %broadcast_in_dim3A_233 = vector.broadcast %broadcast_in_dim3A_232 : f32 to vector<16xf32>
      %add3A_234 = arith.constant 3 : i32
      %add3A_235 = arith.addi %add3A_30, %add3A_234 : i32
      %swap3A_236 = arith.index_cast %add3A_235 : i32 to index
      %swap3A_237 = arith.constant 80 : index
      %swap3A_238 = tpu.vector_load %arg12[%swap3A_236, %swap3A_237] {strides = array<i32>} : memref<64x128xf32, #tpu.memory_space<vmem>>, vector<16xf32>,
      tpu.vector_store %arg12[%swap3A_236, %swap3A_237], %broadcast_in_dim3A_233 {strides = array<i32>} : memref<64x128xf32, #tpu.memory_space<vmem>>, vector<16xf32>,
      %broadcast_in_dim3A_239 = arith.constant 0.000000e+00 : f32
      %broadcast_in_dim3A_240 = vector.broadcast %broadcast_in_dim3A_239 : f32 to vector<16xf32>
      %add3A_241 = arith.constant 3 : i32
      %add3A_242 = arith.addi %add3A_30, %add3A_241 : i32
      %swap3A_243 = arith.index_cast %add3A_242 : i32 to index
      %swap3A_244 = arith.constant 96 : index
      %swap3A_245 = tpu.vector_load %arg12[%swap3A_243, %swap3A_244] {strides = array<i32>} : memref<64x128xf32, #tpu.memory_space<vmem>>, vector<16xf32>,
      tpu.vector_store %arg12[%swap3A_243, %swap3A_244], %broadcast_in_dim3A_240 {strides = array<i32>} : memref<64x128xf32, #tpu.memory_space<vmem>>, vector<16xf32>,
      %broadcast_in_dim3A_246 = arith.constant 0.000000e+00 : f32
      %broadcast_in_dim3A_247 = vector.broadcast %broadcast_in_dim3A_246 : f32 to vector<16xf32>
      %add3A_248 = arith.constant 3 : i32
      %add3A_249 = arith.addi %add3A_30, %add3A_248 : i32
      %swap3A_250 = arith.index_cast %add3A_249 : i32 to index
      %swap3A_251 = arith.constant 112 : index
      %swap3A_252 = tpu.vector_load %arg12[%swap3A_250, %swap3A_251] {strides = array<i32>} : memref<64x128xf32, #tpu.memory_space<vmem>>, vector<16xf32>,
      tpu.vector_store %arg12[%swap3A_250, %swap3A_251], %broadcast_in_dim3A_247 {strides = array<i32>} : memref<64x128xf32, #tpu.memory_space<vmem>>, vector<16xf32>,
      %broadcast_in_dim3A_253 = arith.constant 0.000000e+00 : f32
      %broadcast_in_dim3A_254 = vector.broadcast %broadcast_in_dim3A_253 : f32 to vector<16xf32>
      %add3A_255 = arith.constant 4 : i32
      %add3A_256 = arith.addi %add3A_30, %add3A_255 : i32
      %swap3A_257 = arith.index_cast %add3A_256 : i32 to index
      %swap3A_258 = arith.constant 0 : index
      %swap3A_259 = tpu.vector_load %arg12[%swap3A_257, %swap3A_258] {strides = array<i32>} : memref<64x128xf32, #tpu.memory_space<vmem>>, vector<16xf32>,
      tpu.vector_store %arg12[%swap3A_257, %swap3A_258], %broadcast_in_dim3A_254 {strides = array<i32>} : memref<64x128xf32, #tpu.memory_space<vmem>>, vector<16xf32>,
      %broadcast_in_dim3A_260 = arith.constant 0.000000e+00 : f32
      %broadcast_in_dim3A_261 = vector.broadcast %broadcast_in_dim3A_260 : f32 to vector<16xf32>
      %add3A_262 = arith.constant 4 : i32
      %add3A_263 = arith.addi %add3A_30, %add3A_262 : i32
      %swap3A_264 = arith.index_cast %add3A_263 : i32 to index
      %swap3A_265 = arith.constant 16 : index
      %swap3A_266 = tpu.vector_load %arg12[%swap3A_264, %swap3A_265] {strides = array<i32>} : memref<64x128xf32, #tpu.memory_space<vmem>>, vector<16xf32>,
      tpu.vector_store %arg12[%swap3A_264, %swap3A_265], %broadcast_in_dim3A_261 {strides = array<i32>} : memref<64x128xf32, #tpu.memory_space<vmem>>, vector<16xf32>,
      %broadcast_in_dim3A_267 = arith.constant 0.000000e+00 : f32
      %broadcast_in_dim3A_268 = vector.broadcast %broadcast_in_dim3A_267 : f32 to vector<16xf32>
      %add3A_269 = arith.constant 4 : i32
      %add3A_270 = arith.addi %add3A_30, %add3A_269 : i32
      %swap3A_271 = arith.index_cast %add3A_270 : i32 to index
      %swap3A_272 = arith.constant 32 : index
      %swap3A_273 = tpu.vector_load %arg12[%swap3A_271, %swap3A_272] {strides = array<i32>} : memref<64x128xf32, #tpu.memory_space<vmem>>, vector<16xf32>,
      tpu.vector_store %arg12[%swap3A_271, %swap3A_272], %broadcast_in_dim3A_268 {strides = array<i32>} : memref<64x128xf32, #tpu.memory_space<vmem>>, vector<16xf32>,
      %broadcast_in_dim3A_274 = arith.constant 0.000000e+00 : f32
      %broadcast_in_dim3A_275 = vector.broadcast %broadcast_in_dim3A_274 : f32 to vector<16xf32>
      %add3A_276 = arith.constant 4 : i32
      %add3A_277 = arith.addi %add3A_30, %add3A_276 : i32
      %swap3A_278 = arith.index_cast %add3A_277 : i32 to index
      %swap3A_279 = arith.constant 48 : index
      %swap3A_280 = tpu.vector_load %arg12[%swap3A_278, %swap3A_279] {strides = array<i32>} : memref<64x128xf32, #tpu.memory_space<vmem>>, vector<16xf32>,
      tpu.vector_store %arg12[%swap3A_278, %swap3A_279], %broadcast_in_dim3A_275 {strides = array<i32>} : memref<64x128xf32, #tpu.memory_space<vmem>>, vector<16xf32>,
      %broadcast_in_dim3A_281 = arith.constant 0.000000e+00 : f32
      %broadcast_in_dim3A_282 = vector.broadcast %broadcast_in_dim3A_281 : f32 to vector<16xf32>
      %add3A_283 = arith.constant 4 : i32
      %add3A_284 = arith.addi %add3A_30, %add3A_283 : i32
      %swap3A_285 = arith.index_cast %add3A_284 : i32 to index
      %swap3A_286 = arith.constant 64 : index
      %swap3A_287 = tpu.vector_load %arg12[%swap3A_285, %swap3A_286] {strides = array<i32>} : memref<64x128xf32, #tpu.memory_space<vmem>>, vector<16xf32>,
      tpu.vector_store %arg12[%swap3A_285, %swap3A_286], %broadcast_in_dim3A_282 {strides = array<i32>} : memref<64x128xf32, #tpu.memory_space<vmem>>, vector<16xf32>,
      %broadcast_in_dim3A_288 = arith.constant 0.000000e+00 : f32
      %broadcast_in_dim3A_289 = vector.broadcast %broadcast_in_dim3A_288 : f32 to vector<16xf32>
      %add3A_290 = arith.constant 4 : i32
      %add3A_291 = arith.addi %add3A_30, %add3A_290 : i32
      %swap3A_292 = arith.index_cast %add3A_291 : i32 to index
      %swap3A_293 = arith.constant 80 : index
      %swap3A_294 = tpu.vector_load %arg12[%swap3A_292, %swap3A_293] {strides = array<i32>} : memref<64x128xf32, #tpu.memory_space<vmem>>, vector<16xf32>,
      tpu.vector_store %arg12[%swap3A_292, %swap3A_293], %broadcast_in_dim3A_289 {strides = array<i32>} : memref<64x128xf32, #tpu.memory_space<vmem>>, vector<16xf32>,
      %broadcast_in_dim3A_295 = arith.constant 0.000000e+00 : f32
      %broadcast_in_dim3A_296 = vector.broadcast %broadcast_in_dim3A_295 : f32 to vector<16xf32>
      %add3A_297 = arith.constant 4 : i32
      %add3A_298 = arith.addi %add3A_30, %add3A_297 : i32
      %swap3A_299 = arith.index_cast %add3A_298 : i32 to index
      %swap3A_300 = arith.constant 96 : index
      %swap3A_301 = tpu.vector_load %arg12[%swap3A_299, %swap3A_300] {strides = array<i32>} : memref<64x128xf32, #tpu.memory_space<vmem>>, vector<16xf32>,
      tpu.vector_store %arg12[%swap3A_299, %swap3A_300], %broadcast_in_dim3A_296 {strides = array<i32>} : memref<64x128xf32, #tpu.memory_space<vmem>>, vector<16xf32>,
      %broadcast_in_dim3A_302 = arith.constant 0.000000e+00 : f32
      %broadcast_in_dim3A_303 = vector.broadcast %broadcast_in_dim3A_302 : f32 to vector<16xf32>
      %add3A_304 = arith.constant 4 : i32
      %add3A_305 = arith.addi %add3A_30, %add3A_304 : i32
      %swap3A_306 = arith.index_cast %add3A_305 : i32 to index
      %swap3A_307 = arith.constant 112 : index
      %swap3A_308 = tpu.vector_load %arg12[%swap3A_306, %swap3A_307] {strides = array<i32>} : memref<64x128xf32, #tpu.memory_space<vmem>>, vector<16xf32>,
      tpu.vector_store %arg12[%swap3A_306, %swap3A_307], %broadcast_in_dim3A_303 {strides = array<i32>} : memref<64x128xf32, #tpu.memory_space<vmem>>, vector<16xf32>,
      %broadcast_in_dim3A_309 = arith.constant 0.000000e+00 : f32
      %broadcast_in_dim3A_310 = vector.broadcast %broadcast_in_dim3A_309 : f32 to vector<16xf32>
      %add3A_311 = arith.constant 5 : i32
      %add3A_312 = arith.addi %add3A_30, %add3A_311 : i32
      %swap3A_313 = arith.index_cast %add3A_312 : i32 to index
      %swap3A_314 = arith.constant 0 : index
      %swap3A_315 = tpu.vector_load %arg12[%swap3A_313, %swap3A_314] {strides = array<i32>} : memref<64x128xf32, #tpu.memory_space<vmem>>, vector<16xf32>,
      tpu.vector_store %arg12[%swap3A_313, %swap3A_314], %broadcast_in_dim3A_310 {strides = array<i32>} : memref<64x128xf32, #tpu.memory_space<vmem>>, vector<16xf32>,
      %broadcast_in_dim3A_316 = arith.constant 0.000000e+00 : f32
      %broadcast_in_dim3A_317 = vector.broadcast %broadcast_in_dim3A_316 : f32 to vector<16xf32>
      %add3A_318 = arith.constant 5 : i32
      %add3A_319 = arith.addi %add3A_30, %add3A_318 : i32
      %swap3A_320 = arith.index_cast %add3A_319 : i32 to index
      %swap3A_321 = arith.constant 16 : index
      %swap3A_322 = tpu.vector_load %arg12[%swap3A_320, %swap3A_321] {strides = array<i32>} : memref<64x128xf32, #tpu.memory_space<vmem>>, vector<16xf32>,
      tpu.vector_store %arg12[%swap3A_320, %swap3A_321], %broadcast_in_dim3A_317 {strides = array<i32>} : memref<64x128xf32, #tpu.memory_space<vmem>>, vector<16xf32>,
      %broadcast_in_dim3A_323 = arith.constant 0.000000e+00 : f32
      %broadcast_in_dim3A_324 = vector.broadcast %broadcast_in_dim3A_323 : f32 to vector<16xf32>
      %add3A_325 = arith.constant 5 : i32
      %add3A_326 = arith.addi %add3A_30, %add3A_325 : i32
      %swap3A_327 = arith.index_cast %add3A_326 : i32 to index
      %swap3A_328 = arith.constant 32 : index
      %swap3A_329 = tpu.vector_load %arg12[%swap3A_327, %swap3A_328] {strides = array<i32>} : memref<64x128xf32, #tpu.memory_space<vmem>>, vector<16xf32>,
      tpu.vector_store %arg12[%swap3A_327, %swap3A_328], %broadcast_in_dim3A_324 {strides = array<i32>} : memref<64x128xf32, #tpu.memory_space<vmem>>, vector<16xf32>,
      %broadcast_in_dim3A_330 = arith.constant 0.000000e+00 : f32
      %broadcast_in_dim3A_331 = vector.broadcast %broadcast_in_dim3A_330 : f32 to vector<16xf32>
      %add3A_332 = arith.constant 5 : i32
      %add3A_333 = arith.addi %add3A_30, %add3A_332 : i32
      %swap3A_334 = arith.index_cast %add3A_333 : i32 to index
      %swap3A_335 = arith.constant 48 : index
      %swap3A_336 = tpu.vector_load %arg12[%swap3A_334, %swap3A_335] {strides = array<i32>} : memref<64x128xf32, #tpu.memory_space<vmem>>, vector<16xf32>,
      tpu.vector_store %arg12[%swap3A_334, %swap3A_335], %broadcast_in_dim3A_331 {strides = array<i32>} : memref<64x128xf32, #tpu.memory_space<vmem>>, vector<16xf32>,
      %broadcast_in_dim3A_337 = arith.constant 0.000000e+00 : f32
      %broadcast_in_dim3A_338 = vector.broadcast %broadcast_in_dim3A_337 : f32 to vector<16xf32>
      %add3A_339 = arith.constant 5 : i32
      %add3A_340 = arith.addi %add3A_30, %add3A_339 : i32
      %swap3A_341 = arith.index_cast %add3A_340 : i32 to index
      %swap3A_342 = arith.constant 64 : index
      %swap3A_343 = tpu.vector_load %arg12[%swap3A_341, %swap3A_342] {strides = array<i32>} : memref<64x128xf32, #tpu.memory_space<vmem>>, vector<16xf32>,
      tpu.vector_store %arg12[%swap3A_341, %swap3A_342], %broadcast_in_dim3A_338 {strides = array<i32>} : memref<64x128xf32, #tpu.memory_space<vmem>>, vector<16xf32>,
      %broadcast_in_dim3A_344 = arith.constant 0.000000e+00 : f32
      %broadcast_in_dim3A_345 = vector.broadcast %broadcast_in_dim3A_344 : f32 to vector<16xf32>
      %add3A_346 = arith.constant 5 : i32
      %add3A_347 = arith.addi %add3A_30, %add3A_346 : i32
      %swap3A_348 = arith.index_cast %add3A_347 : i32 to index
      %swap3A_349 = arith.constant 80 : index
      %swap3A_350 = tpu.vector_load %arg12[%swap3A_348, %swap3A_349] {strides = array<i32>} : memref<64x128xf32, #tpu.memory_space<vmem>>, vector<16xf32>,
      tpu.vector_store %arg12[%swap3A_348, %swap3A_349], %broadcast_in_dim3A_345 {strides = array<i32>} : memref<64x128xf32, #tpu.memory_space<vmem>>, vector<16xf32>,
      %broadcast_in_dim3A_351 = arith.constant 0.000000e+00 : f32
      %broadcast_in_dim3A_352 = vector.broadcast %broadcast_in_dim3A_351 : f32 to vector<16xf32>
      %add3A_353 = arith.constant 5 : i32
      %add3A_354 = arith.addi %add3A_30, %add3A_353 : i32
      %swap3A_355 = arith.index_cast %add3A_354 : i32 to index
      %swap3A_356 = arith.constant 96 : index
      %swap3A_357 = tpu.vector_load %arg12[%swap3A_355, %swap3A_356] {strides = array<i32>} : memref<64x128xf32, #tpu.memory_space<vmem>>, vector<16xf32>,
      tpu.vector_store %arg12[%swap3A_355, %swap3A_356], %broadcast_in_dim3A_352 {strides = array<i32>} : memref<64x128xf32, #tpu.memory_space<vmem>>, vector<16xf32>,
      %broadcast_in_dim3A_358 = arith.constant 0.000000e+00 : f32
      %broadcast_in_dim3A_359 = vector.broadcast %broadcast_in_dim3A_358 : f32 to vector<16xf32>
      %add3A_360 = arith.constant 5 : i32
      %add3A_361 = arith.addi %add3A_30, %add3A_360 : i32
      %swap3A_362 = arith.index_cast %add3A_361 : i32 to index
      %swap3A_363 = arith.constant 112 : index
      %swap3A_364 = tpu.vector_load %arg12[%swap3A_362, %swap3A_363] {strides = array<i32>} : memref<64x128xf32, #tpu.memory_space<vmem>>, vector<16xf32>,
      tpu.vector_store %arg12[%swap3A_362, %swap3A_363], %broadcast_in_dim3A_359 {strides = array<i32>} : memref<64x128xf32, #tpu.memory_space<vmem>>, vector<16xf32>,
      %broadcast_in_dim3A_365 = arith.constant 0.000000e+00 : f32
      %broadcast_in_dim3A_366 = vector.broadcast %broadcast_in_dim3A_365 : f32 to vector<16xf32>
      %add3A_367 = arith.constant 6 : i32
      %add3A_368 = arith.addi %add3A_30, %add3A_367 : i32
      %swap3A_369 = arith.index_cast %add3A_368 : i32 to index
      %swap3A_370 = arith.constant 0 : index
      %swap3A_371 = tpu.vector_load %arg12[%swap3A_369, %swap3A_370] {strides = array<i32>} : memref<64x128xf32, #tpu.memory_space<vmem>>, vector<16xf32>,
      tpu.vector_store %arg12[%swap3A_369, %swap3A_370], %broadcast_in_dim3A_366 {strides = array<i32>} : memref<64x128xf32, #tpu.memory_space<vmem>>, vector<16xf32>,
      %broadcast_in_dim3A_372 = arith.constant 0.000000e+00 : f32
      %broadcast_in_dim3A_373 = vector.broadcast %broadcast_in_dim3A_372 : f32 to vector<16xf32>
      %add3A_374 = arith.constant 6 : i32
      %add3A_375 = arith.addi %add3A_30, %add3A_374 : i32
      %swap3A_376 = arith.index_cast %add3A_375 : i32 to index
      %swap3A_377 = arith.constant 16 : index
      %swap3A_378 = tpu.vector_load %arg12[%swap3A_376, %swap3A_377] {strides = array<i32>} : memref<64x128xf32, #tpu.memory_space<vmem>>, vector<16xf32>,
      tpu.vector_store %arg12[%swap3A_376, %swap3A_377], %broadcast_in_dim3A_373 {strides = array<i32>} : memref<64x128xf32, #tpu.memory_space<vmem>>, vector<16xf32>,
      %broadcast_in_dim3A_379 = arith.constant 0.000000e+00 : f32
      %broadcast_in_dim3A_380 = vector.broadcast %broadcast_in_dim3A_379 : f32 to vector<16xf32>
      %add3A_381 = arith.constant 6 : i32
      %add3A_382 = arith.addi %add3A_30, %add3A_381 : i32
      %swap3A_383 = arith.index_cast %add3A_382 : i32 to index
      %swap3A_384 = arith.constant 32 : index
      %swap3A_385 = tpu.vector_load %arg12[%swap3A_383, %swap3A_384] {strides = array<i32>} : memref<64x128xf32, #tpu.memory_space<vmem>>, vector<16xf32>,
      tpu.vector_store %arg12[%swap3A_383, %swap3A_384], %broadcast_in_dim3A_380 {strides = array<i32>} : memref<64x128xf32, #tpu.memory_space<vmem>>, vector<16xf32>,
      %broadcast_in_dim3A_386 = arith.constant 0.000000e+00 : f32
      %broadcast_in_dim3A_387 = vector.broadcast %broadcast_in_dim3A_386 : f32 to vector<16xf32>
      %add3A_388 = arith.constant 6 : i32
      %add3A_389 = arith.addi %add3A_30, %add3A_388 : i32
      %swap3A_390 = arith.index_cast %add3A_389 : i32 to index
      %swap3A_391 = arith.constant 48 : index
      %swap3A_392 = tpu.vector_load %arg12[%swap3A_390, %swap3A_391] {strides = array<i32>} : memref<64x128xf32, #tpu.memory_space<vmem>>, vector<16xf32>,
      tpu.vector_store %arg12[%swap3A_390, %swap3A_391], %broadcast_in_dim3A_387 {strides = array<i32>} : memref<64x128xf32, #tpu.memory_space<vmem>>, vector<16xf32>,
      %broadcast_in_dim3A_393 = arith.constant 0.000000e+00 : f32
      %broadcast_in_dim3A_394 = vector.broadcast %broadcast_in_dim3A_393 : f32 to vector<16xf32>
      %add3A_395 = arith.constant 6 : i32
      %add3A_396 = arith.addi %add3A_30, %add3A_395 : i32
      %swap3A_397 = arith.index_cast %add3A_396 : i32 to index
      %swap3A_398 = arith.constant 64 : index
      %swap3A_399 = tpu.vector_load %arg12[%swap3A_397, %swap3A_398] {strides = array<i32>} : memref<64x128xf32, #tpu.memory_space<vmem>>, vector<16xf32>,
      tpu.vector_store %arg12[%swap3A_397, %swap3A_398], %broadcast_in_dim3A_394 {strides = array<i32>} : memref<64x128xf32, #tpu.memory_space<vmem>>, vector<16xf32>,
      %broadcast_in_dim3A_400 = arith.constant 0.000000e+00 : f32
      %broadcast_in_dim3A_401 = vector.broadcast %broadcast_in_dim3A_400 : f32 to vector<16xf32>
      %add3A_402 = arith.constant 6 : i32
      %add3A_403 = arith.addi %add3A_30, %add3A_402 : i32
      %swap3A_404 = arith.index_cast %add3A_403 : i32 to index
      %swap3A_405 = arith.constant 80 : index
      %swap3A_406 = tpu.vector_load %arg12[%swap3A_404, %swap3A_405] {strides = array<i32>} : memref<64x128xf32, #tpu.memory_space<vmem>>, vector<16xf32>,
      tpu.vector_store %arg12[%swap3A_404, %swap3A_405], %broadcast_in_dim3A_401 {strides = array<i32>} : memref<64x128xf32, #tpu.memory_space<vmem>>, vector<16xf32>,
      %broadcast_in_dim3A_407 = arith.constant 0.000000e+00 : f32
      %broadcast_in_dim3A_408 = vector.broadcast %broadcast_in_dim3A_407 : f32 to vector<16xf32>
      %add3A_409 = arith.constant 6 : i32
      %add3A_410 = arith.addi %add3A_30, %add3A_409 : i32
      %swap3A_411 = arith.index_cast %add3A_410 : i32 to index
      %swap3A_412 = arith.constant 96 : index
      %swap3A_413 = tpu.vector_load %arg12[%swap3A_411, %swap3A_412] {strides = array<i32>} : memref<64x128xf32, #tpu.memory_space<vmem>>, vector<16xf32>,
      tpu.vector_store %arg12[%swap3A_411, %swap3A_412], %broadcast_in_dim3A_408 {strides = array<i32>} : memref<64x128xf32, #tpu.memory_space<vmem>>, vector<16xf32>,
      %broadcast_in_dim3A_414 = arith.constant 0.000000e+00 : f32
      %broadcast_in_dim3A_415 = vector.broadcast %broadcast_in_dim3A_414 : f32 to vector<16xf32>
      %add3A_416 = arith.constant 6 : i32
      %add3A_417 = arith.addi %add3A_30, %add3A_416 : i32
      %swap3A_418 = arith.index_cast %add3A_417 : i32 to index
      %swap3A_419 = arith.constant 112 : index
      %swap3A_420 = tpu.vector_load %arg12[%swap3A_418, %swap3A_419] {strides = array<i32>} : memref<64x128xf32, #tpu.memory_space<vmem>>, vector<16xf32>,
      tpu.vector_store %arg12[%swap3A_418, %swap3A_419], %broadcast_in_dim3A_415 {strides = array<i32>} : memref<64x128xf32, #tpu.memory_space<vmem>>, vector<16xf32>,
      %broadcast_in_dim3A_421 = arith.constant 0.000000e+00 : f32
      %broadcast_in_dim3A_422 = vector.broadcast %broadcast_in_dim3A_421 : f32 to vector<16xf32>
      %add3A_423 = arith.constant 7 : i32
      %add3A_424 = arith.addi %add3A_30, %add3A_423 : i32
      %swap3A_425 = arith.index_cast %add3A_424 : i32 to index
      %swap3A_426 = arith.constant 0 : index
      %swap3A_427 = tpu.vector_load %arg12[%swap3A_425, %swap3A_426] {strides = array<i32>} : memref<64x128xf32, #tpu.memory_space<vmem>>, vector<16xf32>,
      tpu.vector_store %arg12[%swap3A_425, %swap3A_426], %broadcast_in_dim3A_422 {strides = array<i32>} : memref<64x128xf32, #tpu.memory_space<vmem>>, vector<16xf32>,
      %broadcast_in_dim3A_428 = arith.constant 0.000000e+00 : f32
      %broadcast_in_dim3A_429 = vector.broadcast %broadcast_in_dim3A_428 : f32 to vector<16xf32>
      %add3A_430 = arith.constant 7 : i32
      %add3A_431 = arith.addi %add3A_30, %add3A_430 : i32
      %swap3A_432 = arith.index_cast %add3A_431 : i32 to index
      %swap3A_433 = arith.constant 16 : index
      %swap3A_434 = tpu.vector_load %arg12[%swap3A_432, %swap3A_433] {strides = array<i32>} : memref<64x128xf32, #tpu.memory_space<vmem>>, vector<16xf32>,
      tpu.vector_store %arg12[%swap3A_432, %swap3A_433], %broadcast_in_dim3A_429 {strides = array<i32>} : memref<64x128xf32, #tpu.memory_space<vmem>>, vector<16xf32>,
      %broadcast_in_dim3A_435 = arith.constant 0.000000e+00 : f32
      %broadcast_in_dim3A_436 = vector.broadcast %broadcast_in_dim3A_435 : f32 to vector<16xf32>
      %add3A_437 = arith.constant 7 : i32
      %add3A_438 = arith.addi %add3A_30, %add3A_437 : i32
      %swap3A_439 = arith.index_cast %add3A_438 : i32 to index
      %swap3A_440 = arith.constant 32 : index
      %swap3A_441 = tpu.vector_load %arg12[%swap3A_439, %swap3A_440] {strides = array<i32>} : memref<64x128xf32, #tpu.memory_space<vmem>>, vector<16xf32>,
      tpu.vector_store %arg12[%swap3A_439, %swap3A_440], %broadcast_in_dim3A_436 {strides = array<i32>} : memref<64x128xf32, #tpu.memory_space<vmem>>, vector<16xf32>,
      %broadcast_in_dim3A_442 = arith.constant 0.000000e+00 : f32
      %broadcast_in_dim3A_443 = vector.broadcast %broadcast_in_dim3A_442 : f32 to vector<16xf32>
      %add3A_444 = arith.constant 7 : i32
      %add3A_445 = arith.addi %add3A_30, %add3A_444 : i32
      %swap3A_446 = arith.index_cast %add3A_445 : i32 to index
      %swap3A_447 = arith.constant 48 : index
      %swap3A_448 = tpu.vector_load %arg12[%swap3A_446, %swap3A_447] {strides = array<i32>} : memref<64x128xf32, #tpu.memory_space<vmem>>, vector<16xf32>,
      tpu.vector_store %arg12[%swap3A_446, %swap3A_447], %broadcast_in_dim3A_443 {strides = array<i32>} : memref<64x128xf32, #tpu.memory_space<vmem>>, vector<16xf32>,
      %broadcast_in_dim3A_449 = arith.constant 0.000000e+00 : f32
      %broadcast_in_dim3A_450 = vector.broadcast %broadcast_in_dim3A_449 : f32 to vector<16xf32>
      %add3A_451 = arith.constant 7 : i32
      %add3A_452 = arith.addi %add3A_30, %add3A_451 : i32
      %swap3A_453 = arith.index_cast %add3A_452 : i32 to index
      %swap3A_454 = arith.constant 64 : index
      %swap3A_455 = tpu.vector_load %arg12[%swap3A_453, %swap3A_454] {strides = array<i32>} : memref<64x128xf32, #tpu.memory_space<vmem>>, vector<16xf32>,
      tpu.vector_store %arg12[%swap3A_453, %swap3A_454], %broadcast_in_dim3A_450 {strides = array<i32>} : memref<64x128xf32, #tpu.memory_space<vmem>>, vector<16xf32>,
      %broadcast_in_dim3A_456 = arith.constant 0.000000e+00 : f32
      %broadcast_in_dim3A_457 = vector.broadcast %broadcast_in_dim3A_456 : f32 to vector<16xf32>
      %add3A_458 = arith.constant 7 : i32
      %add3A_459 = arith.addi %add3A_30, %add3A_458 : i32
      %swap3A_460 = arith.index_cast %add3A_459 : i32 to index
      %swap3A_461 = arith.constant 80 : index
      %swap3A_462 = tpu.vector_load %arg12[%swap3A_460, %swap3A_461] {strides = array<i32>} : memref<64x128xf32, #tpu.memory_space<vmem>>, vector<16xf32>,
      tpu.vector_store %arg12[%swap3A_460, %swap3A_461], %broadcast_in_dim3A_457 {strides = array<i32>} : memref<64x128xf32, #tpu.memory_space<vmem>>, vector<16xf32>,
      %broadcast_in_dim3A_463 = arith.constant 0.000000e+00 : f32
      %broadcast_in_dim3A_464 = vector.broadcast %broadcast_in_dim3A_463 : f32 to vector<16xf32>
      %add3A_465 = arith.constant 7 : i32
      %add3A_466 = arith.addi %add3A_30, %add3A_465 : i32
      %swap3A_467 = arith.index_cast %add3A_466 : i32 to index
      %swap3A_468 = arith.constant 96 : index
      %swap3A_469 = tpu.vector_load %arg12[%swap3A_467, %swap3A_468] {strides = array<i32>} : memref<64x128xf32, #tpu.memory_space<vmem>>, vector<16xf32>,
      tpu.vector_store %arg12[%swap3A_467, %swap3A_468], %broadcast_in_dim3A_464 {strides = array<i32>} : memref<64x128xf32, #tpu.memory_space<vmem>>, vector<16xf32>,
      %broadcast_in_dim3A_470 = arith.constant 0.000000e+00 : f32
      %broadcast_in_dim3A_471 = vector.broadcast %broadcast_in_dim3A_470 : f32 to vector<16xf32>
      %add3A_472 = arith.constant 7 : i32
      %add3A_473 = arith.addi %add3A_30, %add3A_472 : i32
      %swap3A_474 = arith.index_cast %add3A_473 : i32 to index
      %swap3A_475 = arith.constant 112 : index
      %swap3A_476 = tpu.vector_load %arg12[%swap3A_474, %swap3A_475] {strides = array<i32>} : memref<64x128xf32, #tpu.memory_space<vmem>>, vector<16xf32>,
      tpu.vector_store %arg12[%swap3A_474, %swap3A_475], %broadcast_in_dim3A_471 {strides = array<i32>} : memref<64x128xf32, #tpu.memory_space<vmem>>, vector<16xf32>,
    }
    %scan3A_6 = arith.constant 8 : i32
    %scan3A_7 = arith.constant 0 : i32
    %scan3A_8 = arith.constant 10 : i32
    %scan3A_9 = arith.addi %scan3A_7, %scan3A_8 : i32
    %scan3A_10 = arith.constant 1 : i32
    scf.for %scan3A_26 = %scan3A_7 to %scan3A_9 step %scan3A_10  : i32 {
      %mul3A_27 = arith.constant 1 : i32
      %mul3A_28 = arith.muli %scan3A_26, %mul3A_27 : i32
      %add3A_29 = arith.constant 0 : i32
      %add3A_30 = arith.addi %add3A_29, %mul3A_28 : i32
      %mul3A_31 = arith.constant 64 : i32
      %mul3A_32 = arith.muli %add3A_30, %mul3A_31 : i32
      %add3A_33 = arith.addi %mul3A_2, %mul3A_32 : i32
      "tpu.region"() ({
        %run_scoped3A_34 = tpu.sem_alloc : memref<!tpu.dma_semaphore, #tpu.memory_space<semaphore_mem>>
        %dma_start3A = arith.constant 0 : i32
        %dma_start3A_35 = tpu.memref_slice %arg15[%add3A_33, %dma_start3A] : memref<10240x128xf32, #tpu.memory_space<vmem_shared>> -> memref<64x128xf32, #tpu.memory_space<vmem_shared>>
        %dma_start3A_36 = arith.constant 0 : i32
        %dma_start3A_37 = tpu.memref_slice %arg15[%add3A_33, %dma_start3A_36] : memref<10240x128xf32, #tpu.memory_space<vmem_shared>> -> memref<64x128xf32, #tpu.memory_space<vmem_shared>>
        tpu.enqueue_dma source(%arg12 : memref<64x128xf32, #tpu.memory_space<vmem>>) target(%dma_start3A_37 : memref<64x128xf32, #tpu.memory_space<vmem_shared>>) target_semaphore(%run_scoped3A_34 : memref<!tpu.dma_semaphore, #tpu.memory_space<semaphore_mem>>)
        %dma_wait3A = arith.constant 0 : i32
        %dma_wait3A_38 = tpu.memref_slice %arg15[%add3A_33, %dma_wait3A] : memref<10240x128xf32, #tpu.memory_space<vmem_shared>> -> memref<64x128xf32, #tpu.memory_space<vmem_shared>>
        %dma_wait3A_39 = arith.constant 0 : i32
        %dma_wait3A_40 = tpu.memref_slice %arg15[%add3A_33, %dma_wait3A_39] : memref<10240x128xf32, #tpu.memory_space<vmem_shared>> -> memref<64x128xf32, #tpu.memory_space<vmem_shared>>
        tpu.wait_dma2 semaphore(%run_scoped3A_34 : memref<!tpu.dma_semaphore, #tpu.memory_space<semaphore_mem>>) src(%arg12 : memref<64x128xf32, #tpu.memory_space<vmem>>) dst(%dma_wait3A_40 : memref<64x128xf32, #tpu.memory_space<vmem_shared>>)
        tpu.yield
      }) : () -> ()
    }
    %scan3A_11 = arith.constant 10 : i32
    %run_scoped3A = arith.constant 0 : i32
    "tpu.region"() ({
      %run_scoped3A_26 = tpu.sem_alloc : memref<!tpu.dma_semaphore, #tpu.memory_space<semaphore_mem>>
      %dma_start3A = arith.constant 0 : i32
      %dma_start3A_27 = tpu.memref_slice %arg14[%dma_start3A] : memref<10240xf32, #tpu.memory_space<vmem>> -> memref<640xf32, #tpu.memory_space<vmem>>
      %dma_start3A_28 = arith.constant 0 : i32
      %dma_start3A_29 = tpu.memref_slice %arg5[%run_scoped3A, %dma_start3A_28] : memref<2x10240xf32, #tpu.memory_space<hbm>> -> memref<1x10240xf32, #tpu.memory_space<hbm>>
      %dma_start3A_30 = tpu.memref_squeeze %dma_start3A_29 : memref<1x10240xf32, #tpu.memory_space<hbm>> -> memref<10240xf32, #tpu.memory_space<hbm>>
      %dma_start3A_31 = tpu.memref_slice %dma_start3A_30[%mul3A_2] : memref<10240xf32, #tpu.memory_space<hbm>> -> memref<640xf32, #tpu.memory_space<hbm>>
      %dma_start3A_32 = arith.constant 0 : i32
      %dma_start3A_33 = tpu.memref_slice %arg14[%dma_start3A_32] : memref<10240xf32, #tpu.memory_space<vmem>> -> memref<640xf32, #tpu.memory_space<vmem>>
      %dma_start3A_34 = arith.constant 0 : i32
      %dma_start3A_35 = tpu.memref_slice %arg5[%run_scoped3A, %dma_start3A_34] : memref<2x10240xf32, #tpu.memory_space<hbm>> -> memref<1x10240xf32, #tpu.memory_space<hbm>>
      %dma_start3A_36 = tpu.memref_squeeze %dma_start3A_35 : memref<1x10240xf32, #tpu.memory_space<hbm>> -> memref<10240xf32, #tpu.memory_space<hbm>>
      %dma_start3A_37 = tpu.memref_slice %dma_start3A_36[%mul3A_2] : memref<10240xf32, #tpu.memory_space<hbm>> -> memref<640xf32, #tpu.memory_space<hbm>>
      tpu.enqueue_dma source(%dma_start3A_37 : memref<640xf32, #tpu.memory_space<hbm>>) target(%dma_start3A_33 : memref<640xf32, #tpu.memory_space<vmem>>) target_semaphore(%run_scoped3A_26 : memref<!tpu.dma_semaphore, #tpu.memory_space<semaphore_mem>>)
      %dma_wait3A = arith.constant 0 : i32
      %dma_wait3A_38 = tpu.memref_slice %arg14[%dma_wait3A] : memref<10240xf32, #tpu.memory_space<vmem>> -> memref<640xf32, #tpu.memory_space<vmem>>
      %dma_wait3A_39 = arith.constant 0 : i32
      %dma_wait3A_40 = tpu.memref_slice %arg5[%run_scoped3A, %dma_wait3A_39] : memref<2x10240xf32, #tpu.memory_space<hbm>> -> memref<1x10240xf32, #tpu.memory_space<hbm>>
      %dma_wait3A_41 = tpu.memref_squeeze %dma_wait3A_40 : memref<1x10240xf32, #tpu.memory_space<hbm>> -> memref<10240xf32, #tpu.memory_space<hbm>>
      %dma_wait3A_42 = tpu.memref_slice %dma_wait3A_41[%mul3A_2] : memref<10240xf32, #tpu.memory_space<hbm>> -> memref<640xf32, #tpu.memory_space<hbm>>
      %dma_wait3A_43 = arith.constant 0 : i32
      %dma_wait3A_44 = tpu.memref_slice %arg14[%dma_wait3A_43] : memref<10240xf32, #tpu.memory_space<vmem>> -> memref<640xf32, #tpu.memory_space<vmem>>
      %dma_wait3A_45 = arith.constant 0 : i32
      %dma_wait3A_46 = tpu.memref_slice %arg5[%run_scoped3A, %dma_wait3A_45] : memref<2x10240xf32, #tpu.memory_space<hbm>> -> memref<1x10240xf32, #tpu.memory_space<hbm>>
      %dma_wait3A_47 = tpu.memref_squeeze %dma_wait3A_46 : memref<1x10240xf32, #tpu.memory_space<hbm>> -> memref<10240xf32, #tpu.memory_space<hbm>>
      %dma_wait3A_48 = tpu.memref_slice %dma_wait3A_47[%mul3A_2] : memref<10240xf32, #tpu.memory_space<hbm>> -> memref<640xf32, #tpu.memory_space<hbm>>
      tpu.wait_dma2 semaphore(%run_scoped3A_26 : memref<!tpu.dma_semaphore, #tpu.memory_space<semaphore_mem>>) src(%dma_wait3A_48 : memref<640xf32, #tpu.memory_space<hbm>>) dst(%dma_wait3A_44 : memref<640xf32, #tpu.memory_space<vmem>>)
      tpu.yield
    }) : () -> ()
    %run_scoped3A_12 = arith.constant 1 : i32
    "tpu.region"() ({
      %run_scoped3A_26 = tpu.sem_alloc : memref<!tpu.dma_semaphore, #tpu.memory_space<semaphore_mem>>
      %dma_start3A = arith.constant 640 : i32
      %dma_start3A_27 = tpu.memref_slice %arg14[%dma_start3A] : memref<10240xf32, #tpu.memory_space<vmem>> -> memref<640xf32, #tpu.memory_space<vmem>>
      %dma_start3A_28 = arith.constant 0 : i32
      %dma_start3A_29 = tpu.memref_slice %arg5[%run_scoped3A_12, %dma_start3A_28] : memref<2x10240xf32, #tpu.memory_space<hbm>> -> memref<1x10240xf32, #tpu.memory_space<hbm>>
      %dma_start3A_30 = tpu.memref_squeeze %dma_start3A_29 : memref<1x10240xf32, #tpu.memory_space<hbm>> -> memref<10240xf32, #tpu.memory_space<hbm>>
      %dma_start3A_31 = tpu.memref_slice %dma_start3A_30[%mul3A_2] : memref<10240xf32, #tpu.memory_space<hbm>> -> memref<640xf32, #tpu.memory_space<hbm>>
      %dma_start3A_32 = arith.constant 640 : i32
      %dma_start3A_33 = tpu.memref_slice %arg14[%dma_start3A_32] : memref<10240xf32, #tpu.memory_space<vmem>> -> memref<640xf32, #tpu.memory_space<vmem>>
      %dma_start3A_34 = arith.constant 0 : i32
      %dma_start3A_35 = tpu.memref_slice %arg5[%run_scoped3A_12, %dma_start3A_34] : memref<2x10240xf32, #tpu.memory_space<hbm>> -> memref<1x10240xf32, #tpu.memory_space<hbm>>
      %dma_start3A_36 = tpu.memref_squeeze %dma_start3A_35 : memref<1x10240xf32, #tpu.memory_space<hbm>> -> memref<10240xf32, #tpu.memory_space<hbm>>
      %dma_start3A_37 = tpu.memref_slice %dma_start3A_36[%mul3A_2] : memref<10240xf32, #tpu.memory_space<hbm>> -> memref<640xf32, #tpu.memory_space<hbm>>
      tpu.enqueue_dma source(%dma_start3A_37 : memref<640xf32, #tpu.memory_space<hbm>>) target(%dma_start3A_33 : memref<640xf32, #tpu.memory_space<vmem>>) target_semaphore(%run_scoped3A_26 : memref<!tpu.dma_semaphore, #tpu.memory_space<semaphore_mem>>)
      %dma_wait3A = arith.constant 640 : i32
      %dma_wait3A_38 = tpu.memref_slice %arg14[%dma_wait3A] : memref<10240xf32, #tpu.memory_space<vmem>> -> memref<640xf32, #tpu.memory_space<vmem>>
      %dma_wait3A_39 = arith.constant 0 : i32
      %dma_wait3A_40 = tpu.memref_slice %arg5[%run_scoped3A_12, %dma_wait3A_39] : memref<2x10240xf32, #tpu.memory_space<hbm>> -> memref<1x10240xf32, #tpu.memory_space<hbm>>
      %dma_wait3A_41 = tpu.memref_squeeze %dma_wait3A_40 : memref<1x10240xf32, #tpu.memory_space<hbm>> -> memref<10240xf32, #tpu.memory_space<hbm>>
      %dma_wait3A_42 = tpu.memref_slice %dma_wait3A_41[%mul3A_2] : memref<10240xf32, #tpu.memory_space<hbm>> -> memref<640xf32, #tpu.memory_space<hbm>>
      %dma_wait3A_43 = arith.constant 640 : i32
      %dma_wait3A_44 = tpu.memref_slice %arg14[%dma_wait3A_43] : memref<10240xf32, #tpu.memory_space<vmem>> -> memref<640xf32, #tpu.memory_space<vmem>>
      %dma_wait3A_45 = arith.constant 0 : i32
      %dma_wait3A_46 = tpu.memref_slice %arg5[%run_scoped3A_12, %dma_wait3A_45] : memref<2x10240xf32, #tpu.memory_space<hbm>> -> memref<1x10240xf32, #tpu.memory_space<hbm>>
      %dma_wait3A_47 = tpu.memref_squeeze %dma_wait3A_46 : memref<1x10240xf32, #tpu.memory_space<hbm>> -> memref<10240xf32, #tpu.memory_space<hbm>>
      %dma_wait3A_48 = tpu.memref_slice %dma_wait3A_47[%mul3A_2] : memref<10240xf32, #tpu.memory_space<hbm>> -> memref<640xf32, #tpu.memory_space<hbm>>
      tpu.wait_dma2 semaphore(%run_scoped3A_26 : memref<!tpu.dma_semaphore, #tpu.memory_space<semaphore_mem>>) src(%dma_wait3A_48 : memref<640xf32, #tpu.memory_space<hbm>>) dst(%dma_wait3A_44 : memref<640xf32, #tpu.memory_space<vmem>>)
      tpu.yield
    }) : () -> ()
    %scan3A_13 = arith.constant 0 : i32
    %scan3A_14 = arith.constant 40 : i32
    %scan3A_15 = arith.addi %scan3A_13, %scan3A_14 : i32
    %scan3A_16 = arith.constant 1 : i32
    scf.for %scan3A_26 = %scan3A_13 to %scan3A_15 step %scan3A_16  : i32 {
      %mul3A_27 = arith.constant 16 : i32
      %mul3A_28 = arith.muli %scan3A_26, %mul3A_27 : i32
      %add3A_29 = arith.constant 0 : i32
      %add3A_30 = arith.addi %add3A_29, %mul3A_28 : i32
      %get3A = arith.constant 0 : i32
      %get3A_31 = tpu.memref_slice %arg14[%get3A] : memref<10240xf32, #tpu.memory_space<vmem>> -> memref<640xf32, #tpu.memory_space<vmem>>
      %get3A_32 = arith.index_cast %add3A_30 : i32 to index
      %get3A_33 = tpu.vector_load %get3A_31[%get3A_32] {strides = array<i32>} : memref<640xf32, #tpu.memory_space<vmem>>, vector<16xf32>,
      %get3A_34 = arith.constant 640 : i32
      %get3A_35 = tpu.memref_slice %arg14[%get3A_34] : memref<10240xf32, #tpu.memory_space<vmem>> -> memref<640xf32, #tpu.memory_space<vmem>>
      %get3A_36 = arith.index_cast %add3A_30 : i32 to index
      %get3A_37 = tpu.vector_load %get3A_35[%get3A_36] {strides = array<i32>} : memref<640xf32, #tpu.memory_space<vmem>>, vector<16xf32>,
      %add3A_38 = arith.addf %get3A_33, %get3A_37 : vector<16xf32>
      %add3A_39 = arith.constant 2.000000e+00 : f32
      %add3A_40 = vector.broadcast %add3A_39 : f32 to vector<16xf32>
      %add3A_41 = arith.addf %add3A_38, %add3A_40 : vector<16xf32>
      %bitcast3A = vector.bitcast %add3A_41 : vector<16xf32> to vector<16xi32>
      %broadcast_in_dim3A = arith.constant 1597463007 : i32
      %broadcast_in_dim3A_42 = vector.broadcast %broadcast_in_dim3A : i32 to vector<16xi32>
      %broadcast_in_dim3A_43 = arith.constant 1 : i32
      %broadcast_in_dim3A_44 = vector.broadcast %broadcast_in_dim3A_43 : i32 to vector<16xi32>
      %shift_right_logical3A = arith.shrui %bitcast3A, %broadcast_in_dim3A_44 : vector<16xi32>
      %sub3A = arith.subi %broadcast_in_dim3A_42, %shift_right_logical3A : vector<16xi32>
      %bitcast3A_45 = vector.bitcast %sub3A : vector<16xi32> to vector<16xf32>
      %mul3A_46 = arith.constant 5.000000e-01 : f32
      %mul3A_47 = vector.broadcast %mul3A_46 : f32 to vector<16xf32>
      %mul3A_48 = arith.mulf %mul3A_47, %add3A_41 : vector<16xf32>
      %mul3A_49 = arith.mulf %mul3A_48, %bitcast3A_45 : vector<16xf32>
      %mul3A_50 = arith.mulf %mul3A_49, %bitcast3A_45 : vector<16xf32>
      %sub3A_51 = arith.constant 1.500000e+00 : f32
      %sub3A_52 = vector.broadcast %sub3A_51 : f32 to vector<16xf32>
      %sub3A_53 = arith.subf %sub3A_52, %mul3A_50 : vector<16xf32>
      %mul3A_54 = arith.mulf %bitcast3A_45, %sub3A_53 : vector<16xf32>
      %mul3A_55 = arith.constant 5.000000e-01 : f32
      %mul3A_56 = vector.broadcast %mul3A_55 : f32 to vector<16xf32>
      %mul3A_57 = arith.mulf %mul3A_56, %add3A_41 : vector<16xf32>
      %mul3A_58 = arith.mulf %mul3A_57, %mul3A_54 : vector<16xf32>
      %mul3A_59 = arith.mulf %mul3A_58, %mul3A_54 : vector<16xf32>
      %sub3A_60 = arith.constant 1.500000e+00 : f32
      %sub3A_61 = vector.broadcast %sub3A_60 : f32 to vector<16xf32>
      %sub3A_62 = arith.subf %sub3A_61, %mul3A_59 : vector<16xf32>
      %mul3A_63 = arith.mulf %mul3A_54, %sub3A_62 : vector<16xf32>
      %mul3A_64 = arith.constant 5.000000e-01 : f32
      %mul3A_65 = vector.broadcast %mul3A_64 : f32 to vector<16xf32>
      %mul3A_66 = arith.mulf %mul3A_65, %add3A_41 : vector<16xf32>
      %mul3A_67 = arith.mulf %mul3A_66, %mul3A_63 : vector<16xf32>
      %mul3A_68 = arith.mulf %mul3A_67, %mul3A_63 : vector<16xf32>
      %sub3A_69 = arith.constant 1.500000e+00 : f32
      %sub3A_70 = vector.broadcast %sub3A_69 : f32 to vector<16xf32>
      %sub3A_71 = arith.subf %sub3A_70, %mul3A_68 : vector<16xf32>
      %mul3A_72 = arith.mulf %mul3A_63, %sub3A_71 : vector<16xf32>
      %swap3A = arith.constant 0 : i32
      %swap3A_73 = tpu.memref_slice %arg14[%swap3A] : memref<10240xf32, #tpu.memory_space<vmem>> -> memref<640xf32, #tpu.memory_space<vmem>>
      %swap3A_74 = arith.index_cast %add3A_30 : i32 to index
      %swap3A_75 = tpu.vector_load %swap3A_73[%swap3A_74] {strides = array<i32>} : memref<640xf32, #tpu.memory_space<vmem>>, vector<16xf32>,
      tpu.vector_store %swap3A_73[%swap3A_74], %mul3A_72 {strides = array<i32>} : memref<640xf32, #tpu.memory_space<vmem>>, vector<16xf32>,
    }
    %scan3A_17 = arith.constant 40 : i32
    "tpu.region"() ({
      %run_scoped3A_26 = tpu.sem_alloc : memref<!tpu.dma_semaphore, #tpu.memory_space<semaphore_mem>>
      %dma_start3A = arith.constant 0 : i32
      %dma_start3A_27 = tpu.memref_slice %arg14[%dma_start3A] : memref<10240xf32, #tpu.memory_space<vmem>> -> memref<640xf32, #tpu.memory_space<vmem>>
      %dma_start3A_28 = arith.constant 0 : i32
      %dma_start3A_29 = tpu.memref_slice %arg8[%arg0, %dma_start3A_28] : memref<2x10240xf32, #tpu.memory_space<hbm>> -> memref<1x10240xf32, #tpu.memory_space<hbm>>
      %dma_start3A_30 = tpu.memref_squeeze %dma_start3A_29 : memref<1x10240xf32, #tpu.memory_space<hbm>> -> memref<10240xf32, #tpu.memory_space<hbm>>
      %dma_start3A_31 = tpu.memref_slice %dma_start3A_30[%mul3A_2] : memref<10240xf32, #tpu.memory_space<hbm>> -> memref<640xf32, #tpu.memory_space<hbm>>
      %dma_start3A_32 = arith.constant 0 : i32
      %dma_start3A_33 = tpu.memref_slice %arg8[%arg0, %dma_start3A_32] : memref<2x10240xf32, #tpu.memory_space<hbm>> -> memref<1x10240xf32, #tpu.memory_space<hbm>>
      %dma_start3A_34 = tpu.memref_squeeze %dma_start3A_33 : memref<1x10240xf32, #tpu.memory_space<hbm>> -> memref<10240xf32, #tpu.memory_space<hbm>>
      %dma_start3A_35 = tpu.memref_slice %dma_start3A_34[%mul3A_2] : memref<10240xf32, #tpu.memory_space<hbm>> -> memref<640xf32, #tpu.memory_space<hbm>>
      %dma_start3A_36 = arith.constant 0 : i32
      %dma_start3A_37 = tpu.memref_slice %arg14[%dma_start3A_36] : memref<10240xf32, #tpu.memory_space<vmem>> -> memref<640xf32, #tpu.memory_space<vmem>>
      tpu.enqueue_dma source(%dma_start3A_37 : memref<640xf32, #tpu.memory_space<vmem>>) target(%dma_start3A_35 : memref<640xf32, #tpu.memory_space<hbm>>) target_semaphore(%run_scoped3A_26 : memref<!tpu.dma_semaphore, #tpu.memory_space<semaphore_mem>>)
      %dma_wait3A = arith.constant 0 : i32
      %dma_wait3A_38 = tpu.memref_slice %arg14[%dma_wait3A] : memref<10240xf32, #tpu.memory_space<vmem>> -> memref<640xf32, #tpu.memory_space<vmem>>
      %dma_wait3A_39 = arith.constant 0 : i32
      %dma_wait3A_40 = tpu.memref_slice %arg8[%arg0, %dma_wait3A_39] : memref<2x10240xf32, #tpu.memory_space<hbm>> -> memref<1x10240xf32, #tpu.memory_space<hbm>>
      %dma_wait3A_41 = tpu.memref_squeeze %dma_wait3A_40 : memref<1x10240xf32, #tpu.memory_space<hbm>> -> memref<10240xf32, #tpu.memory_space<hbm>>
      %dma_wait3A_42 = tpu.memref_slice %dma_wait3A_41[%mul3A_2] : memref<10240xf32, #tpu.memory_space<hbm>> -> memref<640xf32, #tpu.memory_space<hbm>>
      %dma_wait3A_43 = arith.constant 0 : i32
      %dma_wait3A_44 = tpu.memref_slice %arg8[%arg0, %dma_wait3A_43] : memref<2x10240xf32, #tpu.memory_space<hbm>> -> memref<1x10240xf32, #tpu.memory_space<hbm>>
      %dma_wait3A_45 = tpu.memref_squeeze %dma_wait3A_44 : memref<1x10240xf32, #tpu.memory_space<hbm>> -> memref<10240xf32, #tpu.memory_space<hbm>>
      %dma_wait3A_46 = tpu.memref_slice %dma_wait3A_45[%mul3A_2] : memref<10240xf32, #tpu.memory_space<hbm>> -> memref<640xf32, #tpu.memory_space<hbm>>
      %dma_wait3A_47 = arith.constant 0 : i32
      %dma_wait3A_48 = tpu.memref_slice %arg14[%dma_wait3A_47] : memref<10240xf32, #tpu.memory_space<vmem>> -> memref<640xf32, #tpu.memory_space<vmem>>
      tpu.wait_dma2 semaphore(%run_scoped3A_26 : memref<!tpu.dma_semaphore, #tpu.memory_space<semaphore_mem>>) src(%dma_wait3A_48 : memref<640xf32, #tpu.memory_space<vmem>>) dst(%dma_wait3A_46 : memref<640xf32, #tpu.memory_space<hbm>>)
      tpu.yield
    }) : () -> ()
    %barrier3A = arith.constant 0 : index
    tpu.barrier barrier_id(%barrier3A)
    "tpu.region"() ({
      %run_scoped3A_26 = tpu.sem_alloc : memref<!tpu.dma_semaphore, #tpu.memory_space<semaphore_mem>>
      %dma_start3A = arith.constant 0 : i32
      %dma_start3A_27 = tpu.memref_slice %arg8[%arg0, %dma_start3A] : memref<2x10240xf32, #tpu.memory_space<hbm>> -> memref<1x10240xf32, #tpu.memory_space<hbm>>
      %dma_start3A_28 = tpu.memref_squeeze %dma_start3A_27 : memref<1x10240xf32, #tpu.memory_space<hbm>> -> memref<10240xf32, #tpu.memory_space<hbm>>
      %dma_start3A_29 = arith.constant 0 : i32
      %dma_start3A_30 = tpu.memref_slice %arg8[%arg0, %dma_start3A_29] : memref<2x10240xf32, #tpu.memory_space<hbm>> -> memref<1x10240xf32, #tpu.memory_space<hbm>>
      %dma_start3A_31 = tpu.memref_squeeze %dma_start3A_30 : memref<1x10240xf32, #tpu.memory_space<hbm>> -> memref<10240xf32, #tpu.memory_space<hbm>>
      tpu.enqueue_dma source(%dma_start3A_31 : memref<10240xf32, #tpu.memory_space<hbm>>) target(%arg14 : memref<10240xf32, #tpu.memory_space<vmem>>) target_semaphore(%run_scoped3A_26 : memref<!tpu.dma_semaphore, #tpu.memory_space<semaphore_mem>>)
      %dma_wait3A = arith.constant 0 : i32
      %dma_wait3A_32 = tpu.memref_slice %arg8[%arg0, %dma_wait3A] : memref<2x10240xf32, #tpu.memory_space<hbm>> -> memref<1x10240xf32, #tpu.memory_space<hbm>>
      %dma_wait3A_33 = tpu.memref_squeeze %dma_wait3A_32 : memref<1x10240xf32, #tpu.memory_space<hbm>> -> memref<10240xf32, #tpu.memory_space<hbm>>
      %dma_wait3A_34 = arith.constant 0 : i32
      %dma_wait3A_35 = tpu.memref_slice %arg8[%arg0, %dma_wait3A_34] : memref<2x10240xf32, #tpu.memory_space<hbm>> -> memref<1x10240xf32, #tpu.memory_space<hbm>>
      %dma_wait3A_36 = tpu.memref_squeeze %dma_wait3A_35 : memref<1x10240xf32, #tpu.memory_space<hbm>> -> memref<10240xf32, #tpu.memory_space<hbm>>
      tpu.wait_dma2 semaphore(%run_scoped3A_26 : memref<!tpu.dma_semaphore, #tpu.memory_space<semaphore_mem>>) src(%dma_wait3A_36 : memref<10240xf32, #tpu.memory_space<hbm>>) dst(%arg14 : memref<10240xf32, #tpu.memory_space<vmem>>)
      tpu.yield
    }) : () -> ()
    %scan3A_18 = arith.constant 0 : i32
    %scan3A_19 = arith.constant 5 : i32
    %scan3A_20 = arith.addi %scan3A_18, %scan3A_19 : i32
    %scan3A_21 = arith.constant 1 : i32
    scf.for %scan3A_26 = %scan3A_18 to %scan3A_20 step %scan3A_21  : i32 {
      %mul3A_27 = arith.constant 1 : i32
      %mul3A_28 = arith.muli %scan3A_26, %mul3A_27 : i32
      %add3A_29 = arith.constant 0 : i32
      %add3A_30 = arith.addi %add3A_29, %mul3A_28 : i32
      %mul3A_31 = arith.constant 32 : i32
      %mul3A_32 = arith.muli %add3A_30, %mul3A_31 : i32
      "tpu.region"() ({
        %run_scoped3A_60 = tpu.sem_alloc : memref<!tpu.dma_semaphore, #tpu.memory_space<semaphore_mem>>
        %dma_start3A_61 = arith.constant 0 : i32
        %dma_start3A_62 = arith.constant 0 : i32
        %dma_start3A_63 = tpu.memref_slice %arg2[%add3A, %dma_start3A_61, %dma_start3A_62] : memref<32x160x64xi32, #tpu.memory_space<hbm>> -> memref<1x160x64xi32, #tpu.memory_space<hbm>>
        %dma_start3A_64 = tpu.memref_squeeze %dma_start3A_63 : memref<1x160x64xi32, #tpu.memory_space<hbm>> -> memref<160x64xi32, #tpu.memory_space<hbm>>
        %dma_start3A_65 = arith.constant 0 : i32
        %dma_start3A_66 = tpu.memref_slice %dma_start3A_64[%mul3A_32, %dma_start3A_65] : memref<160x64xi32, #tpu.memory_space<hbm>> -> memref<32x64xi32, #tpu.memory_space<hbm>>
        %dma_start3A_67 = arith.constant 0 : i32
        %dma_start3A_68 = arith.constant 0 : i32
        %dma_start3A_69 = tpu.memref_slice %arg2[%add3A, %dma_start3A_67, %dma_start3A_68] : memref<32x160x64xi32, #tpu.memory_space<hbm>> -> memref<1x160x64xi32, #tpu.memory_space<hbm>>
        %dma_start3A_70 = tpu.memref_squeeze %dma_start3A_69 : memref<1x160x64xi32, #tpu.memory_space<hbm>> -> memref<160x64xi32, #tpu.memory_space<hbm>>
        %dma_start3A_71 = arith.constant 0 : i32
        %dma_start3A_72 = tpu.memref_slice %dma_start3A_70[%mul3A_32, %dma_start3A_71] : memref<160x64xi32, #tpu.memory_space<hbm>> -> memref<32x64xi32, #tpu.memory_space<hbm>>
        tpu.enqueue_dma source(%dma_start3A_72 : memref<32x64xi32, #tpu.memory_space<hbm>>) target(%arg9 : memref<32x64xi32, #tpu.memory_space<vmem>>) target_semaphore(%run_scoped3A_60 : memref<!tpu.dma_semaphore, #tpu.memory_space<semaphore_mem>>)
        %dma_wait3A = arith.constant 0 : i32
        %dma_wait3A_73 = arith.constant 0 : i32
        %dma_wait3A_74 = tpu.memref_slice %arg2[%add3A, %dma_wait3A, %dma_wait3A_73] : memref<32x160x64xi32, #tpu.memory_space<hbm>> -> memref<1x160x64xi32, #tpu.memory_space<hbm>>
        %dma_wait3A_75 = tpu.memref_squeeze %dma_wait3A_74 : memref<1x160x64xi32, #tpu.memory_space<hbm>> -> memref<160x64xi32, #tpu.memory_space<hbm>>
        %dma_wait3A_76 = arith.constant 0 : i32
        %dma_wait3A_77 = tpu.memref_slice %dma_wait3A_75[%mul3A_32, %dma_wait3A_76] : memref<160x64xi32, #tpu.memory_space<hbm>> -> memref<32x64xi32, #tpu.memory_space<hbm>>
        %dma_wait3A_78 = arith.constant 0 : i32
        %dma_wait3A_79 = arith.constant 0 : i32
        %dma_wait3A_80 = tpu.memref_slice %arg2[%add3A, %dma_wait3A_78, %dma_wait3A_79] : memref<32x160x64xi32, #tpu.memory_space<hbm>> -> memref<1x160x64xi32, #tpu.memory_space<hbm>>
        %dma_wait3A_81 = tpu.memref_squeeze %dma_wait3A_80 : memref<1x160x64xi32, #tpu.memory_space<hbm>> -> memref<160x64xi32, #tpu.memory_space<hbm>>
        %dma_wait3A_82 = arith.constant 0 : i32
        %dma_wait3A_83 = tpu.memref_slice %dma_wait3A_81[%mul3A_32, %dma_wait3A_82] : memref<160x64xi32, #tpu.memory_space<hbm>> -> memref<32x64xi32, #tpu.memory_space<hbm>>
        tpu.wait_dma2 semaphore(%run_scoped3A_60 : memref<!tpu.dma_semaphore, #tpu.memory_space<semaphore_mem>>) src(%dma_wait3A_83 : memref<32x64xi32, #tpu.memory_space<hbm>>) dst(%arg9 : memref<32x64xi32, #tpu.memory_space<vmem>>)
        tpu.yield
      }) : () -> ()
      %mul3A_33 = arith.constant 32 : i32
      %mul3A_34 = arith.muli %add3A_30, %mul3A_33 : i32
      "tpu.region"() ({
        %run_scoped3A_60 = tpu.sem_alloc : memref<!tpu.dma_semaphore, #tpu.memory_space<semaphore_mem>>
        %dma_start3A_61 = arith.constant 0 : i32
        %dma_start3A_62 = arith.constant 0 : i32
        %dma_start3A_63 = tpu.memref_slice %arg3[%add3A, %dma_start3A_61, %dma_start3A_62] : memref<32x160x64xi32, #tpu.memory_space<hbm>> -> memref<1x160x64xi32, #tpu.memory_space<hbm>>
        %dma_start3A_64 = tpu.memref_squeeze %dma_start3A_63 : memref<1x160x64xi32, #tpu.memory_space<hbm>> -> memref<160x64xi32, #tpu.memory_space<hbm>>
        %dma_start3A_65 = arith.constant 0 : i32
        %dma_start3A_66 = tpu.memref_slice %dma_start3A_64[%mul3A_34, %dma_start3A_65] : memref<160x64xi32, #tpu.memory_space<hbm>> -> memref<32x64xi32, #tpu.memory_space<hbm>>
        %dma_start3A_67 = arith.constant 0 : i32
        %dma_start3A_68 = arith.constant 0 : i32
        %dma_start3A_69 = tpu.memref_slice %arg3[%add3A, %dma_start3A_67, %dma_start3A_68] : memref<32x160x64xi32, #tpu.memory_space<hbm>> -> memref<1x160x64xi32, #tpu.memory_space<hbm>>
        %dma_start3A_70 = tpu.memref_squeeze %dma_start3A_69 : memref<1x160x64xi32, #tpu.memory_space<hbm>> -> memref<160x64xi32, #tpu.memory_space<hbm>>
        %dma_start3A_71 = arith.constant 0 : i32
        %dma_start3A_72 = tpu.memref_slice %dma_start3A_70[%mul3A_34, %dma_start3A_71] : memref<160x64xi32, #tpu.memory_space<hbm>> -> memref<32x64xi32, #tpu.memory_space<hbm>>
        tpu.enqueue_dma source(%dma_start3A_72 : memref<32x64xi32, #tpu.memory_space<hbm>>) target(%arg10 : memref<32x64xi32, #tpu.memory_space<vmem>>) target_semaphore(%run_scoped3A_60 : memref<!tpu.dma_semaphore, #tpu.memory_space<semaphore_mem>>)
        %dma_wait3A = arith.constant 0 : i32
        %dma_wait3A_73 = arith.constant 0 : i32
        %dma_wait3A_74 = tpu.memref_slice %arg3[%add3A, %dma_wait3A, %dma_wait3A_73] : memref<32x160x64xi32, #tpu.memory_space<hbm>> -> memref<1x160x64xi32, #tpu.memory_space<hbm>>
        %dma_wait3A_75 = tpu.memref_squeeze %dma_wait3A_74 : memref<1x160x64xi32, #tpu.memory_space<hbm>> -> memref<160x64xi32, #tpu.memory_space<hbm>>
        %dma_wait3A_76 = arith.constant 0 : i32
        %dma_wait3A_77 = tpu.memref_slice %dma_wait3A_75[%mul3A_34, %dma_wait3A_76] : memref<160x64xi32, #tpu.memory_space<hbm>> -> memref<32x64xi32, #tpu.memory_space<hbm>>
        %dma_wait3A_78 = arith.constant 0 : i32
        %dma_wait3A_79 = arith.constant 0 : i32
        %dma_wait3A_80 = tpu.memref_slice %arg3[%add3A, %dma_wait3A_78, %dma_wait3A_79] : memref<32x160x64xi32, #tpu.memory_space<hbm>> -> memref<1x160x64xi32, #tpu.memory_space<hbm>>
        %dma_wait3A_81 = tpu.memref_squeeze %dma_wait3A_80 : memref<1x160x64xi32, #tpu.memory_space<hbm>> -> memref<160x64xi32, #tpu.memory_space<hbm>>
        %dma_wait3A_82 = arith.constant 0 : i32
        %dma_wait3A_83 = tpu.memref_slice %dma_wait3A_81[%mul3A_34, %dma_wait3A_82] : memref<160x64xi32, #tpu.memory_space<hbm>> -> memref<32x64xi32, #tpu.memory_space<hbm>>
        tpu.wait_dma2 semaphore(%run_scoped3A_60 : memref<!tpu.dma_semaphore, #tpu.memory_space<semaphore_mem>>) src(%dma_wait3A_83 : memref<32x64xi32, #tpu.memory_space<hbm>>) dst(%arg10 : memref<32x64xi32, #tpu.memory_space<vmem>>)
        tpu.yield
      }) : () -> ()
      %mul3A_35 = arith.constant 32 : i32
      %mul3A_36 = arith.muli %add3A_30, %mul3A_35 : i32
      "tpu.region"() ({
        %run_scoped3A_60 = tpu.sem_alloc : memref<!tpu.dma_semaphore, #tpu.memory_space<semaphore_mem>>
        %dma_start3A_61 = arith.constant 0 : i32
        %dma_start3A_62 = arith.constant 0 : i32
        %dma_start3A_63 = tpu.memref_slice %arg4[%add3A, %dma_start3A_61, %dma_start3A_62] : memref<32x160x64xf32, #tpu.memory_space<hbm>> -> memref<1x160x64xf32, #tpu.memory_space<hbm>>
        %dma_start3A_64 = tpu.memref_squeeze %dma_start3A_63 : memref<1x160x64xf32, #tpu.memory_space<hbm>> -> memref<160x64xf32, #tpu.memory_space<hbm>>
        %dma_start3A_65 = arith.constant 0 : i32
        %dma_start3A_66 = tpu.memref_slice %dma_start3A_64[%mul3A_36, %dma_start3A_65] : memref<160x64xf32, #tpu.memory_space<hbm>> -> memref<32x64xf32, #tpu.memory_space<hbm>>
        %dma_start3A_67 = arith.constant 0 : i32
        %dma_start3A_68 = arith.constant 0 : i32
        %dma_start3A_69 = tpu.memref_slice %arg4[%add3A, %dma_start3A_67, %dma_start3A_68] : memref<32x160x64xf32, #tpu.memory_space<hbm>> -> memref<1x160x64xf32, #tpu.memory_space<hbm>>
        %dma_start3A_70 = tpu.memref_squeeze %dma_start3A_69 : memref<1x160x64xf32, #tpu.memory_space<hbm>> -> memref<160x64xf32, #tpu.memory_space<hbm>>
        %dma_start3A_71 = arith.constant 0 : i32
        %dma_start3A_72 = tpu.memref_slice %dma_start3A_70[%mul3A_36, %dma_start3A_71] : memref<160x64xf32, #tpu.memory_space<hbm>> -> memref<32x64xf32, #tpu.memory_space<hbm>>
        tpu.enqueue_dma source(%dma_start3A_72 : memref<32x64xf32, #tpu.memory_space<hbm>>) target(%arg11 : memref<32x64xf32, #tpu.memory_space<vmem>>) target_semaphore(%run_scoped3A_60 : memref<!tpu.dma_semaphore, #tpu.memory_space<semaphore_mem>>)
        %dma_wait3A = arith.constant 0 : i32
        %dma_wait3A_73 = arith.constant 0 : i32
        %dma_wait3A_74 = tpu.memref_slice %arg4[%add3A, %dma_wait3A, %dma_wait3A_73] : memref<32x160x64xf32, #tpu.memory_space<hbm>> -> memref<1x160x64xf32, #tpu.memory_space<hbm>>
        %dma_wait3A_75 = tpu.memref_squeeze %dma_wait3A_74 : memref<1x160x64xf32, #tpu.memory_space<hbm>> -> memref<160x64xf32, #tpu.memory_space<hbm>>
        %dma_wait3A_76 = arith.constant 0 : i32
        %dma_wait3A_77 = tpu.memref_slice %dma_wait3A_75[%mul3A_36, %dma_wait3A_76] : memref<160x64xf32, #tpu.memory_space<hbm>> -> memref<32x64xf32, #tpu.memory_space<hbm>>
        %dma_wait3A_78 = arith.constant 0 : i32
        %dma_wait3A_79 = arith.constant 0 : i32
        %dma_wait3A_80 = tpu.memref_slice %arg4[%add3A, %dma_wait3A_78, %dma_wait3A_79] : memref<32x160x64xf32, #tpu.memory_space<hbm>> -> memref<1x160x64xf32, #tpu.memory_space<hbm>>
        %dma_wait3A_81 = tpu.memref_squeeze %dma_wait3A_80 : memref<1x160x64xf32, #tpu.memory_space<hbm>> -> memref<160x64xf32, #tpu.memory_space<hbm>>
        %dma_wait3A_82 = arith.constant 0 : i32
        %dma_wait3A_83 = tpu.memref_slice %dma_wait3A_81[%mul3A_36, %dma_wait3A_82] : memref<160x64xf32, #tpu.memory_space<hbm>> -> memref<32x64xf32, #tpu.memory_space<hbm>>
        tpu.wait_dma2 semaphore(%run_scoped3A_60 : memref<!tpu.dma_semaphore, #tpu.memory_space<semaphore_mem>>) src(%dma_wait3A_83 : memref<32x64xf32, #tpu.memory_space<hbm>>) dst(%arg11 : memref<32x64xf32, #tpu.memory_space<vmem>>)
        tpu.yield
      }) : () -> ()
      %dma_start3A = arith.constant 0 : i32
      %dma_start3A_37 = arith.constant 0 : i32
      %dma_start3A_38 = tpu.memref_slice %arg10[%dma_start3A, %dma_start3A_37] : memref<32x64xi32, #tpu.memory_space<vmem>> -> memref<1x64xi32, #tpu.memory_space<vmem>>
      %dma_start3A_39 = tpu.memref_squeeze %dma_start3A_38 : memref<1x64xi32, #tpu.memory_space<vmem>> -> memref<64xi32, #tpu.memory_space<vmem>>
      %dma_start3A_40 = arith.constant 0 : i32
      %dma_start3A_41 = arith.constant 0 : i32
      %dma_start3A_42 = tpu.memref_slice %arg6[%dma_start3A_40, %dma_start3A_41] : memref<10240x128xf32, #tpu.memory_space<hbm>> -> memref<10240x128xf32, #tpu.memory_space<hbm>>
      tpu.enqueue_indirect_dma source(%dma_start3A_42 : memref<10240x128xf32, #tpu.memory_space<hbm>>) target(%arg12 : memref<64x128xf32, #tpu.memory_space<vmem>>) offsets(%dma_start3A_39 : memref<64xi32, #tpu.memory_space<vmem>>) semaphore(%arg16 : memref<!tpu.dma_semaphore, #tpu.memory_space<semaphore_mem>>)
      %dma_start3A_43 = arith.constant 1 : i32
      %dma_start3A_44 = arith.constant 0 : i32
      %dma_start3A_45 = tpu.memref_slice %arg10[%dma_start3A_43, %dma_start3A_44] : memref<32x64xi32, #tpu.memory_space<vmem>> -> memref<1x64xi32, #tpu.memory_space<vmem>>
      %dma_start3A_46 = tpu.memref_squeeze %dma_start3A_45 : memref<1x64xi32, #tpu.memory_space<vmem>> -> memref<64xi32, #tpu.memory_space<vmem>>
      %dma_start3A_47 = arith.constant 0 : i32
      %dma_start3A_48 = arith.constant 0 : i32
      %dma_start3A_49 = tpu.memref_slice %arg6[%dma_start3A_47, %dma_start3A_48] : memref<10240x128xf32, #tpu.memory_space<hbm>> -> memref<10240x128xf32, #tpu.memory_space<hbm>>
      tpu.enqueue_indirect_dma source(%dma_start3A_49 : memref<10240x128xf32, #tpu.memory_space<hbm>>) target(%arg13 : memref<64x128xf32, #tpu.memory_space<vmem>>) offsets(%dma_start3A_46 : memref<64xi32, #tpu.memory_space<vmem>>) semaphore(%arg17 : memref<!tpu.dma_semaphore, #tpu.memory_space<semaphore_mem>>)
      %scan3A_50 = arith.constant 0 : i32
      %scan3A_51 = arith.constant 32 : i32
      %scan3A_52 = arith.addi %scan3A_50, %scan3A_51 : i32
      %scan3A_53 = arith.constant 1 : i32
      scf.for %scan3A_60 = %scan3A_50 to %scan3A_52 step %scan3A_53  : i32 {
        %mul3A_61 = arith.constant 1 : i32
        %mul3A_62 = arith.muli %scan3A_60, %mul3A_61 : i32
        %add3A_63 = arith.constant 0 : i32
        %add3A_64 = arith.addi %add3A_63, %mul3A_62 : i32
        %get3A = arith.index_cast %add3A_64 : i32 to index
        %get3A_65 = arith.constant 0 : index
        %get3A_66 = tpu.vector_load %arg9[%get3A, %get3A_65] {strides = array<i32>} : memref<32x64xi32, #tpu.memory_space<vmem>>, vector<16xi32>,
        %gather3A = tpu.vector_load_idx %arg14[%get3A_66] : memref<10240xf32, #tpu.memory_space<vmem>>[vector<16xi32>], vector<16xf32>,
        %get3A_67 = arith.index_cast %add3A_64 : i32 to index
        %get3A_68 = arith.constant 0 : index
        %get3A_69 = tpu.vector_load %arg10[%get3A_67, %get3A_68] {strides = array<i32>} : memref<32x64xi32, #tpu.memory_space<vmem>>, vector<16xi32>,
        %gather3A_70 = tpu.vector_load_idx %arg14[%get3A_69] : memref<10240xf32, #tpu.memory_space<vmem>>[vector<16xi32>], vector<16xf32>,
        %get3A_71 = arith.index_cast %add3A_64 : i32 to index
        %get3A_72 = arith.constant 0 : index
        %get3A_73 = tpu.vector_load %arg11[%get3A_71, %get3A_72] {strides = array<i32>} : memref<32x64xf32, #tpu.memory_space<vmem>>, vector<16xf32>,
        %mul3A_74 = arith.mulf %get3A_73, %gather3A : vector<16xf32>
        %mul3A_75 = arith.mulf %mul3A_74, %gather3A_70 : vector<16xf32>
        %swap3A = arith.index_cast %add3A_64 : i32 to index
        %swap3A_76 = arith.constant 0 : index
        %swap3A_77 = tpu.vector_load %arg11[%swap3A, %swap3A_76] {strides = array<i32>} : memref<32x64xf32, #tpu.memory_space<vmem>>, vector<16xf32>,
        tpu.vector_store %arg11[%swap3A, %swap3A_76], %mul3A_75 {strides = array<i32>} : memref<32x64xf32, #tpu.memory_space<vmem>>, vector<16xf32>,
        %get3A_78 = arith.index_cast %add3A_64 : i32 to index
        %get3A_79 = arith.constant 16 : index
        %get3A_80 = tpu.vector_load %arg9[%get3A_78, %get3A_79] {strides = array<i32>} : memref<32x64xi32, #tpu.memory_space<vmem>>, vector<16xi32>,
        %gather3A_81 = tpu.vector_load_idx %arg14[%get3A_80] : memref<10240xf32, #tpu.memory_space<vmem>>[vector<16xi32>], vector<16xf32>,
        %get3A_82 = arith.index_cast %add3A_64 : i32 to index
        %get3A_83 = arith.constant 16 : index
        %get3A_84 = tpu.vector_load %arg10[%get3A_82, %get3A_83] {strides = array<i32>} : memref<32x64xi32, #tpu.memory_space<vmem>>, vector<16xi32>,
        %gather3A_85 = tpu.vector_load_idx %arg14[%get3A_84] : memref<10240xf32, #tpu.memory_space<vmem>>[vector<16xi32>], vector<16xf32>,
        %get3A_86 = arith.index_cast %add3A_64 : i32 to index
        %get3A_87 = arith.constant 16 : index
        %get3A_88 = tpu.vector_load %arg11[%get3A_86, %get3A_87] {strides = array<i32>} : memref<32x64xf32, #tpu.memory_space<vmem>>, vector<16xf32>,
        %mul3A_89 = arith.mulf %get3A_88, %gather3A_81 : vector<16xf32>
        %mul3A_90 = arith.mulf %mul3A_89, %gather3A_85 : vector<16xf32>
        %swap3A_91 = arith.index_cast %add3A_64 : i32 to index
        %swap3A_92 = arith.constant 16 : index
        %swap3A_93 = tpu.vector_load %arg11[%swap3A_91, %swap3A_92] {strides = array<i32>} : memref<32x64xf32, #tpu.memory_space<vmem>>, vector<16xf32>,
        tpu.vector_store %arg11[%swap3A_91, %swap3A_92], %mul3A_90 {strides = array<i32>} : memref<32x64xf32, #tpu.memory_space<vmem>>, vector<16xf32>,
        %get3A_94 = arith.index_cast %add3A_64 : i32 to index
        %get3A_95 = arith.constant 32 : index
        %get3A_96 = tpu.vector_load %arg9[%get3A_94, %get3A_95] {strides = array<i32>} : memref<32x64xi32, #tpu.memory_space<vmem>>, vector<16xi32>,
        %gather3A_97 = tpu.vector_load_idx %arg14[%get3A_96] : memref<10240xf32, #tpu.memory_space<vmem>>[vector<16xi32>], vector<16xf32>,
        %get3A_98 = arith.index_cast %add3A_64 : i32 to index
        %get3A_99 = arith.constant 32 : index
        %get3A_100 = tpu.vector_load %arg10[%get3A_98, %get3A_99] {strides = array<i32>} : memref<32x64xi32, #tpu.memory_space<vmem>>, vector<16xi32>,
        %gather3A_101 = tpu.vector_load_idx %arg14[%get3A_100] : memref<10240xf32, #tpu.memory_space<vmem>>[vector<16xi32>], vector<16xf32>,
        %get3A_102 = arith.index_cast %add3A_64 : i32 to index
        %get3A_103 = arith.constant 32 : index
        %get3A_104 = tpu.vector_load %arg11[%get3A_102, %get3A_103] {strides = array<i32>} : memref<32x64xf32, #tpu.memory_space<vmem>>, vector<16xf32>,
        %mul3A_105 = arith.mulf %get3A_104, %gather3A_97 : vector<16xf32>
        %mul3A_106 = arith.mulf %mul3A_105, %gather3A_101 : vector<16xf32>
        %swap3A_107 = arith.index_cast %add3A_64 : i32 to index
        %swap3A_108 = arith.constant 32 : index
        %swap3A_109 = tpu.vector_load %arg11[%swap3A_107, %swap3A_108] {strides = array<i32>} : memref<32x64xf32, #tpu.memory_space<vmem>>, vector<16xf32>,
        tpu.vector_store %arg11[%swap3A_107, %swap3A_108], %mul3A_106 {strides = array<i32>} : memref<32x64xf32, #tpu.memory_space<vmem>>, vector<16xf32>,
        %get3A_110 = arith.index_cast %add3A_64 : i32 to index
        %get3A_111 = arith.constant 48 : index
        %get3A_112 = tpu.vector_load %arg9[%get3A_110, %get3A_111] {strides = array<i32>} : memref<32x64xi32, #tpu.memory_space<vmem>>, vector<16xi32>,
        %gather3A_113 = tpu.vector_load_idx %arg14[%get3A_112] : memref<10240xf32, #tpu.memory_space<vmem>>[vector<16xi32>], vector<16xf32>,
        %get3A_114 = arith.index_cast %add3A_64 : i32 to index
        %get3A_115 = arith.constant 48 : index
        %get3A_116 = tpu.vector_load %arg10[%get3A_114, %get3A_115] {strides = array<i32>} : memref<32x64xi32, #tpu.memory_space<vmem>>, vector<16xi32>,
        %gather3A_117 = tpu.vector_load_idx %arg14[%get3A_116] : memref<10240xf32, #tpu.memory_space<vmem>>[vector<16xi32>], vector<16xf32>,
        %get3A_118 = arith.index_cast %add3A_64 : i32 to index
        %get3A_119 = arith.constant 48 : index
        %get3A_120 = tpu.vector_load %arg11[%get3A_118, %get3A_119] {strides = array<i32>} : memref<32x64xf32, #tpu.memory_space<vmem>>, vector<16xf32>,
        %mul3A_121 = arith.mulf %get3A_120, %gather3A_113 : vector<16xf32>
        %mul3A_122 = arith.mulf %mul3A_121, %gather3A_117 : vector<16xf32>
        %swap3A_123 = arith.index_cast %add3A_64 : i32 to index
        %swap3A_124 = arith.constant 48 : index
        %swap3A_125 = tpu.vector_load %arg11[%swap3A_123, %swap3A_124] {strides = array<i32>} : memref<32x64xf32, #tpu.memory_space<vmem>>, vector<16xf32>,
        tpu.vector_store %arg11[%swap3A_123, %swap3A_124], %mul3A_122 {strides = array<i32>} : memref<32x64xf32, #tpu.memory_space<vmem>>, vector<16xf32>,
      }
      %scan3A_54 = arith.constant 32 : i32
      %scan3A_55 = arith.constant 0 : i32
      %scan3A_56 = arith.constant 16 : i32
      %scan3A_57 = arith.addi %scan3A_55, %scan3A_56 : i32
      %scan3A_58 = arith.constant 1 : i32
      scf.for %scan3A_60 = %scan3A_55 to %scan3A_57 step %scan3A_58  : i32 {
        %mul3A_61 = arith.constant 2 : i32
        %mul3A_62 = arith.muli %scan3A_60, %mul3A_61 : i32
        %add3A_63 = arith.constant 0 : i32
        %add3A_64 = arith.addi %add3A_63, %mul3A_62 : i32
        %dma_wait3A = arith.constant 0 : i32
        %dma_wait3A_65 = arith.constant 0 : i32
        %dma_wait3A_66 = tpu.memref_slice %arg6[%dma_wait3A, %dma_wait3A_65] : memref<10240x128xf32, #tpu.memory_space<hbm>> -> memref<64x128xf32, #tpu.memory_space<hbm>>
        %dma_wait3A_67 = arith.constant 0 : i32
        %dma_wait3A_68 = arith.constant 0 : i32
        %dma_wait3A_69 = tpu.memref_slice %arg6[%dma_wait3A_67, %dma_wait3A_68] : memref<10240x128xf32, #tpu.memory_space<hbm>> -> memref<64x128xf32, #tpu.memory_space<hbm>>
        tpu.wait_dma2 semaphore(%arg16 : memref<!tpu.dma_semaphore, #tpu.memory_space<semaphore_mem>>) src(%dma_wait3A_69 : memref<64x128xf32, #tpu.memory_space<hbm>>) dst(%arg12 : memref<64x128xf32, #tpu.memory_space<vmem>>)
        %scan3A_70 = arith.constant 0 : i32
        %scan3A_71 = arith.constant 16 : i32
        %scan3A_72 = arith.addi %scan3A_70, %scan3A_71 : i32
        %scan3A_73 = arith.constant 1 : i32
        scf.for %scan3A_101 = %scan3A_70 to %scan3A_72 step %scan3A_73  : i32 {
          %mul3A_102 = arith.constant 4 : i32
          %mul3A_103 = arith.muli %scan3A_101, %mul3A_102 : i32
          %add3A_104 = arith.constant 0 : i32
          %add3A_105 = arith.addi %add3A_104, %mul3A_103 : i32
          %broadcast_in_dim3A = vector.broadcast %add3A_64 : i32 to vector<16xi32>
          %add3A_106 = arith.constant 0 : i32
          %add3A_107 = arith.addi %add3A_105, %add3A_106 : i32
          %broadcast_in_dim3A_108 = vector.broadcast %add3A_107 : i32 to vector<16xi32>
          %gather3A = tpu.vector_load_idx %arg11[%broadcast_in_dim3A, %broadcast_in_dim3A_108] : memref<32x64xf32, #tpu.memory_space<vmem>>[vector<16xi32>, vector<16xi32>], vector<16xf32>,
          %add3A_109 = arith.constant 0 : i32
          %add3A_110 = arith.addi %add3A_105, %add3A_109 : i32
          %get3A = arith.index_cast %add3A_110 : i32 to index
          %get3A_111 = arith.constant 0 : index
          %get3A_112 = tpu.vector_load %arg12[%get3A, %get3A_111] {strides = array<i32>} : memref<64x128xf32, #tpu.memory_space<vmem>>, vector<16xf32>,
          %mul3A_113 = arith.mulf %get3A_112, %gather3A : vector<16xf32>
          %add3A_114 = arith.constant 0 : i32
          %add3A_115 = arith.addi %add3A_105, %add3A_114 : i32
          %swap3A = arith.index_cast %add3A_115 : i32 to index
          %swap3A_116 = arith.constant 0 : index
          %swap3A_117 = tpu.vector_load %arg12[%swap3A, %swap3A_116] {strides = array<i32>} : memref<64x128xf32, #tpu.memory_space<vmem>>, vector<16xf32>,
          tpu.vector_store %arg12[%swap3A, %swap3A_116], %mul3A_113 {strides = array<i32>} : memref<64x128xf32, #tpu.memory_space<vmem>>, vector<16xf32>,
          %add3A_118 = arith.constant 0 : i32
          %add3A_119 = arith.addi %add3A_105, %add3A_118 : i32
          %get3A_120 = arith.index_cast %add3A_119 : i32 to index
          %get3A_121 = arith.constant 16 : index
          %get3A_122 = tpu.vector_load %arg12[%get3A_120, %get3A_121] {strides = array<i32>} : memref<64x128xf32, #tpu.memory_space<vmem>>, vector<16xf32>,
          %mul3A_123 = arith.mulf %get3A_122, %gather3A : vector<16xf32>
          %add3A_124 = arith.constant 0 : i32
          %add3A_125 = arith.addi %add3A_105, %add3A_124 : i32
          %swap3A_126 = arith.index_cast %add3A_125 : i32 to index
          %swap3A_127 = arith.constant 16 : index
          %swap3A_128 = tpu.vector_load %arg12[%swap3A_126, %swap3A_127] {strides = array<i32>} : memref<64x128xf32, #tpu.memory_space<vmem>>, vector<16xf32>,
          tpu.vector_store %arg12[%swap3A_126, %swap3A_127], %mul3A_123 {strides = array<i32>} : memref<64x128xf32, #tpu.memory_space<vmem>>, vector<16xf32>,
          %add3A_129 = arith.constant 0 : i32
          %add3A_130 = arith.addi %add3A_105, %add3A_129 : i32
          %get3A_131 = arith.index_cast %add3A_130 : i32 to index
          %get3A_132 = arith.constant 32 : index
          %get3A_133 = tpu.vector_load %arg12[%get3A_131, %get3A_132] {strides = array<i32>} : memref<64x128xf32, #tpu.memory_space<vmem>>, vector<16xf32>,
          %mul3A_134 = arith.mulf %get3A_133, %gather3A : vector<16xf32>
          %add3A_135 = arith.constant 0 : i32
          %add3A_136 = arith.addi %add3A_105, %add3A_135 : i32
          %swap3A_137 = arith.index_cast %add3A_136 : i32 to index
          %swap3A_138 = arith.constant 32 : index
          %swap3A_139 = tpu.vector_load %arg12[%swap3A_137, %swap3A_138] {strides = array<i32>} : memref<64x128xf32, #tpu.memory_space<vmem>>, vector<16xf32>,
          tpu.vector_store %arg12[%swap3A_137, %swap3A_138], %mul3A_134 {strides = array<i32>} : memref<64x128xf32, #tpu.memory_space<vmem>>, vector<16xf32>,
          %add3A_140 = arith.constant 0 : i32
          %add3A_141 = arith.addi %add3A_105, %add3A_140 : i32
          %get3A_142 = arith.index_cast %add3A_141 : i32 to index
          %get3A_143 = arith.constant 48 : index
          %get3A_144 = tpu.vector_load %arg12[%get3A_142, %get3A_143] {strides = array<i32>} : memref<64x128xf32, #tpu.memory_space<vmem>>, vector<16xf32>,
          %mul3A_145 = arith.mulf %get3A_144, %gather3A : vector<16xf32>
          %add3A_146 = arith.constant 0 : i32
          %add3A_147 = arith.addi %add3A_105, %add3A_146 : i32
          %swap3A_148 = arith.index_cast %add3A_147 : i32 to index
          %swap3A_149 = arith.constant 48 : index
          %swap3A_150 = tpu.vector_load %arg12[%swap3A_148, %swap3A_149] {strides = array<i32>} : memref<64x128xf32, #tpu.memory_space<vmem>>, vector<16xf32>,
          tpu.vector_store %arg12[%swap3A_148, %swap3A_149], %mul3A_145 {strides = array<i32>} : memref<64x128xf32, #tpu.memory_space<vmem>>, vector<16xf32>,
          %add3A_151 = arith.constant 0 : i32
          %add3A_152 = arith.addi %add3A_105, %add3A_151 : i32
          %get3A_153 = arith.index_cast %add3A_152 : i32 to index
          %get3A_154 = arith.constant 64 : index
          %get3A_155 = tpu.vector_load %arg12[%get3A_153, %get3A_154] {strides = array<i32>} : memref<64x128xf32, #tpu.memory_space<vmem>>, vector<16xf32>,
          %mul3A_156 = arith.mulf %get3A_155, %gather3A : vector<16xf32>
          %add3A_157 = arith.constant 0 : i32
          %add3A_158 = arith.addi %add3A_105, %add3A_157 : i32
          %swap3A_159 = arith.index_cast %add3A_158 : i32 to index
          %swap3A_160 = arith.constant 64 : index
          %swap3A_161 = tpu.vector_load %arg12[%swap3A_159, %swap3A_160] {strides = array<i32>} : memref<64x128xf32, #tpu.memory_space<vmem>>, vector<16xf32>,
          tpu.vector_store %arg12[%swap3A_159, %swap3A_160], %mul3A_156 {strides = array<i32>} : memref<64x128xf32, #tpu.memory_space<vmem>>, vector<16xf32>,
          %add3A_162 = arith.constant 0 : i32
          %add3A_163 = arith.addi %add3A_105, %add3A_162 : i32
          %get3A_164 = arith.index_cast %add3A_163 : i32 to index
          %get3A_165 = arith.constant 80 : index
          %get3A_166 = tpu.vector_load %arg12[%get3A_164, %get3A_165] {strides = array<i32>} : memref<64x128xf32, #tpu.memory_space<vmem>>, vector<16xf32>,
          %mul3A_167 = arith.mulf %get3A_166, %gather3A : vector<16xf32>
          %add3A_168 = arith.constant 0 : i32
          %add3A_169 = arith.addi %add3A_105, %add3A_168 : i32
          %swap3A_170 = arith.index_cast %add3A_169 : i32 to index
          %swap3A_171 = arith.constant 80 : index
          %swap3A_172 = tpu.vector_load %arg12[%swap3A_170, %swap3A_171] {strides = array<i32>} : memref<64x128xf32, #tpu.memory_space<vmem>>, vector<16xf32>,
          tpu.vector_store %arg12[%swap3A_170, %swap3A_171], %mul3A_167 {strides = array<i32>} : memref<64x128xf32, #tpu.memory_space<vmem>>, vector<16xf32>,
          %add3A_173 = arith.constant 0 : i32
          %add3A_174 = arith.addi %add3A_105, %add3A_173 : i32
          %get3A_175 = arith.index_cast %add3A_174 : i32 to index
          %get3A_176 = arith.constant 96 : index
          %get3A_177 = tpu.vector_load %arg12[%get3A_175, %get3A_176] {strides = array<i32>} : memref<64x128xf32, #tpu.memory_space<vmem>>, vector<16xf32>,
          %mul3A_178 = arith.mulf %get3A_177, %gather3A : vector<16xf32>
          %add3A_179 = arith.constant 0 : i32
          %add3A_180 = arith.addi %add3A_105, %add3A_179 : i32
          %swap3A_181 = arith.index_cast %add3A_180 : i32 to index
          %swap3A_182 = arith.constant 96 : index
          %swap3A_183 = tpu.vector_load %arg12[%swap3A_181, %swap3A_182] {strides = array<i32>} : memref<64x128xf32, #tpu.memory_space<vmem>>, vector<16xf32>,
          tpu.vector_store %arg12[%swap3A_181, %swap3A_182], %mul3A_178 {strides = array<i32>} : memref<64x128xf32, #tpu.memory_space<vmem>>, vector<16xf32>,
          %add3A_184 = arith.constant 0 : i32
          %add3A_185 = arith.addi %add3A_105, %add3A_184 : i32
          %get3A_186 = arith.index_cast %add3A_185 : i32 to index
          %get3A_187 = arith.constant 112 : index
          %get3A_188 = tpu.vector_load %arg12[%get3A_186, %get3A_187] {strides = array<i32>} : memref<64x128xf32, #tpu.memory_space<vmem>>, vector<16xf32>,
          %mul3A_189 = arith.mulf %get3A_188, %gather3A : vector<16xf32>
          %add3A_190 = arith.constant 0 : i32
          %add3A_191 = arith.addi %add3A_105, %add3A_190 : i32
          %swap3A_192 = arith.index_cast %add3A_191 : i32 to index
          %swap3A_193 = arith.constant 112 : index
          %swap3A_194 = tpu.vector_load %arg12[%swap3A_192, %swap3A_193] {strides = array<i32>} : memref<64x128xf32, #tpu.memory_space<vmem>>, vector<16xf32>,
          tpu.vector_store %arg12[%swap3A_192, %swap3A_193], %mul3A_189 {strides = array<i32>} : memref<64x128xf32, #tpu.memory_space<vmem>>, vector<16xf32>,
          %broadcast_in_dim3A_195 = vector.broadcast %add3A_64 : i32 to vector<16xi32>
          %add3A_196 = arith.constant 1 : i32
          %add3A_197 = arith.addi %add3A_105, %add3A_196 : i32
          %broadcast_in_dim3A_198 = vector.broadcast %add3A_197 : i32 to vector<16xi32>
          %gather3A_199 = tpu.vector_load_idx %arg11[%broadcast_in_dim3A_195, %broadcast_in_dim3A_198] : memref<32x64xf32, #tpu.memory_space<vmem>>[vector<16xi32>, vector<16xi32>], vector<16xf32>,
          %add3A_200 = arith.constant 1 : i32
          %add3A_201 = arith.addi %add3A_105, %add3A_200 : i32
          %get3A_202 = arith.index_cast %add3A_201 : i32 to index
          %get3A_203 = arith.constant 0 : index
          %get3A_204 = tpu.vector_load %arg12[%get3A_202, %get3A_203] {strides = array<i32>} : memref<64x128xf32, #tpu.memory_space<vmem>>, vector<16xf32>,
          %mul3A_205 = arith.mulf %get3A_204, %gather3A_199 : vector<16xf32>
          %add3A_206 = arith.constant 1 : i32
          %add3A_207 = arith.addi %add3A_105, %add3A_206 : i32
          %swap3A_208 = arith.index_cast %add3A_207 : i32 to index
          %swap3A_209 = arith.constant 0 : index
          %swap3A_210 = tpu.vector_load %arg12[%swap3A_208, %swap3A_209] {strides = array<i32>} : memref<64x128xf32, #tpu.memory_space<vmem>>, vector<16xf32>,
          tpu.vector_store %arg12[%swap3A_208, %swap3A_209], %mul3A_205 {strides = array<i32>} : memref<64x128xf32, #tpu.memory_space<vmem>>, vector<16xf32>,
          %add3A_211 = arith.constant 1 : i32
          %add3A_212 = arith.addi %add3A_105, %add3A_211 : i32
          %get3A_213 = arith.index_cast %add3A_212 : i32 to index
          %get3A_214 = arith.constant 16 : index
          %get3A_215 = tpu.vector_load %arg12[%get3A_213, %get3A_214] {strides = array<i32>} : memref<64x128xf32, #tpu.memory_space<vmem>>, vector<16xf32>,
          %mul3A_216 = arith.mulf %get3A_215, %gather3A_199 : vector<16xf32>
          %add3A_217 = arith.constant 1 : i32
          %add3A_218 = arith.addi %add3A_105, %add3A_217 : i32
          %swap3A_219 = arith.index_cast %add3A_218 : i32 to index
          %swap3A_220 = arith.constant 16 : index
          %swap3A_221 = tpu.vector_load %arg12[%swap3A_219, %swap3A_220] {strides = array<i32>} : memref<64x128xf32, #tpu.memory_space<vmem>>, vector<16xf32>,
          tpu.vector_store %arg12[%swap3A_219, %swap3A_220], %mul3A_216 {strides = array<i32>} : memref<64x128xf32, #tpu.memory_space<vmem>>, vector<16xf32>,
          %add3A_222 = arith.constant 1 : i32
          %add3A_223 = arith.addi %add3A_105, %add3A_222 : i32
          %get3A_224 = arith.index_cast %add3A_223 : i32 to index
          %get3A_225 = arith.constant 32 : index
          %get3A_226 = tpu.vector_load %arg12[%get3A_224, %get3A_225] {strides = array<i32>} : memref<64x128xf32, #tpu.memory_space<vmem>>, vector<16xf32>,
          %mul3A_227 = arith.mulf %get3A_226, %gather3A_199 : vector<16xf32>
          %add3A_228 = arith.constant 1 : i32
          %add3A_229 = arith.addi %add3A_105, %add3A_228 : i32
          %swap3A_230 = arith.index_cast %add3A_229 : i32 to index
          %swap3A_231 = arith.constant 32 : index
          %swap3A_232 = tpu.vector_load %arg12[%swap3A_230, %swap3A_231] {strides = array<i32>} : memref<64x128xf32, #tpu.memory_space<vmem>>, vector<16xf32>,
          tpu.vector_store %arg12[%swap3A_230, %swap3A_231], %mul3A_227 {strides = array<i32>} : memref<64x128xf32, #tpu.memory_space<vmem>>, vector<16xf32>,
          %add3A_233 = arith.constant 1 : i32
          %add3A_234 = arith.addi %add3A_105, %add3A_233 : i32
          %get3A_235 = arith.index_cast %add3A_234 : i32 to index
          %get3A_236 = arith.constant 48 : index
          %get3A_237 = tpu.vector_load %arg12[%get3A_235, %get3A_236] {strides = array<i32>} : memref<64x128xf32, #tpu.memory_space<vmem>>, vector<16xf32>,
          %mul3A_238 = arith.mulf %get3A_237, %gather3A_199 : vector<16xf32>
          %add3A_239 = arith.constant 1 : i32
          %add3A_240 = arith.addi %add3A_105, %add3A_239 : i32
          %swap3A_241 = arith.index_cast %add3A_240 : i32 to index
          %swap3A_242 = arith.constant 48 : index
          %swap3A_243 = tpu.vector_load %arg12[%swap3A_241, %swap3A_242] {strides = array<i32>} : memref<64x128xf32, #tpu.memory_space<vmem>>, vector<16xf32>,
          tpu.vector_store %arg12[%swap3A_241, %swap3A_242], %mul3A_238 {strides = array<i32>} : memref<64x128xf32, #tpu.memory_space<vmem>>, vector<16xf32>,
          %add3A_244 = arith.constant 1 : i32
          %add3A_245 = arith.addi %add3A_105, %add3A_244 : i32
          %get3A_246 = arith.index_cast %add3A_245 : i32 to index
          %get3A_247 = arith.constant 64 : index
          %get3A_248 = tpu.vector_load %arg12[%get3A_246, %get3A_247] {strides = array<i32>} : memref<64x128xf32, #tpu.memory_space<vmem>>, vector<16xf32>,
          %mul3A_249 = arith.mulf %get3A_248, %gather3A_199 : vector<16xf32>
          %add3A_250 = arith.constant 1 : i32
          %add3A_251 = arith.addi %add3A_105, %add3A_250 : i32
          %swap3A_252 = arith.index_cast %add3A_251 : i32 to index
          %swap3A_253 = arith.constant 64 : index
          %swap3A_254 = tpu.vector_load %arg12[%swap3A_252, %swap3A_253] {strides = array<i32>} : memref<64x128xf32, #tpu.memory_space<vmem>>, vector<16xf32>,
          tpu.vector_store %arg12[%swap3A_252, %swap3A_253], %mul3A_249 {strides = array<i32>} : memref<64x128xf32, #tpu.memory_space<vmem>>, vector<16xf32>,
          %add3A_255 = arith.constant 1 : i32
          %add3A_256 = arith.addi %add3A_105, %add3A_255 : i32
          %get3A_257 = arith.index_cast %add3A_256 : i32 to index
          %get3A_258 = arith.constant 80 : index
          %get3A_259 = tpu.vector_load %arg12[%get3A_257, %get3A_258] {strides = array<i32>} : memref<64x128xf32, #tpu.memory_space<vmem>>, vector<16xf32>,
          %mul3A_260 = arith.mulf %get3A_259, %gather3A_199 : vector<16xf32>
          %add3A_261 = arith.constant 1 : i32
          %add3A_262 = arith.addi %add3A_105, %add3A_261 : i32
          %swap3A_263 = arith.index_cast %add3A_262 : i32 to index
          %swap3A_264 = arith.constant 80 : index
          %swap3A_265 = tpu.vector_load %arg12[%swap3A_263, %swap3A_264] {strides = array<i32>} : memref<64x128xf32, #tpu.memory_space<vmem>>, vector<16xf32>,
          tpu.vector_store %arg12[%swap3A_263, %swap3A_264], %mul3A_260 {strides = array<i32>} : memref<64x128xf32, #tpu.memory_space<vmem>>, vector<16xf32>,
          %add3A_266 = arith.constant 1 : i32
          %add3A_267 = arith.addi %add3A_105, %add3A_266 : i32
          %get3A_268 = arith.index_cast %add3A_267 : i32 to index
          %get3A_269 = arith.constant 96 : index
          %get3A_270 = tpu.vector_load %arg12[%get3A_268, %get3A_269] {strides = array<i32>} : memref<64x128xf32, #tpu.memory_space<vmem>>, vector<16xf32>,
          %mul3A_271 = arith.mulf %get3A_270, %gather3A_199 : vector<16xf32>
          %add3A_272 = arith.constant 1 : i32
          %add3A_273 = arith.addi %add3A_105, %add3A_272 : i32
          %swap3A_274 = arith.index_cast %add3A_273 : i32 to index
          %swap3A_275 = arith.constant 96 : index
          %swap3A_276 = tpu.vector_load %arg12[%swap3A_274, %swap3A_275] {strides = array<i32>} : memref<64x128xf32, #tpu.memory_space<vmem>>, vector<16xf32>,
          tpu.vector_store %arg12[%swap3A_274, %swap3A_275], %mul3A_271 {strides = array<i32>} : memref<64x128xf32, #tpu.memory_space<vmem>>, vector<16xf32>,
          %add3A_277 = arith.constant 1 : i32
          %add3A_278 = arith.addi %add3A_105, %add3A_277 : i32
          %get3A_279 = arith.index_cast %add3A_278 : i32 to index
          %get3A_280 = arith.constant 112 : index
          %get3A_281 = tpu.vector_load %arg12[%get3A_279, %get3A_280] {strides = array<i32>} : memref<64x128xf32, #tpu.memory_space<vmem>>, vector<16xf32>,
          %mul3A_282 = arith.mulf %get3A_281, %gather3A_199 : vector<16xf32>
          %add3A_283 = arith.constant 1 : i32
          %add3A_284 = arith.addi %add3A_105, %add3A_283 : i32
          %swap3A_285 = arith.index_cast %add3A_284 : i32 to index
          %swap3A_286 = arith.constant 112 : index
          %swap3A_287 = tpu.vector_load %arg12[%swap3A_285, %swap3A_286] {strides = array<i32>} : memref<64x128xf32, #tpu.memory_space<vmem>>, vector<16xf32>,
          tpu.vector_store %arg12[%swap3A_285, %swap3A_286], %mul3A_282 {strides = array<i32>} : memref<64x128xf32, #tpu.memory_space<vmem>>, vector<16xf32>,
          %broadcast_in_dim3A_288 = vector.broadcast %add3A_64 : i32 to vector<16xi32>
          %add3A_289 = arith.constant 2 : i32
          %add3A_290 = arith.addi %add3A_105, %add3A_289 : i32
          %broadcast_in_dim3A_291 = vector.broadcast %add3A_290 : i32 to vector<16xi32>
          %gather3A_292 = tpu.vector_load_idx %arg11[%broadcast_in_dim3A_288, %broadcast_in_dim3A_291] : memref<32x64xf32, #tpu.memory_space<vmem>>[vector<16xi32>, vector<16xi32>], vector<16xf32>,
          %add3A_293 = arith.constant 2 : i32
          %add3A_294 = arith.addi %add3A_105, %add3A_293 : i32
          %get3A_295 = arith.index_cast %add3A_294 : i32 to index
          %get3A_296 = arith.constant 0 : index
          %get3A_297 = tpu.vector_load %arg12[%get3A_295, %get3A_296] {strides = array<i32>} : memref<64x128xf32, #tpu.memory_space<vmem>>, vector<16xf32>,
          %mul3A_298 = arith.mulf %get3A_297, %gather3A_292 : vector<16xf32>
          %add3A_299 = arith.constant 2 : i32
          %add3A_300 = arith.addi %add3A_105, %add3A_299 : i32
          %swap3A_301 = arith.index_cast %add3A_300 : i32 to index
          %swap3A_302 = arith.constant 0 : index
          %swap3A_303 = tpu.vector_load %arg12[%swap3A_301, %swap3A_302] {strides = array<i32>} : memref<64x128xf32, #tpu.memory_space<vmem>>, vector<16xf32>,
          tpu.vector_store %arg12[%swap3A_301, %swap3A_302], %mul3A_298 {strides = array<i32>} : memref<64x128xf32, #tpu.memory_space<vmem>>, vector<16xf32>,
          %add3A_304 = arith.constant 2 : i32
          %add3A_305 = arith.addi %add3A_105, %add3A_304 : i32
          %get3A_306 = arith.index_cast %add3A_305 : i32 to index
          %get3A_307 = arith.constant 16 : index
          %get3A_308 = tpu.vector_load %arg12[%get3A_306, %get3A_307] {strides = array<i32>} : memref<64x128xf32, #tpu.memory_space<vmem>>, vector<16xf32>,
          %mul3A_309 = arith.mulf %get3A_308, %gather3A_292 : vector<16xf32>
          %add3A_310 = arith.constant 2 : i32
          %add3A_311 = arith.addi %add3A_105, %add3A_310 : i32
          %swap3A_312 = arith.index_cast %add3A_311 : i32 to index
          %swap3A_313 = arith.constant 16 : index
          %swap3A_314 = tpu.vector_load %arg12[%swap3A_312, %swap3A_313] {strides = array<i32>} : memref<64x128xf32, #tpu.memory_space<vmem>>, vector<16xf32>,
          tpu.vector_store %arg12[%swap3A_312, %swap3A_313], %mul3A_309 {strides = array<i32>} : memref<64x128xf32, #tpu.memory_space<vmem>>, vector<16xf32>,
          %add3A_315 = arith.constant 2 : i32
          %add3A_316 = arith.addi %add3A_105, %add3A_315 : i32
          %get3A_317 = arith.index_cast %add3A_316 : i32 to index
          %get3A_318 = arith.constant 32 : index
          %get3A_319 = tpu.vector_load %arg12[%get3A_317, %get3A_318] {strides = array<i32>} : memref<64x128xf32, #tpu.memory_space<vmem>>, vector<16xf32>,
          %mul3A_320 = arith.mulf %get3A_319, %gather3A_292 : vector<16xf32>
          %add3A_321 = arith.constant 2 : i32
          %add3A_322 = arith.addi %add3A_105, %add3A_321 : i32
          %swap3A_323 = arith.index_cast %add3A_322 : i32 to index
          %swap3A_324 = arith.constant 32 : index
          %swap3A_325 = tpu.vector_load %arg12[%swap3A_323, %swap3A_324] {strides = array<i32>} : memref<64x128xf32, #tpu.memory_space<vmem>>, vector<16xf32>,
          tpu.vector_store %arg12[%swap3A_323, %swap3A_324], %mul3A_320 {strides = array<i32>} : memref<64x128xf32, #tpu.memory_space<vmem>>, vector<16xf32>,
          %add3A_326 = arith.constant 2 : i32
          %add3A_327 = arith.addi %add3A_105, %add3A_326 : i32
          %get3A_328 = arith.index_cast %add3A_327 : i32 to index
          %get3A_329 = arith.constant 48 : index
          %get3A_330 = tpu.vector_load %arg12[%get3A_328, %get3A_329] {strides = array<i32>} : memref<64x128xf32, #tpu.memory_space<vmem>>, vector<16xf32>,
          %mul3A_331 = arith.mulf %get3A_330, %gather3A_292 : vector<16xf32>
          %add3A_332 = arith.constant 2 : i32
          %add3A_333 = arith.addi %add3A_105, %add3A_332 : i32
          %swap3A_334 = arith.index_cast %add3A_333 : i32 to index
          %swap3A_335 = arith.constant 48 : index
          %swap3A_336 = tpu.vector_load %arg12[%swap3A_334, %swap3A_335] {strides = array<i32>} : memref<64x128xf32, #tpu.memory_space<vmem>>, vector<16xf32>,
          tpu.vector_store %arg12[%swap3A_334, %swap3A_335], %mul3A_331 {strides = array<i32>} : memref<64x128xf32, #tpu.memory_space<vmem>>, vector<16xf32>,
          %add3A_337 = arith.constant 2 : i32
          %add3A_338 = arith.addi %add3A_105, %add3A_337 : i32
          %get3A_339 = arith.index_cast %add3A_338 : i32 to index
          %get3A_340 = arith.constant 64 : index
          %get3A_341 = tpu.vector_load %arg12[%get3A_339, %get3A_340] {strides = array<i32>} : memref<64x128xf32, #tpu.memory_space<vmem>>, vector<16xf32>,
          %mul3A_342 = arith.mulf %get3A_341, %gather3A_292 : vector<16xf32>
          %add3A_343 = arith.constant 2 : i32
          %add3A_344 = arith.addi %add3A_105, %add3A_343 : i32
          %swap3A_345 = arith.index_cast %add3A_344 : i32 to index
          %swap3A_346 = arith.constant 64 : index
          %swap3A_347 = tpu.vector_load %arg12[%swap3A_345, %swap3A_346] {strides = array<i32>} : memref<64x128xf32, #tpu.memory_space<vmem>>, vector<16xf32>,
          tpu.vector_store %arg12[%swap3A_345, %swap3A_346], %mul3A_342 {strides = array<i32>} : memref<64x128xf32, #tpu.memory_space<vmem>>, vector<16xf32>,
          %add3A_348 = arith.constant 2 : i32
          %add3A_349 = arith.addi %add3A_105, %add3A_348 : i32
          %get3A_350 = arith.index_cast %add3A_349 : i32 to index
          %get3A_351 = arith.constant 80 : index
          %get3A_352 = tpu.vector_load %arg12[%get3A_350, %get3A_351] {strides = array<i32>} : memref<64x128xf32, #tpu.memory_space<vmem>>, vector<16xf32>,
          %mul3A_353 = arith.mulf %get3A_352, %gather3A_292 : vector<16xf32>
          %add3A_354 = arith.constant 2 : i32
          %add3A_355 = arith.addi %add3A_105, %add3A_354 : i32
          %swap3A_356 = arith.index_cast %add3A_355 : i32 to index
          %swap3A_357 = arith.constant 80 : index
          %swap3A_358 = tpu.vector_load %arg12[%swap3A_356, %swap3A_357] {strides = array<i32>} : memref<64x128xf32, #tpu.memory_space<vmem>>, vector<16xf32>,
          tpu.vector_store %arg12[%swap3A_356, %swap3A_357], %mul3A_353 {strides = array<i32>} : memref<64x128xf32, #tpu.memory_space<vmem>>, vector<16xf32>,
          %add3A_359 = arith.constant 2 : i32
          %add3A_360 = arith.addi %add3A_105, %add3A_359 : i32
          %get3A_361 = arith.index_cast %add3A_360 : i32 to index
          %get3A_362 = arith.constant 96 : index
          %get3A_363 = tpu.vector_load %arg12[%get3A_361, %get3A_362] {strides = array<i32>} : memref<64x128xf32, #tpu.memory_space<vmem>>, vector<16xf32>,
          %mul3A_364 = arith.mulf %get3A_363, %gather3A_292 : vector<16xf32>
          %add3A_365 = arith.constant 2 : i32
          %add3A_366 = arith.addi %add3A_105, %add3A_365 : i32
          %swap3A_367 = arith.index_cast %add3A_366 : i32 to index
          %swap3A_368 = arith.constant 96 : index
          %swap3A_369 = tpu.vector_load %arg12[%swap3A_367, %swap3A_368] {strides = array<i32>} : memref<64x128xf32, #tpu.memory_space<vmem>>, vector<16xf32>,
          tpu.vector_store %arg12[%swap3A_367, %swap3A_368], %mul3A_364 {strides = array<i32>} : memref<64x128xf32, #tpu.memory_space<vmem>>, vector<16xf32>,
          %add3A_370 = arith.constant 2 : i32
          %add3A_371 = arith.addi %add3A_105, %add3A_370 : i32
          %get3A_372 = arith.index_cast %add3A_371 : i32 to index
          %get3A_373 = arith.constant 112 : index
          %get3A_374 = tpu.vector_load %arg12[%get3A_372, %get3A_373] {strides = array<i32>} : memref<64x128xf32, #tpu.memory_space<vmem>>, vector<16xf32>,
          %mul3A_375 = arith.mulf %get3A_374, %gather3A_292 : vector<16xf32>
          %add3A_376 = arith.constant 2 : i32
          %add3A_377 = arith.addi %add3A_105, %add3A_376 : i32
          %swap3A_378 = arith.index_cast %add3A_377 : i32 to index
          %swap3A_379 = arith.constant 112 : index
          %swap3A_380 = tpu.vector_load %arg12[%swap3A_378, %swap3A_379] {strides = array<i32>} : memref<64x128xf32, #tpu.memory_space<vmem>>, vector<16xf32>,
          tpu.vector_store %arg12[%swap3A_378, %swap3A_379], %mul3A_375 {strides = array<i32>} : memref<64x128xf32, #tpu.memory_space<vmem>>, vector<16xf32>,
          %broadcast_in_dim3A_381 = vector.broadcast %add3A_64 : i32 to vector<16xi32>
          %add3A_382 = arith.constant 3 : i32
          %add3A_383 = arith.addi %add3A_105, %add3A_382 : i32
          %broadcast_in_dim3A_384 = vector.broadcast %add3A_383 : i32 to vector<16xi32>
          %gather3A_385 = tpu.vector_load_idx %arg11[%broadcast_in_dim3A_381, %broadcast_in_dim3A_384] : memref<32x64xf32, #tpu.memory_space<vmem>>[vector<16xi32>, vector<16xi32>], vector<16xf32>,
          %add3A_386 = arith.constant 3 : i32
          %add3A_387 = arith.addi %add3A_105, %add3A_386 : i32
          %get3A_388 = arith.index_cast %add3A_387 : i32 to index
          %get3A_389 = arith.constant 0 : index
          %get3A_390 = tpu.vector_load %arg12[%get3A_388, %get3A_389] {strides = array<i32>} : memref<64x128xf32, #tpu.memory_space<vmem>>, vector<16xf32>,
          %mul3A_391 = arith.mulf %get3A_390, %gather3A_385 : vector<16xf32>
          %add3A_392 = arith.constant 3 : i32
          %add3A_393 = arith.addi %add3A_105, %add3A_392 : i32
          %swap3A_394 = arith.index_cast %add3A_393 : i32 to index
          %swap3A_395 = arith.constant 0 : index
          %swap3A_396 = tpu.vector_load %arg12[%swap3A_394, %swap3A_395] {strides = array<i32>} : memref<64x128xf32, #tpu.memory_space<vmem>>, vector<16xf32>,
          tpu.vector_store %arg12[%swap3A_394, %swap3A_395], %mul3A_391 {strides = array<i32>} : memref<64x128xf32, #tpu.memory_space<vmem>>, vector<16xf32>,
          %add3A_397 = arith.constant 3 : i32
          %add3A_398 = arith.addi %add3A_105, %add3A_397 : i32
          %get3A_399 = arith.index_cast %add3A_398 : i32 to index
          %get3A_400 = arith.constant 16 : index
          %get3A_401 = tpu.vector_load %arg12[%get3A_399, %get3A_400] {strides = array<i32>} : memref<64x128xf32, #tpu.memory_space<vmem>>, vector<16xf32>,
          %mul3A_402 = arith.mulf %get3A_401, %gather3A_385 : vector<16xf32>
          %add3A_403 = arith.constant 3 : i32
          %add3A_404 = arith.addi %add3A_105, %add3A_403 : i32
          %swap3A_405 = arith.index_cast %add3A_404 : i32 to index
          %swap3A_406 = arith.constant 16 : index
          %swap3A_407 = tpu.vector_load %arg12[%swap3A_405, %swap3A_406] {strides = array<i32>} : memref<64x128xf32, #tpu.memory_space<vmem>>, vector<16xf32>,
          tpu.vector_store %arg12[%swap3A_405, %swap3A_406], %mul3A_402 {strides = array<i32>} : memref<64x128xf32, #tpu.memory_space<vmem>>, vector<16xf32>,
          %add3A_408 = arith.constant 3 : i32
          %add3A_409 = arith.addi %add3A_105, %add3A_408 : i32
          %get3A_410 = arith.index_cast %add3A_409 : i32 to index
          %get3A_411 = arith.constant 32 : index
          %get3A_412 = tpu.vector_load %arg12[%get3A_410, %get3A_411] {strides = array<i32>} : memref<64x128xf32, #tpu.memory_space<vmem>>, vector<16xf32>,
          %mul3A_413 = arith.mulf %get3A_412, %gather3A_385 : vector<16xf32>
          %add3A_414 = arith.constant 3 : i32
          %add3A_415 = arith.addi %add3A_105, %add3A_414 : i32
          %swap3A_416 = arith.index_cast %add3A_415 : i32 to index
          %swap3A_417 = arith.constant 32 : index
          %swap3A_418 = tpu.vector_load %arg12[%swap3A_416, %swap3A_417] {strides = array<i32>} : memref<64x128xf32, #tpu.memory_space<vmem>>, vector<16xf32>,
          tpu.vector_store %arg12[%swap3A_416, %swap3A_417], %mul3A_413 {strides = array<i32>} : memref<64x128xf32, #tpu.memory_space<vmem>>, vector<16xf32>,
          %add3A_419 = arith.constant 3 : i32
          %add3A_420 = arith.addi %add3A_105, %add3A_419 : i32
          %get3A_421 = arith.index_cast %add3A_420 : i32 to index
          %get3A_422 = arith.constant 48 : index
          %get3A_423 = tpu.vector_load %arg12[%get3A_421, %get3A_422] {strides = array<i32>} : memref<64x128xf32, #tpu.memory_space<vmem>>, vector<16xf32>,
          %mul3A_424 = arith.mulf %get3A_423, %gather3A_385 : vector<16xf32>
          %add3A_425 = arith.constant 3 : i32
          %add3A_426 = arith.addi %add3A_105, %add3A_425 : i32
          %swap3A_427 = arith.index_cast %add3A_426 : i32 to index
          %swap3A_428 = arith.constant 48 : index
          %swap3A_429 = tpu.vector_load %arg12[%swap3A_427, %swap3A_428] {strides = array<i32>} : memref<64x128xf32, #tpu.memory_space<vmem>>, vector<16xf32>,
          tpu.vector_store %arg12[%swap3A_427, %swap3A_428], %mul3A_424 {strides = array<i32>} : memref<64x128xf32, #tpu.memory_space<vmem>>, vector<16xf32>,
          %add3A_430 = arith.constant 3 : i32
          %add3A_431 = arith.addi %add3A_105, %add3A_430 : i32
          %get3A_432 = arith.index_cast %add3A_431 : i32 to index
          %get3A_433 = arith.constant 64 : index
          %get3A_434 = tpu.vector_load %arg12[%get3A_432, %get3A_433] {strides = array<i32>} : memref<64x128xf32, #tpu.memory_space<vmem>>, vector<16xf32>,
          %mul3A_435 = arith.mulf %get3A_434, %gather3A_385 : vector<16xf32>
          %add3A_436 = arith.constant 3 : i32
          %add3A_437 = arith.addi %add3A_105, %add3A_436 : i32
          %swap3A_438 = arith.index_cast %add3A_437 : i32 to index
          %swap3A_439 = arith.constant 64 : index
          %swap3A_440 = tpu.vector_load %arg12[%swap3A_438, %swap3A_439] {strides = array<i32>} : memref<64x128xf32, #tpu.memory_space<vmem>>, vector<16xf32>,
          tpu.vector_store %arg12[%swap3A_438, %swap3A_439], %mul3A_435 {strides = array<i32>} : memref<64x128xf32, #tpu.memory_space<vmem>>, vector<16xf32>,
          %add3A_441 = arith.constant 3 : i32
          %add3A_442 = arith.addi %add3A_105, %add3A_441 : i32
          %get3A_443 = arith.index_cast %add3A_442 : i32 to index
          %get3A_444 = arith.constant 80 : index
          %get3A_445 = tpu.vector_load %arg12[%get3A_443, %get3A_444] {strides = array<i32>} : memref<64x128xf32, #tpu.memory_space<vmem>>, vector<16xf32>,
          %mul3A_446 = arith.mulf %get3A_445, %gather3A_385 : vector<16xf32>
          %add3A_447 = arith.constant 3 : i32
          %add3A_448 = arith.addi %add3A_105, %add3A_447 : i32
          %swap3A_449 = arith.index_cast %add3A_448 : i32 to index
          %swap3A_450 = arith.constant 80 : index
          %swap3A_451 = tpu.vector_load %arg12[%swap3A_449, %swap3A_450] {strides = array<i32>} : memref<64x128xf32, #tpu.memory_space<vmem>>, vector<16xf32>,
          tpu.vector_store %arg12[%swap3A_449, %swap3A_450], %mul3A_446 {strides = array<i32>} : memref<64x128xf32, #tpu.memory_space<vmem>>, vector<16xf32>,
          %add3A_452 = arith.constant 3 : i32
          %add3A_453 = arith.addi %add3A_105, %add3A_452 : i32
          %get3A_454 = arith.index_cast %add3A_453 : i32 to index
          %get3A_455 = arith.constant 96 : index
          %get3A_456 = tpu.vector_load %arg12[%get3A_454, %get3A_455] {strides = array<i32>} : memref<64x128xf32, #tpu.memory_space<vmem>>, vector<16xf32>,
          %mul3A_457 = arith.mulf %get3A_456, %gather3A_385 : vector<16xf32>
          %add3A_458 = arith.constant 3 : i32
          %add3A_459 = arith.addi %add3A_105, %add3A_458 : i32
          %swap3A_460 = arith.index_cast %add3A_459 : i32 to index
          %swap3A_461 = arith.constant 96 : index
          %swap3A_462 = tpu.vector_load %arg12[%swap3A_460, %swap3A_461] {strides = array<i32>} : memref<64x128xf32, #tpu.memory_space<vmem>>, vector<16xf32>,
          tpu.vector_store %arg12[%swap3A_460, %swap3A_461], %mul3A_457 {strides = array<i32>} : memref<64x128xf32, #tpu.memory_space<vmem>>, vector<16xf32>,
          %add3A_463 = arith.constant 3 : i32
          %add3A_464 = arith.addi %add3A_105, %add3A_463 : i32
          %get3A_465 = arith.index_cast %add3A_464 : i32 to index
          %get3A_466 = arith.constant 112 : index
          %get3A_467 = tpu.vector_load %arg12[%get3A_465, %get3A_466] {strides = array<i32>} : memref<64x128xf32, #tpu.memory_space<vmem>>, vector<16xf32>,
          %mul3A_468 = arith.mulf %get3A_467, %gather3A_385 : vector<16xf32>
          %add3A_469 = arith.constant 3 : i32
          %add3A_470 = arith.addi %add3A_105, %add3A_469 : i32
          %swap3A_471 = arith.index_cast %add3A_470 : i32 to index
          %swap3A_472 = arith.constant 112 : index
          %swap3A_473 = tpu.vector_load %arg12[%swap3A_471, %swap3A_472] {strides = array<i32>} : memref<64x128xf32, #tpu.memory_space<vmem>>, vector<16xf32>,
          tpu.vector_store %arg12[%swap3A_471, %swap3A_472], %mul3A_468 {strides = array<i32>} : memref<64x128xf32, #tpu.memory_space<vmem>>, vector<16xf32>,
        }
        %scan3A_74 = arith.constant 16 : i32
        "tpu.region"() ({
          %run_scoped3A_101 = tpu.sem_alloc : memref<!tpu.dma_semaphore, #tpu.memory_space<semaphore_mem>>
          %dma_start3A_102 = arith.constant 0 : i32
          %dma_start3A_103 = tpu.memref_slice %arg9[%add3A_64, %dma_start3A_102] : memref<32x64xi32, #tpu.memory_space<vmem>> -> memref<1x64xi32, #tpu.memory_space<vmem>>
          %dma_start3A_104 = tpu.memref_squeeze %dma_start3A_103 : memref<1x64xi32, #tpu.memory_space<vmem>> -> memref<64xi32, #tpu.memory_space<vmem>>
          %dma_start3A_105 = arith.constant 0 : i32
          %dma_start3A_106 = arith.constant 0 : i32
          %dma_start3A_107 = tpu.memref_slice %arg15[%dma_start3A_105, %dma_start3A_106] : memref<10240x128xf32, #tpu.memory_space<vmem_shared>> -> memref<10240x128xf32, #tpu.memory_space<vmem_shared>>
          tpu.enqueue_indirect_dma source(%arg12 : memref<64x128xf32, #tpu.memory_space<vmem>>) target(%dma_start3A_107 : memref<10240x128xf32, #tpu.memory_space<vmem_shared>>) offsets(%dma_start3A_104 : memref<64xi32, #tpu.memory_space<vmem>>) semaphore(%run_scoped3A_101 : memref<!tpu.dma_semaphore, #tpu.memory_space<semaphore_mem>>) {add = true}
          %dma_wait3A_108 = arith.constant 0 : i32
          %dma_wait3A_109 = tpu.memref_slice %arg9[%add3A_64, %dma_wait3A_108] : memref<32x64xi32, #tpu.memory_space<vmem>> -> memref<1x64xi32, #tpu.memory_space<vmem>>
          %dma_wait3A_110 = tpu.memref_squeeze %dma_wait3A_109 : memref<1x64xi32, #tpu.memory_space<vmem>> -> memref<64xi32, #tpu.memory_space<vmem>>
          %dma_wait3A_111 = arith.constant 0 : i32
          %dma_wait3A_112 = arith.constant 0 : i32
          %dma_wait3A_113 = tpu.memref_slice %arg15[%dma_wait3A_111, %dma_wait3A_112] : memref<10240x128xf32, #tpu.memory_space<vmem_shared>> -> memref<10240x128xf32, #tpu.memory_space<vmem_shared>>
          tpu.wait_indirect_dma semaphore(%run_scoped3A_101 : memref<!tpu.dma_semaphore, #tpu.memory_space<semaphore_mem>>) src(%arg12 : memref<64x128xf32, #tpu.memory_space<vmem>>) dst(%dma_wait3A_113 : memref<10240x128xf32, #tpu.memory_space<vmem_shared>>)
          tpu.yield
        }) : () -> ()
        %add3A_75 = arith.constant 2 : i32
        %add3A_76 = arith.addi %add3A_64, %add3A_75 : i32
        %lt3A = arith.constant 32 : i32
        %lt3A_77 = arith.cmpi slt, %add3A_76, %lt3A : i32
        %convert_element_type3A = arith.extui %lt3A_77 : i1 to i32
        %cond3A = arith.constant 0 : i32
        %cond3A_78 = arith.cmpi ne, %convert_element_type3A, %cond3A : i32
        scf.if %cond3A_78 {
          %add3A_101 = arith.constant 2 : i32
          %add3A_102 = arith.addi %add3A_64, %add3A_101 : i32
          %dma_start3A_103 = arith.constant 0 : i32
          %dma_start3A_104 = tpu.memref_slice %arg10[%add3A_102, %dma_start3A_103] : memref<32x64xi32, #tpu.memory_space<vmem>> -> memref<1x64xi32, #tpu.memory_space<vmem>>
          %dma_start3A_105 = tpu.memref_squeeze %dma_start3A_104 : memref<1x64xi32, #tpu.memory_space<vmem>> -> memref<64xi32, #tpu.memory_space<vmem>>
          %dma_start3A_106 = arith.constant 0 : i32
          %dma_start3A_107 = arith.constant 0 : i32
          %dma_start3A_108 = tpu.memref_slice %arg6[%dma_start3A_106, %dma_start3A_107] : memref<10240x128xf32, #tpu.memory_space<hbm>> -> memref<10240x128xf32, #tpu.memory_space<hbm>>
          tpu.enqueue_indirect_dma source(%dma_start3A_108 : memref<10240x128xf32, #tpu.memory_space<hbm>>) target(%arg12 : memref<64x128xf32, #tpu.memory_space<vmem>>) offsets(%dma_start3A_105 : memref<64xi32, #tpu.memory_space<vmem>>) semaphore(%arg16 : memref<!tpu.dma_semaphore, #tpu.memory_space<semaphore_mem>>)
        } else {
        }
        %dma_wait3A_79 = arith.constant 0 : i32
        %dma_wait3A_80 = arith.constant 0 : i32
        %dma_wait3A_81 = tpu.memref_slice %arg6[%dma_wait3A_79, %dma_wait3A_80] : memref<10240x128xf32, #tpu.memory_space<hbm>> -> memref<64x128xf32, #tpu.memory_space<hbm>>
        %dma_wait3A_82 = arith.constant 0 : i32
        %dma_wait3A_83 = arith.constant 0 : i32
        %dma_wait3A_84 = tpu.memref_slice %arg6[%dma_wait3A_82, %dma_wait3A_83] : memref<10240x128xf32, #tpu.memory_space<hbm>> -> memref<64x128xf32, #tpu.memory_space<hbm>>
        tpu.wait_dma2 semaphore(%arg17 : memref<!tpu.dma_semaphore, #tpu.memory_space<semaphore_mem>>) src(%dma_wait3A_84 : memref<64x128xf32, #tpu.memory_space<hbm>>) dst(%arg13 : memref<64x128xf32, #tpu.memory_space<vmem>>)
        %add3A_85 = arith.constant 1 : i32
        %add3A_86 = arith.addi %add3A_64, %add3A_85 : i32
        %scan3A_87 = arith.constant 0 : i32
        %scan3A_88 = arith.constant 16 : i32
        %scan3A_89 = arith.addi %scan3A_87, %scan3A_88 : i32
        %scan3A_90 = arith.constant 1 : i32
        scf.for %scan3A_101 = %scan3A_87 to %scan3A_89 step %scan3A_90  : i32 {
          %mul3A_102 = arith.constant 4 : i32
          %mul3A_103 = arith.muli %scan3A_101, %mul3A_102 : i32
          %add3A_104 = arith.constant 0 : i32
          %add3A_105 = arith.addi %add3A_104, %mul3A_103 : i32
          %broadcast_in_dim3A = vector.broadcast %add3A_86 : i32 to vector<16xi32>
          %add3A_106 = arith.constant 0 : i32
          %add3A_107 = arith.addi %add3A_105, %add3A_106 : i32
          %broadcast_in_dim3A_108 = vector.broadcast %add3A_107 : i32 to vector<16xi32>
          %gather3A = tpu.vector_load_idx %arg11[%broadcast_in_dim3A, %broadcast_in_dim3A_108] : memref<32x64xf32, #tpu.memory_space<vmem>>[vector<16xi32>, vector<16xi32>], vector<16xf32>,
          %add3A_109 = arith.constant 0 : i32
          %add3A_110 = arith.addi %add3A_105, %add3A_109 : i32
          %get3A = arith.index_cast %add3A_110 : i32 to index
          %get3A_111 = arith.constant 0 : index
          %get3A_112 = tpu.vector_load %arg13[%get3A, %get3A_111] {strides = array<i32>} : memref<64x128xf32, #tpu.memory_space<vmem>>, vector<16xf32>,
          %mul3A_113 = arith.mulf %get3A_112, %gather3A : vector<16xf32>
          %add3A_114 = arith.constant 0 : i32
          %add3A_115 = arith.addi %add3A_105, %add3A_114 : i32
          %swap3A = arith.index_cast %add3A_115 : i32 to index
          %swap3A_116 = arith.constant 0 : index
          %swap3A_117 = tpu.vector_load %arg13[%swap3A, %swap3A_116] {strides = array<i32>} : memref<64x128xf32, #tpu.memory_space<vmem>>, vector<16xf32>,
          tpu.vector_store %arg13[%swap3A, %swap3A_116], %mul3A_113 {strides = array<i32>} : memref<64x128xf32, #tpu.memory_space<vmem>>, vector<16xf32>,
          %add3A_118 = arith.constant 0 : i32
          %add3A_119 = arith.addi %add3A_105, %add3A_118 : i32
          %get3A_120 = arith.index_cast %add3A_119 : i32 to index
          %get3A_121 = arith.constant 16 : index
          %get3A_122 = tpu.vector_load %arg13[%get3A_120, %get3A_121] {strides = array<i32>} : memref<64x128xf32, #tpu.memory_space<vmem>>, vector<16xf32>,
          %mul3A_123 = arith.mulf %get3A_122, %gather3A : vector<16xf32>
          %add3A_124 = arith.constant 0 : i32
          %add3A_125 = arith.addi %add3A_105, %add3A_124 : i32
          %swap3A_126 = arith.index_cast %add3A_125 : i32 to index
          %swap3A_127 = arith.constant 16 : index
          %swap3A_128 = tpu.vector_load %arg13[%swap3A_126, %swap3A_127] {strides = array<i32>} : memref<64x128xf32, #tpu.memory_space<vmem>>, vector<16xf32>,
          tpu.vector_store %arg13[%swap3A_126, %swap3A_127], %mul3A_123 {strides = array<i32>} : memref<64x128xf32, #tpu.memory_space<vmem>>, vector<16xf32>,
          %add3A_129 = arith.constant 0 : i32
          %add3A_130 = arith.addi %add3A_105, %add3A_129 : i32
          %get3A_131 = arith.index_cast %add3A_130 : i32 to index
          %get3A_132 = arith.constant 32 : index
          %get3A_133 = tpu.vector_load %arg13[%get3A_131, %get3A_132] {strides = array<i32>} : memref<64x128xf32, #tpu.memory_space<vmem>>, vector<16xf32>,
          %mul3A_134 = arith.mulf %get3A_133, %gather3A : vector<16xf32>
          %add3A_135 = arith.constant 0 : i32
          %add3A_136 = arith.addi %add3A_105, %add3A_135 : i32
          %swap3A_137 = arith.index_cast %add3A_136 : i32 to index
          %swap3A_138 = arith.constant 32 : index
          %swap3A_139 = tpu.vector_load %arg13[%swap3A_137, %swap3A_138] {strides = array<i32>} : memref<64x128xf32, #tpu.memory_space<vmem>>, vector<16xf32>,
          tpu.vector_store %arg13[%swap3A_137, %swap3A_138], %mul3A_134 {strides = array<i32>} : memref<64x128xf32, #tpu.memory_space<vmem>>, vector<16xf32>,
          %add3A_140 = arith.constant 0 : i32
          %add3A_141 = arith.addi %add3A_105, %add3A_140 : i32
          %get3A_142 = arith.index_cast %add3A_141 : i32 to index
          %get3A_143 = arith.constant 48 : index
          %get3A_144 = tpu.vector_load %arg13[%get3A_142, %get3A_143] {strides = array<i32>} : memref<64x128xf32, #tpu.memory_space<vmem>>, vector<16xf32>,
          %mul3A_145 = arith.mulf %get3A_144, %gather3A : vector<16xf32>
          %add3A_146 = arith.constant 0 : i32
          %add3A_147 = arith.addi %add3A_105, %add3A_146 : i32
          %swap3A_148 = arith.index_cast %add3A_147 : i32 to index
          %swap3A_149 = arith.constant 48 : index
          %swap3A_150 = tpu.vector_load %arg13[%swap3A_148, %swap3A_149] {strides = array<i32>} : memref<64x128xf32, #tpu.memory_space<vmem>>, vector<16xf32>,
          tpu.vector_store %arg13[%swap3A_148, %swap3A_149], %mul3A_145 {strides = array<i32>} : memref<64x128xf32, #tpu.memory_space<vmem>>, vector<16xf32>,
          %add3A_151 = arith.constant 0 : i32
          %add3A_152 = arith.addi %add3A_105, %add3A_151 : i32
          %get3A_153 = arith.index_cast %add3A_152 : i32 to index
          %get3A_154 = arith.constant 64 : index
          %get3A_155 = tpu.vector_load %arg13[%get3A_153, %get3A_154] {strides = array<i32>} : memref<64x128xf32, #tpu.memory_space<vmem>>, vector<16xf32>,
          %mul3A_156 = arith.mulf %get3A_155, %gather3A : vector<16xf32>
          %add3A_157 = arith.constant 0 : i32
          %add3A_158 = arith.addi %add3A_105, %add3A_157 : i32
          %swap3A_159 = arith.index_cast %add3A_158 : i32 to index
          %swap3A_160 = arith.constant 64 : index
          %swap3A_161 = tpu.vector_load %arg13[%swap3A_159, %swap3A_160] {strides = array<i32>} : memref<64x128xf32, #tpu.memory_space<vmem>>, vector<16xf32>,
          tpu.vector_store %arg13[%swap3A_159, %swap3A_160], %mul3A_156 {strides = array<i32>} : memref<64x128xf32, #tpu.memory_space<vmem>>, vector<16xf32>,
          %add3A_162 = arith.constant 0 : i32
          %add3A_163 = arith.addi %add3A_105, %add3A_162 : i32
          %get3A_164 = arith.index_cast %add3A_163 : i32 to index
          %get3A_165 = arith.constant 80 : index
          %get3A_166 = tpu.vector_load %arg13[%get3A_164, %get3A_165] {strides = array<i32>} : memref<64x128xf32, #tpu.memory_space<vmem>>, vector<16xf32>,
          %mul3A_167 = arith.mulf %get3A_166, %gather3A : vector<16xf32>
          %add3A_168 = arith.constant 0 : i32
          %add3A_169 = arith.addi %add3A_105, %add3A_168 : i32
          %swap3A_170 = arith.index_cast %add3A_169 : i32 to index
          %swap3A_171 = arith.constant 80 : index
          %swap3A_172 = tpu.vector_load %arg13[%swap3A_170, %swap3A_171] {strides = array<i32>} : memref<64x128xf32, #tpu.memory_space<vmem>>, vector<16xf32>,
          tpu.vector_store %arg13[%swap3A_170, %swap3A_171], %mul3A_167 {strides = array<i32>} : memref<64x128xf32, #tpu.memory_space<vmem>>, vector<16xf32>,
          %add3A_173 = arith.constant 0 : i32
          %add3A_174 = arith.addi %add3A_105, %add3A_173 : i32
          %get3A_175 = arith.index_cast %add3A_174 : i32 to index
          %get3A_176 = arith.constant 96 : index
          %get3A_177 = tpu.vector_load %arg13[%get3A_175, %get3A_176] {strides = array<i32>} : memref<64x128xf32, #tpu.memory_space<vmem>>, vector<16xf32>,
          %mul3A_178 = arith.mulf %get3A_177, %gather3A : vector<16xf32>
          %add3A_179 = arith.constant 0 : i32
          %add3A_180 = arith.addi %add3A_105, %add3A_179 : i32
          %swap3A_181 = arith.index_cast %add3A_180 : i32 to index
          %swap3A_182 = arith.constant 96 : index
          %swap3A_183 = tpu.vector_load %arg13[%swap3A_181, %swap3A_182] {strides = array<i32>} : memref<64x128xf32, #tpu.memory_space<vmem>>, vector<16xf32>,
          tpu.vector_store %arg13[%swap3A_181, %swap3A_182], %mul3A_178 {strides = array<i32>} : memref<64x128xf32, #tpu.memory_space<vmem>>, vector<16xf32>,
          %add3A_184 = arith.constant 0 : i32
          %add3A_185 = arith.addi %add3A_105, %add3A_184 : i32
          %get3A_186 = arith.index_cast %add3A_185 : i32 to index
          %get3A_187 = arith.constant 112 : index
          %get3A_188 = tpu.vector_load %arg13[%get3A_186, %get3A_187] {strides = array<i32>} : memref<64x128xf32, #tpu.memory_space<vmem>>, vector<16xf32>,
          %mul3A_189 = arith.mulf %get3A_188, %gather3A : vector<16xf32>
          %add3A_190 = arith.constant 0 : i32
          %add3A_191 = arith.addi %add3A_105, %add3A_190 : i32
          %swap3A_192 = arith.index_cast %add3A_191 : i32 to index
          %swap3A_193 = arith.constant 112 : index
          %swap3A_194 = tpu.vector_load %arg13[%swap3A_192, %swap3A_193] {strides = array<i32>} : memref<64x128xf32, #tpu.memory_space<vmem>>, vector<16xf32>,
          tpu.vector_store %arg13[%swap3A_192, %swap3A_193], %mul3A_189 {strides = array<i32>} : memref<64x128xf32, #tpu.memory_space<vmem>>, vector<16xf32>,
          %broadcast_in_dim3A_195 = vector.broadcast %add3A_86 : i32 to vector<16xi32>
          %add3A_196 = arith.constant 1 : i32
          %add3A_197 = arith.addi %add3A_105, %add3A_196 : i32
          %broadcast_in_dim3A_198 = vector.broadcast %add3A_197 : i32 to vector<16xi32>
          %gather3A_199 = tpu.vector_load_idx %arg11[%broadcast_in_dim3A_195, %broadcast_in_dim3A_198] : memref<32x64xf32, #tpu.memory_space<vmem>>[vector<16xi32>, vector<16xi32>], vector<16xf32>,
          %add3A_200 = arith.constant 1 : i32
          %add3A_201 = arith.addi %add3A_105, %add3A_200 : i32
          %get3A_202 = arith.index_cast %add3A_201 : i32 to index
          %get3A_203 = arith.constant 0 : index
          %get3A_204 = tpu.vector_load %arg13[%get3A_202, %get3A_203] {strides = array<i32>} : memref<64x128xf32, #tpu.memory_space<vmem>>, vector<16xf32>,
          %mul3A_205 = arith.mulf %get3A_204, %gather3A_199 : vector<16xf32>
          %add3A_206 = arith.constant 1 : i32
          %add3A_207 = arith.addi %add3A_105, %add3A_206 : i32
          %swap3A_208 = arith.index_cast %add3A_207 : i32 to index
          %swap3A_209 = arith.constant 0 : index
          %swap3A_210 = tpu.vector_load %arg13[%swap3A_208, %swap3A_209] {strides = array<i32>} : memref<64x128xf32, #tpu.memory_space<vmem>>, vector<16xf32>,
          tpu.vector_store %arg13[%swap3A_208, %swap3A_209], %mul3A_205 {strides = array<i32>} : memref<64x128xf32, #tpu.memory_space<vmem>>, vector<16xf32>,
          %add3A_211 = arith.constant 1 : i32
          %add3A_212 = arith.addi %add3A_105, %add3A_211 : i32
          %get3A_213 = arith.index_cast %add3A_212 : i32 to index
          %get3A_214 = arith.constant 16 : index
          %get3A_215 = tpu.vector_load %arg13[%get3A_213, %get3A_214] {strides = array<i32>} : memref<64x128xf32, #tpu.memory_space<vmem>>, vector<16xf32>,
          %mul3A_216 = arith.mulf %get3A_215, %gather3A_199 : vector<16xf32>
          %add3A_217 = arith.constant 1 : i32
          %add3A_218 = arith.addi %add3A_105, %add3A_217 : i32
          %swap3A_219 = arith.index_cast %add3A_218 : i32 to index
          %swap3A_220 = arith.constant 16 : index
          %swap3A_221 = tpu.vector_load %arg13[%swap3A_219, %swap3A_220] {strides = array<i32>} : memref<64x128xf32, #tpu.memory_space<vmem>>, vector<16xf32>,
          tpu.vector_store %arg13[%swap3A_219, %swap3A_220], %mul3A_216 {strides = array<i32>} : memref<64x128xf32, #tpu.memory_space<vmem>>, vector<16xf32>,
          %add3A_222 = arith.constant 1 : i32
          %add3A_223 = arith.addi %add3A_105, %add3A_222 : i32
          %get3A_224 = arith.index_cast %add3A_223 : i32 to index
          %get3A_225 = arith.constant 32 : index
          %get3A_226 = tpu.vector_load %arg13[%get3A_224, %get3A_225] {strides = array<i32>} : memref<64x128xf32, #tpu.memory_space<vmem>>, vector<16xf32>,
          %mul3A_227 = arith.mulf %get3A_226, %gather3A_199 : vector<16xf32>
          %add3A_228 = arith.constant 1 : i32
          %add3A_229 = arith.addi %add3A_105, %add3A_228 : i32
          %swap3A_230 = arith.index_cast %add3A_229 : i32 to index
          %swap3A_231 = arith.constant 32 : index
          %swap3A_232 = tpu.vector_load %arg13[%swap3A_230, %swap3A_231] {strides = array<i32>} : memref<64x128xf32, #tpu.memory_space<vmem>>, vector<16xf32>,
          tpu.vector_store %arg13[%swap3A_230, %swap3A_231], %mul3A_227 {strides = array<i32>} : memref<64x128xf32, #tpu.memory_space<vmem>>, vector<16xf32>,
          %add3A_233 = arith.constant 1 : i32
          %add3A_234 = arith.addi %add3A_105, %add3A_233 : i32
          %get3A_235 = arith.index_cast %add3A_234 : i32 to index
          %get3A_236 = arith.constant 48 : index
          %get3A_237 = tpu.vector_load %arg13[%get3A_235, %get3A_236] {strides = array<i32>} : memref<64x128xf32, #tpu.memory_space<vmem>>, vector<16xf32>,
          %mul3A_238 = arith.mulf %get3A_237, %gather3A_199 : vector<16xf32>
          %add3A_239 = arith.constant 1 : i32
          %add3A_240 = arith.addi %add3A_105, %add3A_239 : i32
          %swap3A_241 = arith.index_cast %add3A_240 : i32 to index
          %swap3A_242 = arith.constant 48 : index
          %swap3A_243 = tpu.vector_load %arg13[%swap3A_241, %swap3A_242] {strides = array<i32>} : memref<64x128xf32, #tpu.memory_space<vmem>>, vector<16xf32>,
          tpu.vector_store %arg13[%swap3A_241, %swap3A_242], %mul3A_238 {strides = array<i32>} : memref<64x128xf32, #tpu.memory_space<vmem>>, vector<16xf32>,
          %add3A_244 = arith.constant 1 : i32
          %add3A_245 = arith.addi %add3A_105, %add3A_244 : i32
          %get3A_246 = arith.index_cast %add3A_245 : i32 to index
          %get3A_247 = arith.constant 64 : index
          %get3A_248 = tpu.vector_load %arg13[%get3A_246, %get3A_247] {strides = array<i32>} : memref<64x128xf32, #tpu.memory_space<vmem>>, vector<16xf32>,
          %mul3A_249 = arith.mulf %get3A_248, %gather3A_199 : vector<16xf32>
          %add3A_250 = arith.constant 1 : i32
          %add3A_251 = arith.addi %add3A_105, %add3A_250 : i32
          %swap3A_252 = arith.index_cast %add3A_251 : i32 to index
          %swap3A_253 = arith.constant 64 : index
          %swap3A_254 = tpu.vector_load %arg13[%swap3A_252, %swap3A_253] {strides = array<i32>} : memref<64x128xf32, #tpu.memory_space<vmem>>, vector<16xf32>,
          tpu.vector_store %arg13[%swap3A_252, %swap3A_253], %mul3A_249 {strides = array<i32>} : memref<64x128xf32, #tpu.memory_space<vmem>>, vector<16xf32>,
          %add3A_255 = arith.constant 1 : i32
          %add3A_256 = arith.addi %add3A_105, %add3A_255 : i32
          %get3A_257 = arith.index_cast %add3A_256 : i32 to index
          %get3A_258 = arith.constant 80 : index
          %get3A_259 = tpu.vector_load %arg13[%get3A_257, %get3A_258] {strides = array<i32>} : memref<64x128xf32, #tpu.memory_space<vmem>>, vector<16xf32>,
          %mul3A_260 = arith.mulf %get3A_259, %gather3A_199 : vector<16xf32>
          %add3A_261 = arith.constant 1 : i32
          %add3A_262 = arith.addi %add3A_105, %add3A_261 : i32
          %swap3A_263 = arith.index_cast %add3A_262 : i32 to index
          %swap3A_264 = arith.constant 80 : index
          %swap3A_265 = tpu.vector_load %arg13[%swap3A_263, %swap3A_264] {strides = array<i32>} : memref<64x128xf32, #tpu.memory_space<vmem>>, vector<16xf32>,
          tpu.vector_store %arg13[%swap3A_263, %swap3A_264], %mul3A_260 {strides = array<i32>} : memref<64x128xf32, #tpu.memory_space<vmem>>, vector<16xf32>,
          %add3A_266 = arith.constant 1 : i32
          %add3A_267 = arith.addi %add3A_105, %add3A_266 : i32
          %get3A_268 = arith.index_cast %add3A_267 : i32 to index
          %get3A_269 = arith.constant 96 : index
          %get3A_270 = tpu.vector_load %arg13[%get3A_268, %get3A_269] {strides = array<i32>} : memref<64x128xf32, #tpu.memory_space<vmem>>, vector<16xf32>,
          %mul3A_271 = arith.mulf %get3A_270, %gather3A_199 : vector<16xf32>
          %add3A_272 = arith.constant 1 : i32
          %add3A_273 = arith.addi %add3A_105, %add3A_272 : i32
          %swap3A_274 = arith.index_cast %add3A_273 : i32 to index
          %swap3A_275 = arith.constant 96 : index
          %swap3A_276 = tpu.vector_load %arg13[%swap3A_274, %swap3A_275] {strides = array<i32>} : memref<64x128xf32, #tpu.memory_space<vmem>>, vector<16xf32>,
          tpu.vector_store %arg13[%swap3A_274, %swap3A_275], %mul3A_271 {strides = array<i32>} : memref<64x128xf32, #tpu.memory_space<vmem>>, vector<16xf32>,
          %add3A_277 = arith.constant 1 : i32
          %add3A_278 = arith.addi %add3A_105, %add3A_277 : i32
          %get3A_279 = arith.index_cast %add3A_278 : i32 to index
          %get3A_280 = arith.constant 112 : index
          %get3A_281 = tpu.vector_load %arg13[%get3A_279, %get3A_280] {strides = array<i32>} : memref<64x128xf32, #tpu.memory_space<vmem>>, vector<16xf32>,
          %mul3A_282 = arith.mulf %get3A_281, %gather3A_199 : vector<16xf32>
          %add3A_283 = arith.constant 1 : i32
          %add3A_284 = arith.addi %add3A_105, %add3A_283 : i32
          %swap3A_285 = arith.index_cast %add3A_284 : i32 to index
          %swap3A_286 = arith.constant 112 : index
          %swap3A_287 = tpu.vector_load %arg13[%swap3A_285, %swap3A_286] {strides = array<i32>} : memref<64x128xf32, #tpu.memory_space<vmem>>, vector<16xf32>,
          tpu.vector_store %arg13[%swap3A_285, %swap3A_286], %mul3A_282 {strides = array<i32>} : memref<64x128xf32, #tpu.memory_space<vmem>>, vector<16xf32>,
          %broadcast_in_dim3A_288 = vector.broadcast %add3A_86 : i32 to vector<16xi32>
          %add3A_289 = arith.constant 2 : i32
          %add3A_290 = arith.addi %add3A_105, %add3A_289 : i32
          %broadcast_in_dim3A_291 = vector.broadcast %add3A_290 : i32 to vector<16xi32>
          %gather3A_292 = tpu.vector_load_idx %arg11[%broadcast_in_dim3A_288, %broadcast_in_dim3A_291] : memref<32x64xf32, #tpu.memory_space<vmem>>[vector<16xi32>, vector<16xi32>], vector<16xf32>,
          %add3A_293 = arith.constant 2 : i32
          %add3A_294 = arith.addi %add3A_105, %add3A_293 : i32
          %get3A_295 = arith.index_cast %add3A_294 : i32 to index
          %get3A_296 = arith.constant 0 : index
          %get3A_297 = tpu.vector_load %arg13[%get3A_295, %get3A_296] {strides = array<i32>} : memref<64x128xf32, #tpu.memory_space<vmem>>, vector<16xf32>,
          %mul3A_298 = arith.mulf %get3A_297, %gather3A_292 : vector<16xf32>
          %add3A_299 = arith.constant 2 : i32
          %add3A_300 = arith.addi %add3A_105, %add3A_299 : i32
          %swap3A_301 = arith.index_cast %add3A_300 : i32 to index
          %swap3A_302 = arith.constant 0 : index
          %swap3A_303 = tpu.vector_load %arg13[%swap3A_301, %swap3A_302] {strides = array<i32>} : memref<64x128xf32, #tpu.memory_space<vmem>>, vector<16xf32>,
          tpu.vector_store %arg13[%swap3A_301, %swap3A_302], %mul3A_298 {strides = array<i32>} : memref<64x128xf32, #tpu.memory_space<vmem>>, vector<16xf32>,
          %add3A_304 = arith.constant 2 : i32
          %add3A_305 = arith.addi %add3A_105, %add3A_304 : i32
          %get3A_306 = arith.index_cast %add3A_305 : i32 to index
          %get3A_307 = arith.constant 16 : index
          %get3A_308 = tpu.vector_load %arg13[%get3A_306, %get3A_307] {strides = array<i32>} : memref<64x128xf32, #tpu.memory_space<vmem>>, vector<16xf32>,
          %mul3A_309 = arith.mulf %get3A_308, %gather3A_292 : vector<16xf32>
          %add3A_310 = arith.constant 2 : i32
          %add3A_311 = arith.addi %add3A_105, %add3A_310 : i32
          %swap3A_312 = arith.index_cast %add3A_311 : i32 to index
          %swap3A_313 = arith.constant 16 : index
          %swap3A_314 = tpu.vector_load %arg13[%swap3A_312, %swap3A_313] {strides = array<i32>} : memref<64x128xf32, #tpu.memory_space<vmem>>, vector<16xf32>,
          tpu.vector_store %arg13[%swap3A_312, %swap3A_313], %mul3A_309 {strides = array<i32>} : memref<64x128xf32, #tpu.memory_space<vmem>>, vector<16xf32>,
          %add3A_315 = arith.constant 2 : i32
          %add3A_316 = arith.addi %add3A_105, %add3A_315 : i32
          %get3A_317 = arith.index_cast %add3A_316 : i32 to index
          %get3A_318 = arith.constant 32 : index
          %get3A_319 = tpu.vector_load %arg13[%get3A_317, %get3A_318] {strides = array<i32>} : memref<64x128xf32, #tpu.memory_space<vmem>>, vector<16xf32>,
          %mul3A_320 = arith.mulf %get3A_319, %gather3A_292 : vector<16xf32>
          %add3A_321 = arith.constant 2 : i32
          %add3A_322 = arith.addi %add3A_105, %add3A_321 : i32
          %swap3A_323 = arith.index_cast %add3A_322 : i32 to index
          %swap3A_324 = arith.constant 32 : index
          %swap3A_325 = tpu.vector_load %arg13[%swap3A_323, %swap3A_324] {strides = array<i32>} : memref<64x128xf32, #tpu.memory_space<vmem>>, vector<16xf32>,
          tpu.vector_store %arg13[%swap3A_323, %swap3A_324], %mul3A_320 {strides = array<i32>} : memref<64x128xf32, #tpu.memory_space<vmem>>, vector<16xf32>,
          %add3A_326 = arith.constant 2 : i32
          %add3A_327 = arith.addi %add3A_105, %add3A_326 : i32
          %get3A_328 = arith.index_cast %add3A_327 : i32 to index
          %get3A_329 = arith.constant 48 : index
          %get3A_330 = tpu.vector_load %arg13[%get3A_328, %get3A_329] {strides = array<i32>} : memref<64x128xf32, #tpu.memory_space<vmem>>, vector<16xf32>,
          %mul3A_331 = arith.mulf %get3A_330, %gather3A_292 : vector<16xf32>
          %add3A_332 = arith.constant 2 : i32
          %add3A_333 = arith.addi %add3A_105, %add3A_332 : i32
          %swap3A_334 = arith.index_cast %add3A_333 : i32 to index
          %swap3A_335 = arith.constant 48 : index
          %swap3A_336 = tpu.vector_load %arg13[%swap3A_334, %swap3A_335] {strides = array<i32>} : memref<64x128xf32, #tpu.memory_space<vmem>>, vector<16xf32>,
          tpu.vector_store %arg13[%swap3A_334, %swap3A_335], %mul3A_331 {strides = array<i32>} : memref<64x128xf32, #tpu.memory_space<vmem>>, vector<16xf32>,
          %add3A_337 = arith.constant 2 : i32
          %add3A_338 = arith.addi %add3A_105, %add3A_337 : i32
          %get3A_339 = arith.index_cast %add3A_338 : i32 to index
          %get3A_340 = arith.constant 64 : index
          %get3A_341 = tpu.vector_load %arg13[%get3A_339, %get3A_340] {strides = array<i32>} : memref<64x128xf32, #tpu.memory_space<vmem>>, vector<16xf32>,
          %mul3A_342 = arith.mulf %get3A_341, %gather3A_292 : vector<16xf32>
          %add3A_343 = arith.constant 2 : i32
          %add3A_344 = arith.addi %add3A_105, %add3A_343 : i32
          %swap3A_345 = arith.index_cast %add3A_344 : i32 to index
          %swap3A_346 = arith.constant 64 : index
          %swap3A_347 = tpu.vector_load %arg13[%swap3A_345, %swap3A_346] {strides = array<i32>} : memref<64x128xf32, #tpu.memory_space<vmem>>, vector<16xf32>,
          tpu.vector_store %arg13[%swap3A_345, %swap3A_346], %mul3A_342 {strides = array<i32>} : memref<64x128xf32, #tpu.memory_space<vmem>>, vector<16xf32>,
          %add3A_348 = arith.constant 2 : i32
          %add3A_349 = arith.addi %add3A_105, %add3A_348 : i32
          %get3A_350 = arith.index_cast %add3A_349 : i32 to index
          %get3A_351 = arith.constant 80 : index
          %get3A_352 = tpu.vector_load %arg13[%get3A_350, %get3A_351] {strides = array<i32>} : memref<64x128xf32, #tpu.memory_space<vmem>>, vector<16xf32>,
          %mul3A_353 = arith.mulf %get3A_352, %gather3A_292 : vector<16xf32>
          %add3A_354 = arith.constant 2 : i32
          %add3A_355 = arith.addi %add3A_105, %add3A_354 : i32
          %swap3A_356 = arith.index_cast %add3A_355 : i32 to index
          %swap3A_357 = arith.constant 80 : index
          %swap3A_358 = tpu.vector_load %arg13[%swap3A_356, %swap3A_357] {strides = array<i32>} : memref<64x128xf32, #tpu.memory_space<vmem>>, vector<16xf32>,
          tpu.vector_store %arg13[%swap3A_356, %swap3A_357], %mul3A_353 {strides = array<i32>} : memref<64x128xf32, #tpu.memory_space<vmem>>, vector<16xf32>,
          %add3A_359 = arith.constant 2 : i32
          %add3A_360 = arith.addi %add3A_105, %add3A_359 : i32
          %get3A_361 = arith.index_cast %add3A_360 : i32 to index
          %get3A_362 = arith.constant 96 : index
          %get3A_363 = tpu.vector_load %arg13[%get3A_361, %get3A_362] {strides = array<i32>} : memref<64x128xf32, #tpu.memory_space<vmem>>, vector<16xf32>,
          %mul3A_364 = arith.mulf %get3A_363, %gather3A_292 : vector<16xf32>
          %add3A_365 = arith.constant 2 : i32
          %add3A_366 = arith.addi %add3A_105, %add3A_365 : i32
          %swap3A_367 = arith.index_cast %add3A_366 : i32 to index
          %swap3A_368 = arith.constant 96 : index
          %swap3A_369 = tpu.vector_load %arg13[%swap3A_367, %swap3A_368] {strides = array<i32>} : memref<64x128xf32, #tpu.memory_space<vmem>>, vector<16xf32>,
          tpu.vector_store %arg13[%swap3A_367, %swap3A_368], %mul3A_364 {strides = array<i32>} : memref<64x128xf32, #tpu.memory_space<vmem>>, vector<16xf32>,
          %add3A_370 = arith.constant 2 : i32
          %add3A_371 = arith.addi %add3A_105, %add3A_370 : i32
          %get3A_372 = arith.index_cast %add3A_371 : i32 to index
          %get3A_373 = arith.constant 112 : index
          %get3A_374 = tpu.vector_load %arg13[%get3A_372, %get3A_373] {strides = array<i32>} : memref<64x128xf32, #tpu.memory_space<vmem>>, vector<16xf32>,
          %mul3A_375 = arith.mulf %get3A_374, %gather3A_292 : vector<16xf32>
          %add3A_376 = arith.constant 2 : i32
          %add3A_377 = arith.addi %add3A_105, %add3A_376 : i32
          %swap3A_378 = arith.index_cast %add3A_377 : i32 to index
          %swap3A_379 = arith.constant 112 : index
          %swap3A_380 = tpu.vector_load %arg13[%swap3A_378, %swap3A_379] {strides = array<i32>} : memref<64x128xf32, #tpu.memory_space<vmem>>, vector<16xf32>,
          tpu.vector_store %arg13[%swap3A_378, %swap3A_379], %mul3A_375 {strides = array<i32>} : memref<64x128xf32, #tpu.memory_space<vmem>>, vector<16xf32>,
          %broadcast_in_dim3A_381 = vector.broadcast %add3A_86 : i32 to vector<16xi32>
          %add3A_382 = arith.constant 3 : i32
          %add3A_383 = arith.addi %add3A_105, %add3A_382 : i32
          %broadcast_in_dim3A_384 = vector.broadcast %add3A_383 : i32 to vector<16xi32>
          %gather3A_385 = tpu.vector_load_idx %arg11[%broadcast_in_dim3A_381, %broadcast_in_dim3A_384] : memref<32x64xf32, #tpu.memory_space<vmem>>[vector<16xi32>, vector<16xi32>], vector<16xf32>,
          %add3A_386 = arith.constant 3 : i32
          %add3A_387 = arith.addi %add3A_105, %add3A_386 : i32
          %get3A_388 = arith.index_cast %add3A_387 : i32 to index
          %get3A_389 = arith.constant 0 : index
          %get3A_390 = tpu.vector_load %arg13[%get3A_388, %get3A_389] {strides = array<i32>} : memref<64x128xf32, #tpu.memory_space<vmem>>, vector<16xf32>,
          %mul3A_391 = arith.mulf %get3A_390, %gather3A_385 : vector<16xf32>
          %add3A_392 = arith.constant 3 : i32
          %add3A_393 = arith.addi %add3A_105, %add3A_392 : i32
          %swap3A_394 = arith.index_cast %add3A_393 : i32 to index
          %swap3A_395 = arith.constant 0 : index
          %swap3A_396 = tpu.vector_load %arg13[%swap3A_394, %swap3A_395] {strides = array<i32>} : memref<64x128xf32, #tpu.memory_space<vmem>>, vector<16xf32>,
          tpu.vector_store %arg13[%swap3A_394, %swap3A_395], %mul3A_391 {strides = array<i32>} : memref<64x128xf32, #tpu.memory_space<vmem>>, vector<16xf32>,
          %add3A_397 = arith.constant 3 : i32
          %add3A_398 = arith.addi %add3A_105, %add3A_397 : i32
          %get3A_399 = arith.index_cast %add3A_398 : i32 to index
          %get3A_400 = arith.constant 16 : index
          %get3A_401 = tpu.vector_load %arg13[%get3A_399, %get3A_400] {strides = array<i32>} : memref<64x128xf32, #tpu.memory_space<vmem>>, vector<16xf32>,
          %mul3A_402 = arith.mulf %get3A_401, %gather3A_385 : vector<16xf32>
          %add3A_403 = arith.constant 3 : i32
          %add3A_404 = arith.addi %add3A_105, %add3A_403 : i32
          %swap3A_405 = arith.index_cast %add3A_404 : i32 to index
          %swap3A_406 = arith.constant 16 : index
          %swap3A_407 = tpu.vector_load %arg13[%swap3A_405, %swap3A_406] {strides = array<i32>} : memref<64x128xf32, #tpu.memory_space<vmem>>, vector<16xf32>,
          tpu.vector_store %arg13[%swap3A_405, %swap3A_406], %mul3A_402 {strides = array<i32>} : memref<64x128xf32, #tpu.memory_space<vmem>>, vector<16xf32>,
          %add3A_408 = arith.constant 3 : i32
          %add3A_409 = arith.addi %add3A_105, %add3A_408 : i32
          %get3A_410 = arith.index_cast %add3A_409 : i32 to index
          %get3A_411 = arith.constant 32 : index
          %get3A_412 = tpu.vector_load %arg13[%get3A_410, %get3A_411] {strides = array<i32>} : memref<64x128xf32, #tpu.memory_space<vmem>>, vector<16xf32>,
          %mul3A_413 = arith.mulf %get3A_412, %gather3A_385 : vector<16xf32>
          %add3A_414 = arith.constant 3 : i32
          %add3A_415 = arith.addi %add3A_105, %add3A_414 : i32
          %swap3A_416 = arith.index_cast %add3A_415 : i32 to index
          %swap3A_417 = arith.constant 32 : index
          %swap3A_418 = tpu.vector_load %arg13[%swap3A_416, %swap3A_417] {strides = array<i32>} : memref<64x128xf32, #tpu.memory_space<vmem>>, vector<16xf32>,
          tpu.vector_store %arg13[%swap3A_416, %swap3A_417], %mul3A_413 {strides = array<i32>} : memref<64x128xf32, #tpu.memory_space<vmem>>, vector<16xf32>,
          %add3A_419 = arith.constant 3 : i32
          %add3A_420 = arith.addi %add3A_105, %add3A_419 : i32
          %get3A_421 = arith.index_cast %add3A_420 : i32 to index
          %get3A_422 = arith.constant 48 : index
          %get3A_423 = tpu.vector_load %arg13[%get3A_421, %get3A_422] {strides = array<i32>} : memref<64x128xf32, #tpu.memory_space<vmem>>, vector<16xf32>,
          %mul3A_424 = arith.mulf %get3A_423, %gather3A_385 : vector<16xf32>
          %add3A_425 = arith.constant 3 : i32
          %add3A_426 = arith.addi %add3A_105, %add3A_425 : i32
          %swap3A_427 = arith.index_cast %add3A_426 : i32 to index
          %swap3A_428 = arith.constant 48 : index
          %swap3A_429 = tpu.vector_load %arg13[%swap3A_427, %swap3A_428] {strides = array<i32>} : memref<64x128xf32, #tpu.memory_space<vmem>>, vector<16xf32>,
          tpu.vector_store %arg13[%swap3A_427, %swap3A_428], %mul3A_424 {strides = array<i32>} : memref<64x128xf32, #tpu.memory_space<vmem>>, vector<16xf32>,
          %add3A_430 = arith.constant 3 : i32
          %add3A_431 = arith.addi %add3A_105, %add3A_430 : i32
          %get3A_432 = arith.index_cast %add3A_431 : i32 to index
          %get3A_433 = arith.constant 64 : index
          %get3A_434 = tpu.vector_load %arg13[%get3A_432, %get3A_433] {strides = array<i32>} : memref<64x128xf32, #tpu.memory_space<vmem>>, vector<16xf32>,
          %mul3A_435 = arith.mulf %get3A_434, %gather3A_385 : vector<16xf32>
          %add3A_436 = arith.constant 3 : i32
          %add3A_437 = arith.addi %add3A_105, %add3A_436 : i32
          %swap3A_438 = arith.index_cast %add3A_437 : i32 to index
          %swap3A_439 = arith.constant 64 : index
          %swap3A_440 = tpu.vector_load %arg13[%swap3A_438, %swap3A_439] {strides = array<i32>} : memref<64x128xf32, #tpu.memory_space<vmem>>, vector<16xf32>,
          tpu.vector_store %arg13[%swap3A_438, %swap3A_439], %mul3A_435 {strides = array<i32>} : memref<64x128xf32, #tpu.memory_space<vmem>>, vector<16xf32>,
          %add3A_441 = arith.constant 3 : i32
          %add3A_442 = arith.addi %add3A_105, %add3A_441 : i32
          %get3A_443 = arith.index_cast %add3A_442 : i32 to index
          %get3A_444 = arith.constant 80 : index
          %get3A_445 = tpu.vector_load %arg13[%get3A_443, %get3A_444] {strides = array<i32>} : memref<64x128xf32, #tpu.memory_space<vmem>>, vector<16xf32>,
          %mul3A_446 = arith.mulf %get3A_445, %gather3A_385 : vector<16xf32>
          %add3A_447 = arith.constant 3 : i32
          %add3A_448 = arith.addi %add3A_105, %add3A_447 : i32
          %swap3A_449 = arith.index_cast %add3A_448 : i32 to index
          %swap3A_450 = arith.constant 80 : index
          %swap3A_451 = tpu.vector_load %arg13[%swap3A_449, %swap3A_450] {strides = array<i32>} : memref<64x128xf32, #tpu.memory_space<vmem>>, vector<16xf32>,
          tpu.vector_store %arg13[%swap3A_449, %swap3A_450], %mul3A_446 {strides = array<i32>} : memref<64x128xf32, #tpu.memory_space<vmem>>, vector<16xf32>,
          %add3A_452 = arith.constant 3 : i32
          %add3A_453 = arith.addi %add3A_105, %add3A_452 : i32
          %get3A_454 = arith.index_cast %add3A_453 : i32 to index
          %get3A_455 = arith.constant 96 : index
          %get3A_456 = tpu.vector_load %arg13[%get3A_454, %get3A_455] {strides = array<i32>} : memref<64x128xf32, #tpu.memory_space<vmem>>, vector<16xf32>,
          %mul3A_457 = arith.mulf %get3A_456, %gather3A_385 : vector<16xf32>
          %add3A_458 = arith.constant 3 : i32
          %add3A_459 = arith.addi %add3A_105, %add3A_458 : i32
          %swap3A_460 = arith.index_cast %add3A_459 : i32 to index
          %swap3A_461 = arith.constant 96 : index
          %swap3A_462 = tpu.vector_load %arg13[%swap3A_460, %swap3A_461] {strides = array<i32>} : memref<64x128xf32, #tpu.memory_space<vmem>>, vector<16xf32>,
          tpu.vector_store %arg13[%swap3A_460, %swap3A_461], %mul3A_457 {strides = array<i32>} : memref<64x128xf32, #tpu.memory_space<vmem>>, vector<16xf32>,
          %add3A_463 = arith.constant 3 : i32
          %add3A_464 = arith.addi %add3A_105, %add3A_463 : i32
          %get3A_465 = arith.index_cast %add3A_464 : i32 to index
          %get3A_466 = arith.constant 112 : index
          %get3A_467 = tpu.vector_load %arg13[%get3A_465, %get3A_466] {strides = array<i32>} : memref<64x128xf32, #tpu.memory_space<vmem>>, vector<16xf32>,
          %mul3A_468 = arith.mulf %get3A_467, %gather3A_385 : vector<16xf32>
          %add3A_469 = arith.constant 3 : i32
          %add3A_470 = arith.addi %add3A_105, %add3A_469 : i32
          %swap3A_471 = arith.index_cast %add3A_470 : i32 to index
          %swap3A_472 = arith.constant 112 : index
          %swap3A_473 = tpu.vector_load %arg13[%swap3A_471, %swap3A_472] {strides = array<i32>} : memref<64x128xf32, #tpu.memory_space<vmem>>, vector<16xf32>,
          tpu.vector_store %arg13[%swap3A_471, %swap3A_472], %mul3A_468 {strides = array<i32>} : memref<64x128xf32, #tpu.memory_space<vmem>>, vector<16xf32>,
        }
        %scan3A_91 = arith.constant 16 : i32
        %add3A_92 = arith.constant 1 : i32
        %add3A_93 = arith.addi %add3A_64, %add3A_92 : i32
        "tpu.region"() ({
          %run_scoped3A_101 = tpu.sem_alloc : memref<!tpu.dma_semaphore, #tpu.memory_space<semaphore_mem>>
          %dma_start3A_102 = arith.constant 0 : i32
          %dma_start3A_103 = tpu.memref_slice %arg9[%add3A_93, %dma_start3A_102] : memref<32x64xi32, #tpu.memory_space<vmem>> -> memref<1x64xi32, #tpu.memory_space<vmem>>
          %dma_start3A_104 = tpu.memref_squeeze %dma_start3A_103 : memref<1x64xi32, #tpu.memory_space<vmem>> -> memref<64xi32, #tpu.memory_space<vmem>>
          %dma_start3A_105 = arith.constant 0 : i32
          %dma_start3A_106 = arith.constant 0 : i32
          %dma_start3A_107 = tpu.memref_slice %arg15[%dma_start3A_105, %dma_start3A_106] : memref<10240x128xf32, #tpu.memory_space<vmem_shared>> -> memref<10240x128xf32, #tpu.memory_space<vmem_shared>>
          tpu.enqueue_indirect_dma source(%arg13 : memref<64x128xf32, #tpu.memory_space<vmem>>) target(%dma_start3A_107 : memref<10240x128xf32, #tpu.memory_space<vmem_shared>>) offsets(%dma_start3A_104 : memref<64xi32, #tpu.memory_space<vmem>>) semaphore(%run_scoped3A_101 : memref<!tpu.dma_semaphore, #tpu.memory_space<semaphore_mem>>) {add = true}
          %dma_wait3A_108 = arith.constant 0 : i32
          %dma_wait3A_109 = tpu.memref_slice %arg9[%add3A_93, %dma_wait3A_108] : memref<32x64xi32, #tpu.memory_space<vmem>> -> memref<1x64xi32, #tpu.memory_space<vmem>>
          %dma_wait3A_110 = tpu.memref_squeeze %dma_wait3A_109 : memref<1x64xi32, #tpu.memory_space<vmem>> -> memref<64xi32, #tpu.memory_space<vmem>>
          %dma_wait3A_111 = arith.constant 0 : i32
          %dma_wait3A_112 = arith.constant 0 : i32
          %dma_wait3A_113 = tpu.memref_slice %arg15[%dma_wait3A_111, %dma_wait3A_112] : memref<10240x128xf32, #tpu.memory_space<vmem_shared>> -> memref<10240x128xf32, #tpu.memory_space<vmem_shared>>
          tpu.wait_indirect_dma semaphore(%run_scoped3A_101 : memref<!tpu.dma_semaphore, #tpu.memory_space<semaphore_mem>>) src(%arg13 : memref<64x128xf32, #tpu.memory_space<vmem>>) dst(%dma_wait3A_113 : memref<10240x128xf32, #tpu.memory_space<vmem_shared>>)
          tpu.yield
        }) : () -> ()
        %add3A_94 = arith.constant 3 : i32
        %add3A_95 = arith.addi %add3A_64, %add3A_94 : i32
        %lt3A_96 = arith.constant 32 : i32
        %lt3A_97 = arith.cmpi slt, %add3A_95, %lt3A_96 : i32
        %convert_element_type3A_98 = arith.extui %lt3A_97 : i1 to i32
        %cond3A_99 = arith.constant 0 : i32
        %cond3A_100 = arith.cmpi ne, %convert_element_type3A_98, %cond3A_99 : i32
        scf.if %cond3A_100 {
          %add3A_101 = arith.constant 3 : i32
          %add3A_102 = arith.addi %add3A_64, %add3A_101 : i32
          %dma_start3A_103 = arith.constant 0 : i32
          %dma_start3A_104 = tpu.memref_slice %arg10[%add3A_102, %dma_start3A_103] : memref<32x64xi32, #tpu.memory_space<vmem>> -> memref<1x64xi32, #tpu.memory_space<vmem>>
          %dma_start3A_105 = tpu.memref_squeeze %dma_start3A_104 : memref<1x64xi32, #tpu.memory_space<vmem>> -> memref<64xi32, #tpu.memory_space<vmem>>
          %dma_start3A_106 = arith.constant 0 : i32
          %dma_start3A_107 = arith.constant 0 : i32
          %dma_start3A_108 = tpu.memref_slice %arg6[%dma_start3A_106, %dma_start3A_107] : memref<10240x128xf32, #tpu.memory_space<hbm>> -> memref<10240x128xf32, #tpu.memory_space<hbm>>
          tpu.enqueue_indirect_dma source(%dma_start3A_108 : memref<10240x128xf32, #tpu.memory_space<hbm>>) target(%arg13 : memref<64x128xf32, #tpu.memory_space<vmem>>) offsets(%dma_start3A_105 : memref<64xi32, #tpu.memory_space<vmem>>) semaphore(%arg17 : memref<!tpu.dma_semaphore, #tpu.memory_space<semaphore_mem>>)
        } else {
        }
      }
      %scan3A_59 = arith.constant 16 : i32
    }
    %scan3A_22 = arith.constant 5 : i32
    %barrier3A_23 = arith.constant 0 : index
    tpu.barrier barrier_id(%barrier3A_23)
    %mul3A_24 = arith.constant 640 : i32
    %mul3A_25 = arith.muli %arg1, %mul3A_24 : i32
    "tpu.region"() ({
      %run_scoped3A_26 = tpu.sem_alloc : memref<!tpu.dma_semaphore, #tpu.memory_space<semaphore_mem>>
      %dma_start3A = arith.constant 0 : i32
      %dma_start3A_27 = arith.constant 0 : i32
      %dma_start3A_28 = tpu.memref_slice %arg7[%arg0, %dma_start3A, %dma_start3A_27] : memref<2x10240x128xf32, #tpu.memory_space<hbm>> -> memref<1x10240x128xf32, #tpu.memory_space<hbm>>
      %dma_start3A_29 = tpu.memref_squeeze %dma_start3A_28 : memref<1x10240x128xf32, #tpu.memory_space<hbm>> -> memref<10240x128xf32, #tpu.memory_space<hbm>>
      %dma_start3A_30 = arith.constant 0 : i32
      %dma_start3A_31 = tpu.memref_slice %dma_start3A_29[%mul3A_25, %dma_start3A_30] : memref<10240x128xf32, #tpu.memory_space<hbm>> -> memref<640x128xf32, #tpu.memory_space<hbm>>
      %dma_start3A_32 = arith.constant 0 : i32
      %dma_start3A_33 = tpu.memref_slice %arg15[%mul3A_25, %dma_start3A_32] : memref<10240x128xf32, #tpu.memory_space<vmem_shared>> -> memref<640x128xf32, #tpu.memory_space<vmem_shared>>
      tpu.enqueue_dma source(%dma_start3A_33 : memref<640x128xf32, #tpu.memory_space<vmem_shared>>) target(%dma_start3A_31 : memref<640x128xf32, #tpu.memory_space<hbm>>) target_semaphore(%run_scoped3A_26 : memref<!tpu.dma_semaphore, #tpu.memory_space<semaphore_mem>>)
      %dma_wait3A = arith.constant 0 : i32
      %dma_wait3A_34 = arith.constant 0 : i32
      %dma_wait3A_35 = tpu.memref_slice %arg7[%arg0, %dma_wait3A, %dma_wait3A_34] : memref<2x10240x128xf32, #tpu.memory_space<hbm>> -> memref<1x10240x128xf32, #tpu.memory_space<hbm>>
      %dma_wait3A_36 = tpu.memref_squeeze %dma_wait3A_35 : memref<1x10240x128xf32, #tpu.memory_space<hbm>> -> memref<10240x128xf32, #tpu.memory_space<hbm>>
      %dma_wait3A_37 = arith.constant 0 : i32
      %dma_wait3A_38 = tpu.memref_slice %dma_wait3A_36[%mul3A_25, %dma_wait3A_37] : memref<10240x128xf32, #tpu.memory_space<hbm>> -> memref<640x128xf32, #tpu.memory_space<hbm>>
      %dma_wait3A_39 = arith.constant 0 : i32
      %dma_wait3A_40 = tpu.memref_slice %arg15[%mul3A_25, %dma_wait3A_39] : memref<10240x128xf32, #tpu.memory_space<vmem_shared>> -> memref<640x128xf32, #tpu.memory_space<vmem_shared>>
      tpu.wait_dma2 semaphore(%run_scoped3A_26 : memref<!tpu.dma_semaphore, #tpu.memory_space<semaphore_mem>>) src(%dma_wait3A_40 : memref<640x128xf32, #tpu.memory_space<vmem_shared>>) dst(%dma_wait3A_38 : memref<640x128xf32, #tpu.memory_space<hbm>>)
      tpu.yield
    }) : () -> ()
    return
  }
}

module attributes {stable_mosaic.version = 14 : i64} {
  func.func @_linear_body(%arg0: i32, %arg1: memref<512x128xf32, #tpu.memory_space<vmem>>, %arg2: memref<128x128xf32, #tpu.memory_space<vmem>>, %arg3: memref<1x128xf32, #tpu.memory_space<vmem>>, %arg4: memref<512x128xf32, #tpu.memory_space<vmem>>) attributes {dimension_semantics = [#tpu.dimension_semantics<arbitrary>], iteration_bounds = array<i64: 20>, scalar_prefetch = 0 : i64, scratch_operands = 0 : i64, tpu.core_type = #tpu.core_type<tc>, window_params = [{transform_indices = @transform_0, window_bounds = array<i64: 512, 128>}, {pipeline_mode = #tpu.pipeline_mode<synchronous>, transform_indices = @transform_1, window_bounds = array<i64: 128, 128>}, {pipeline_mode = #tpu.pipeline_mode<synchronous>, transform_indices = @transform_2, window_bounds = array<i64: 1, 128>}, {transform_indices = @transform_3, window_bounds = array<i64: 512, 128>}]} {
    %get3A = arith.constant 0 : index
    %get3A_0 = arith.constant 0 : index
    %get3A_1 = vector.load %arg1[%get3A, %get3A_0] : memref<512x128xf32, #tpu.memory_space<vmem>>, vector<512x128xf32>
    %get3A_2 = arith.constant 0 : index
    %get3A_3 = arith.constant 0 : index
    %get3A_4 = vector.load %arg2[%get3A_2, %get3A_3] : memref<128x128xf32, #tpu.memory_space<vmem>>, vector<128x128xf32>
    %dot_general3A = arith.constant dense<0.000000e+00> : vector<512x128xf32>
    %dot_general3A_5 = tpu.matmul %get3A_1, %get3A_4, %dot_general3A {dimension_numbers = #tpu.dot_dimension_numbers<[1], [0], [0], [1], [0, 0, 1, 1], [], []>, transpose_lhs_hint = false} : vector<512x128xf32>, vector<128x128xf32>, vector<512x128xf32> -> vector<512x128xf32>
    %get3A_6 = arith.constant 0 : index
    %get3A_7 = arith.constant 0 : index
    %get3A_8 = vector.load %arg3[%get3A_6, %get3A_7] : memref<1x128xf32, #tpu.memory_space<vmem>>, vector<1x128xf32>
    %add3A = vector.broadcast %get3A_8 : vector<1x128xf32> to vector<512x128xf32>
    %add3A_9 = arith.addf %dot_general3A_5, %add3A : vector<512x128xf32>
    %swap3A = arith.constant 0 : index
    %swap3A_10 = arith.constant 0 : index
    %swap3A_11 = vector.load %arg4[%swap3A, %swap3A_10] : memref<512x128xf32, #tpu.memory_space<vmem>>, vector<512x128xf32>
    tpu.vector_store %arg4[%swap3A, %swap3A_10], %add3A_9 {strides = array<i32>} : memref<512x128xf32, #tpu.memory_space<vmem>>, vector<512x128xf32>,
    return
  }
  func.func @transform_0(%arg0: i32) -> (i32, i32) {
    %c0_i32 = arith.constant 0 : i32
    %c0_i32_0 = arith.constant 0 : i32
    return %arg0, %c0_i32 : i32, i32
  }
  func.func @transform_1(%arg0: i32) -> (i32, i32) {
    %c0_i32 = arith.constant 0 : i32
    %c0_i32_0 = arith.constant 0 : i32
    %c0_i32_1 = arith.constant 0 : i32
    return %c0_i32, %c0_i32_0 : i32, i32
  }
  func.func @transform_2(%arg0: i32) -> (i32, i32) {
    %c0_i32 = arith.constant 0 : i32
    %c0_i32_0 = arith.constant 0 : i32
    %c0_i32_1 = arith.constant 0 : i32
    return %c0_i32, %c0_i32_0 : i32, i32
  }
  func.func @transform_3(%arg0: i32) -> (i32, i32) {
    %c0_i32 = arith.constant 0 : i32
    %c0_i32_0 = arith.constant 0 : i32
    return %arg0, %c0_i32 : i32, i32
  }
}

module attributes {stable_mosaic.version = 14 : i64} {
  func.func @_combine_body(%arg0: i32, %arg1: memref<512x1xf32, #tpu.memory_space<vmem>>, %arg2: memref<512x1xf32, #tpu.memory_space<vmem>>, %arg3: memref<512x128xf32, #tpu.memory_space<vmem>>, %arg4: memref<512x128xf32, #tpu.memory_space<vmem>>, %arg5: memref<512x128xf32, #tpu.memory_space<vmem>>, %arg6: memref<512x128xf32, #tpu.memory_space<vmem>>) attributes {dimension_semantics = [#tpu.dimension_semantics<arbitrary>], iteration_bounds = array<i64: 20>, scalar_prefetch = 0 : i64, scratch_operands = 0 : i64, tpu.core_type = #tpu.core_type<tc>, window_params = [{transform_indices = @transform_0, window_bounds = array<i64: 512, 1>}, {transform_indices = @transform_1, window_bounds = array<i64: 512, 1>}, {transform_indices = @transform_2, window_bounds = array<i64: 512, 128>}, {transform_indices = @transform_3, window_bounds = array<i64: 512, 128>}, {transform_indices = @transform_4, window_bounds = array<i64: 512, 128>}, {transform_indices = @transform_5, window_bounds = array<i64: 512, 128>}]} {
    %get3A = arith.constant 0 : index
    %get3A_0 = arith.constant 0 : index
    %get3A_1 = vector.load %arg1[%get3A, %get3A_0] : memref<512x1xf32, #tpu.memory_space<vmem>>, vector<512x1xf32>
    %get3A_2 = arith.constant 0 : index
    %get3A_3 = arith.constant 0 : index
    %get3A_4 = vector.load %arg2[%get3A_2, %get3A_3] : memref<512x1xf32, #tpu.memory_space<vmem>>, vector<512x1xf32>
    %add3A = arith.addf %get3A_1, %get3A_4 : vector<512x1xf32>
    %add3A_5 = arith.constant 2.000000e+00 : f32
    %add3A_6 = vector.broadcast %add3A_5 : f32 to vector<512x1xf32>
    %add3A_7 = arith.addf %add3A, %add3A_6 : vector<512x1xf32>
    %get3A_8 = arith.constant 0 : index
    %get3A_9 = arith.constant 0 : index
    %get3A_10 = vector.load %arg4[%get3A_8, %get3A_9] : memref<512x128xf32, #tpu.memory_space<vmem>>, vector<512x128xf32>
    %get3A_11 = arith.constant 0 : index
    %get3A_12 = arith.constant 0 : index
    %get3A_13 = vector.load %arg5[%get3A_11, %get3A_12] : memref<512x128xf32, #tpu.memory_space<vmem>>, vector<512x128xf32>
    %add3A_14 = arith.addf %get3A_10, %get3A_13 : vector<512x128xf32>
    %get3A_15 = arith.constant 0 : index
    %get3A_16 = arith.constant 0 : index
    %get3A_17 = vector.load %arg3[%get3A_15, %get3A_16] : memref<512x128xf32, #tpu.memory_space<vmem>>, vector<512x128xf32>
    %div3A = vector.broadcast %add3A_7 : vector<512x1xf32> to vector<512x128xf32>
    %div3A_18 = arith.divf %get3A_17, %div3A : vector<512x128xf32>
    %add3A_19 = arith.addf %add3A_14, %div3A_18 : vector<512x128xf32>
    %max3A = arith.constant 0.000000e+00 : f32
    %max3A_20 = vector.broadcast %max3A : f32 to vector<512x128xf32>
    %max3A_21 = arith.maximumf %add3A_19, %max3A_20 : vector<512x128xf32>
    %swap3A = arith.constant 0 : index
    %swap3A_22 = arith.constant 0 : index
    %swap3A_23 = vector.load %arg6[%swap3A, %swap3A_22] : memref<512x128xf32, #tpu.memory_space<vmem>>, vector<512x128xf32>
    tpu.vector_store %arg6[%swap3A, %swap3A_22], %max3A_21 {strides = array<i32>} : memref<512x128xf32, #tpu.memory_space<vmem>>, vector<512x128xf32>,
    return
  }
  func.func @transform_0(%arg0: i32) -> (i32, i32) {
    %c0_i32 = arith.constant 0 : i32
    %c0_i32_0 = arith.constant 0 : i32
    return %arg0, %c0_i32 : i32, i32
  }
  func.func @transform_1(%arg0: i32) -> (i32, i32) {
    %c0_i32 = arith.constant 0 : i32
    %c0_i32_0 = arith.constant 0 : i32
    return %arg0, %c0_i32 : i32, i32
  }
  func.func @transform_2(%arg0: i32) -> (i32, i32) {
    %c0_i32 = arith.constant 0 : i32
    %c0_i32_0 = arith.constant 0 : i32
    return %arg0, %c0_i32 : i32, i32
  }
  func.func @transform_3(%arg0: i32) -> (i32, i32) {
    %c0_i32 = arith.constant 0 : i32
    %c0_i32_0 = arith.constant 0 : i32
    return %arg0, %c0_i32 : i32, i32
  }
  func.func @transform_4(%arg0: i32) -> (i32, i32) {
    %c0_i32 = arith.constant 0 : i32
    %c0_i32_0 = arith.constant 0 : i32
    return %arg0, %c0_i32 : i32, i32
  }
  func.func @transform_5(%arg0: i32) -> (i32, i32) {
    %c0_i32 = arith.constant 0 : i32
    %c0_i32_0 = arith.constant 0 : i32
    return %arg0, %c0_i32 : i32, i32
  }
}

</mosaic_0001>

<sc_bundles>
// kernel: kernel.6.cloned.1.call-start
scs
__scs_entry_jumppad:
0x0: {  	(pc) =	sbr.rel $0x88, $3  }
0x1: {  	(tag) =	ssettag $0x0;
	lr =	simm.s32 $0x1  }
0x2: {  	[smem:$0x3F9C] =	sst lr;
	_ =	strace $0xD0000000  }
0x3: {  	_ = 	snop  }
0x4: {  	_ = 	snop  }
0x5: {  	_ = 	snop  }
0x6: {  	_ = 	snop  }
0x7: {  	_ = 	snop  }
__scs_overlays_trampoline_lowered:
0x8: {  	[smem:$0x3FAB] =	sst s0  }
0x9: {  	[smem:$0x3FAC] =	sst s1  }
0xa: {  	[smem:$0x3FAD] =	sst s2  }
0xb: {  	[smem:$0x3FAE] =	sst s3  }
0xc: {  	[smem:$0x3FAF] =	sst s4  }
0xd: {  	[smem:$0x3FB0] =	sst s5  }
0xe: {  	[smem:$0x3FB1] =	sst s6  }
0xf: {  	[smem:$0x3FB2] =	sst s7  }
0x10: {  	[smem:$0x3FB3] =	sst s8  }
0x11: {  	[smem:$0x3FB4] =	sst s9;
	s0 =	simm.s32 @!p0 $0x0  }
0x12: {  	s1 =	sld [smem:$0x3F9A];
	s0 =	simm.s32 @p0 $0x1  }
0x13: {  	[smem:$0x3FB5] =	sst s0;
	s0 =	simm.s32 @!p1 $0x0  }
0x14: {  	s2 =	sld [smem:$0x3F99];
	s0 =	simm.s32 @p1 $0x1  }
0x15: {  	[smem:$0x3FB6] =	sst s0;
	s0 =	simm.s32 @!p2 $0x0  }
0x16: {  	s3 =	sld [smem:$0x3FDB];
	s0 =	simm.s32 @p2 $0x1  }
0x17: {  	s4 =	simm.s32 $0x1BF5;
	[smem:$0x3FB8] =	sst s0  }
0x18: {  	s0 =	sld [smem:$0x3F9B];
	_ =	swait.ge [sflag:s4], $0x0  }
0x19: {  	s7 =	sld [smem:$0x3F9C]  }
0x1a: {  	s8 =	sadd.s32 $0xFFFFE003, lr  }
0x1b: {  	s9 =	sadd.s32 $0xFFFFFEF7, lr;
	s5 =	simm.s32 $0xFFFFFFFF;
	p2 =	slt.u32 s8, $0xFFFFF086  }
0x1c: {  	p1 =	slt.u32 s9, $0xF7A;
	s5 =	simm.s32 @!p2 $0x0  }
0x1d: {  	s5 =	simm.s32 @p1 $0x1;
	p0 =	seq.s32 s7, s2  }
0x1e: {  	s7 =	smul.u32 @!p0 $0xF7A, s2;
	p2 =	seq.s32 @!p0 s5, $0x0  }
0x1f: {  	s9 =	smul.u32 $0xF7A, s1;
	s8 =	simm.s32 @!p0 $0x1BF5;
	p2 =	por !p2, p0  }
0x20: {  	[sflag:s8] =	ssyncset.s32 @!p0 $0xFFFFF086;
	s6 =	sadd.s32 @!p0 s3, s7;
	s7 =	simm.s32 @!p0 $0x108  }
0x21: {  	s3 =	sadd.s32 s3, s9;
	s6 =	sadd.s32 @!p0 $0x88, s6;
	s7 =	simm.s32 @p2 $0x1082  }
0x22: {  	[simem:s7], [sflag:s8] =	dma.local @!p0 [hbm:s6], $0xF7A  }
0x23: {  	s9 =	sor.u32 $0xD0000000, s2;
	s6 =	simm.s32 $0x108;
	_ =	swait.ge @!p0 [sflag:s8], $0x0  }
0x24: {  	s3 =	sadd.s32 $0x88, s3;
	s6 =	simm.s32 @!p1 $0x1082;
	[sflag:s4] =	ssyncset.s32 $0xFFFFF086  }
0x25: {  	[simem:s6], [sflag:s4] =	dma.local [hbm:s3], $0xF7A  }
0x26: {  	[smem:$0x3F9C] =	sst s1;
	(tag) =	ssettag s2;
	_ =	strace s9  }
0x27: {  	s1 =	sld [smem:$0x3FAC]  }
0x28: {  	s2 =	sld [smem:$0x3FAD]  }
0x29: {  	s4 =	sld [smem:$0x3FAF]  }
0x2a: {  	p0 =	seq.s32 s5, $0x0;
	s5 =	sld [smem:$0x3FB0]  }
0x2b: {  	s6 =	sld [smem:$0x3FB1]  }
0x2c: {  	s7 =	sld [smem:$0x3FB2]  }
0x2d: {  	s3 =	simm.s32 $0x108;
	s8 =	sld [smem:$0x3FB3]  }
0x2e: {  	s3 =	simm.s32 @!p0 $0x1082;
	s9 =	sld [smem:$0x3FB4]  }
0x2f: {  	lr =	sadd.s32 s0, s3;
	s0 =	sld [smem:$0x3FAB]  }
0x30: {  	s3 =	sld [smem:$0x3FAE]  }
0x31: {  	[smem:$0x3FB7] =	sst s10  }
0x32: {  	s10 =	sld [smem:$0x3FB5];
	_ =	sdelay $0x3  }
0x33: {  	p0 =	seq.s32 s10, $0x1;
	s10 =	sld [smem:$0x3FB7];
	_ =	sdelay $0x3  }
0x34: {  	[smem:$0x3FB7] =	sst s10  }
0x35: {  	s10 =	sld [smem:$0x3FB6];
	_ =	sdelay $0x3  }
0x36: {  	p1 =	seq.s32 s10, $0x1;
	s10 =	sld [smem:$0x3FB7];
	_ =	sdelay $0x3  }
0x37: {  	[smem:$0x3FB7] =	sst s10  }
0x38: {  	s10 =	sld [smem:$0x3FB8]  }
0x39: {  	_ = 	snop;
	(pc) =	sbr.ind lr, $3  }
0x3a: {  	_ = 	snop  }
0x3b: {  	_ = 	snop  }
0x3c: {  	p2 =	seq.s32 s10, $0x1;
	s10 =	sld [smem:$0x3FB7]  }
0x3d: {  	_ =	shalt  }
0x3e: {  	_ =	shalt  }
0x3f: {  	_ =	shalt  }
0x40: {  	_ =	shalt  }
0x41: {  	_ =	shalt  }
0x42: {  	_ =	shalt  }
0x43: {  	_ =	shalt  }
0x44: {  	_ =	shalt  }
0x45: {  	_ =	shalt  }
0x46: {  	_ =	shalt  }
0x47: {  	_ =	shalt  }
0x48: {  	_ =	shalt  }
0x49: {  	_ =	shalt  }
0x4a: {  	_ =	shalt  }
0x4b: {  	_ =	shalt  }
0x4c: {  	_ =	shalt  }
0x4d: {  	_ =	shalt  }
0x4e: {  	_ =	shalt  }
0x4f: {  	_ =	shalt  }
0x50: {  	_ =	shalt  }
0x51: {  	_ =	shalt  }
0x52: {  	_ =	shalt  }
0x53: {  	_ =	shalt  }
0x54: {  	_ =	shalt  }
0x55: {  	_ =	shalt  }
0x56: {  	_ =	shalt  }
0x57: {  	_ =	shalt  }
0x58: {  	_ =	shalt  }
0x59: {  	_ =	shalt  }
0x5a: {  	_ =	shalt  }
0x5b: {  	_ =	shalt  }
0x5c: {  	_ =	shalt  }
0x5d: {  	_ =	shalt  }
0x5e: {  	_ =	shalt  }
0x5f: {  	_ =	shalt  }
0x60: {  	_ =	shalt  }
0x61: {  	_ =	shalt  }
0x62: {  	_ =	shalt  }
0x63: {  	_ =	shalt  }
0x64: {  	_ =	shalt  }
0x65: {  	_ =	shalt  }
0x66: {  	_ =	shalt  }
0x67: {  	_ =	shalt  }
0x68: {  	_ =	shalt  }
0x69: {  	_ =	shalt  }
0x6a: {  	_ =	shalt  }
0x6b: {  	_ =	shalt  }
0x6c: {  	_ =	shalt  }
0x6d: {  	_ =	shalt  }
0x6e: {  	_ =	shalt  }
0x6f: {  	_ =	shalt  }
0x70: {  	_ =	shalt  }
0x71: {  	_ =	shalt  }
0x72: {  	_ =	shalt  }
0x73: {  	_ =	shalt  }
0x74: {  	_ =	shalt  }
0x75: {  	_ =	shalt  }
0x76: {  	_ =	shalt  }
0x77: {  	_ =	shalt  }
0x78: {  	_ =	shalt  }
0x79: {  	_ =	shalt  }
0x7a: {  	_ =	shalt  }
0x7b: {  	_ =	shalt  }
0x7c: {  	_ =	shalt  }
0x7d: {  	_ =	shalt  }
0x7e: {  	_ =	shalt  }
0x7f: {  	_ =	shalt  }
0x80: {  	_ =	shalt  }
0x81: {  	_ =	shalt  }
0x82: {  	_ =	shalt  }
0x83: {  	_ =	shalt  }
0x84: {  	_ =	shalt  }
0x85: {  	_ =	shalt  }
0x86: {  	_ =	shalt  }
0x87: {  	_ =	shalt  }
.Lfunc_end0:
.L_simem_size_0:
called_computation_lowered:
.L_overlay_start_0:
0x88: {  	s2 =	sld [smem:$0x3FD9]  }
0x89: {  	s3 =	sld [smem:$0x3FFE];
	_ =	sdelay $0x1  }
0x8a: {  	s1 =	srdreg.scid  }
0x8b: {  	s0 =	sand.u32 $0x1, s1  }
0x8c: {  	s16 =	sshll.u32 s0, $0xA;
	s2 =	sadd.s32 s3, s2  }
0x8d: {  	s2 =	sadd.s32 s2, s16  }
0x8e: {  	[smem:$0x3FC3] =	sst s2  }
0x8f: {  	_ = 	snop  }
0x90: {  	(tm) =	ssettm $0x1  }
0x91: {  	s17 =	sld [smem:$0x3FFB];
	_ =	sdelay $0x3  }
0x92: {  	_ =	strace s17  }
0x93: {  	s2 =	sld [smem:$0x3FFC];
	_ =	sdelay $0x3  }
0x94: {  	_ =	strace s2  }
0x95: {  	s2 =	sld [smem:$0x3FFD];
	_ =	sdelay $0x3  }
0x96: {  	_ =	strace s2  }
0x97: {  	_ =	strace $0x8FFFFFFF  }
0x98: {  	s18 =	sld [smem:$0x3FDB];
	_ =	sdelay $0x1  }
0x99: {  	s19 =	simm.s32 $_scs_section_size  }
0x9a: {  	s4 =	simm.s32 $_size__tile_overlayer_lowered;
	s5 =	simm.s32 $_tile_overlayer_lowered  }
0x9b: {  	s22 =	simm.s32 $0x1BFF;
	s21 =	sshll.u32 s5, $0x1;
	s2 =	sadd.s32 s19, s18  }
0x9c: {  	s6 =	simm.s32 $0x0;
	s20 =	sshll.u32 s4, $0x1;
	s4 =	sadd.s32 s21, s2  }
0x9d: {  	[timem:s6], [sflag:s22] =	dma.local [hbm:s4], s20  }
0x9e: {  	_ =	swait.ge [sflag:s22], s20  }
0x9f: {  	s3 =	ssub.s32 $0x0, s20;
	[sflag:s22] =	ssyncset.done $0x0  }
0xa0: {  	[sflag:s22] =	ssyncadd.s32 s3;
	_ =	sdelay $0x1  }
0xa1: {  	s23 =	simm.s32 $0x1B8B  }
0xa2: {  	_ =	swait.ge [sflag:s23], $0x1  }
0xa3: {  	[sflag:s23] =	ssyncset.done $0x0  }
0xa4: {  	s25 =	simm.s32 $0x1B8E;
	s24 =	sld [smem:$0x3FFE];
	[sflag:s23] =	ssyncadd.s32 $0xFFFFFFFF  }
0xa5: {  	s26 =	simm.s32 $execute0_lowered;
	[smem:$0x3FD2] =	sst s25  }
0xa6: {  	s4 =	sshll.u32 s26, $0x1;
	_ =	strace $0x80000046;
	[dreg:$0x1] =	wrdreg $0xFFFFFFFF  }
0xa7: {  	s28 =	simm.s32 $_size_execute0_lowered;
	s2 =	sadd.s32 s2, s4;
	[dreg:$0x0] =	wrdreg $0x0  }
0xa8: {  	s4 =	sshll.u32 s28, $0x1;
	[dreg:$0x2] =	wrdreg s2  }
0xa9: {  	[dreg:$0x3] =	wrdreg s4  }
0xaa: {  	[dreg:$0x4] =	wrdreg $0xC0  }
0xab: {  	_ =	task [dreg:s6], $0x5FFFF  }
0xac: {  	[dreg:$0x1] =	wrdreg $0xFFFFFFFF  }
0xad: {  	[dreg:$0x0] =	wrdreg $0x60  }
0xae: {  	[dreg:$0x2] =	wrdreg s24  }
0xaf: {  	[dreg:$0x3] =	wrdreg $0xCA800  }
0xb0: {  	[dreg:$0x4] =	wrdreg $0x9  }
0xb1: {  	_ =	task.clear_ibuf [dreg:s6], $0x5FFFF;
	_ =	strace $0x90000046  }
0xb2: {  	s29 =	simm.s32 $0x9;
	_ =	strace $0x80000048  }
0xb3: {  	_ =	swait.ge [sflag:s29], $0x1  }
0xb4: {  	[sflag:s29] =	ssyncadd.s32 $0xFFFFFFFF  }
0xb5: {  	_ =	strace $0x90000048  }
0xb6: {  	_ =	sfence  }
0xb7: {  	s30 =	sld [smem:$0x0];
	_ =	sdelay $0x2  }
0xb8: {  	s31 =	sshll.u32 s1, $0xD;
	s1 =	sshrl.u32 s1, $0x2  }
0xb9: {  	s3 =	sand.u32 $0x4000, s31;
	s1 =	sadd.s32 s1, s30  }
0xba: {  	s0 =	sor.u32 s3, s0;
	s1 =	sshll.u32 s1, $0x11  }
0xbb: {  	s0 =	sor.u32 s1, s0  }
0xbc: {  	s0 =	sadd.s32 $0x8F2B, s0  }
0xbd: {  	[sflag:s0] =	ssyncadd.remote.s32 $0x1  }
0xbe: {  	_ =	sfence.sel $0xFFFF  }
0xbf: {  	[dreg:$0x0] =	wrdreg $0xFFFFFFFF;
	(pc) =	sbr.abs _section_cstart, $3  }
0xc0: {  	[dreg:$0x1] =	wrdreg $0xFFFFFFFF  }
0xc1: {  	_ =	task.clear_ibuf [dreg:s6], $0x2FFFF;
	_ =	strace $0x9FFFFFFF  }
0xc2: {  	(tm) =	ssettm $0x7FFFFFFF  }
0xc3: {  	_ =	shalt  }
tec
execute0_lowered:
.L_overlay_start_1:
0x0: {  	(tag) =	ssettag $0x1  }
0x1: {  	s5 =	rddreg [dreg:$0x0]  }
0x2: {  	s2 =	rddreg [dreg:$0x1]  }
0x3: {  	s0 =	srdreg.scid;
	s1 =	rddreg [dreg:$0x2]  }
0x4: {  	s3 =	simm.s32 $0x0;
	s12 =	simm.s32 $0x2800;
	s13 =	simm.s32 $0x5000  }
0x5: {  	s14 =	simm.s32 $0x80;
	s18 =	simm.s32 $0x20;
	s19 =	simm.s32 $0x10  }
0x6: {  	s20 =	simm.s32 $0xA000;
	s21 =	simm.s32 $0x0;
	s4 =	sand.u32 $0x1, s0  }
0x7: {  	s0 =	stileid.u32;
	[smem:$0x7FF] =	sst s3;
	s6 =	sshll.u32 s4, $0x4  }
0x8: {  	s4 =	ssub.s32 $0x2, s4;
	s8 =	smul.u32 $0xA00, s0;
	_ =	strace $0x80000047  }
0x9: {  	s16 =	smul.u32 $0xA0, s0;
	s31 =	sshll.u32 s0, $0x6;
	s7 =	sor.u32 s0, s6  }
0xa: {  	s9 =	sadd.s32 s6, s5;
	s29 =	sshrl.u32 s4, $0x1;
	s7 =	smul.u32 $0x500, s7  }
0xb: {  	s11 =	ssub.s32 s4, s29;
	s30 =	sshrl.u32 s8, $0x2;
	s15 =	sadd.s32 $0x2A800, s9  }
0xc: {  	s4 =	sadd.s32 s30, s2;
	s9 =	smax.u32 s11, $0x1;
	s11 =	simm.s32 $0x1  }
0xd: {  	s15 =	sadd.s32 s16, s15;
	s16 =	sor.u32 $0x1C01, s31;
	s10 =	sadd.s32 s7, s5  }
0xe: {  	s17 =	sshrl.u32 s4, $0x3;
	s5 =	sadd.s32 $0x2800, s10;
	s6 =	sadd.s32 $0xC800, s10  }
0xf: {  	v0 =	vimm.f32 $0.0e+00;
	v1 =	vimm.f32 $1.000000000e+00;
	s7 =	sadd.s32 $0x16800, s10;
	s8 =	sadd.s32 $0x20800, s10;
	s10 =	simm.s32 $0xC800  }
.LBB2_1:
0x10: {  	[tilespmem:$0xC800] =	vst v0  }
0x11: {  	[tilespmem:$0xC810] =	vst v0  }
0x12: {  	[tilespmem:$0xC820] =	vst v0  }
0x13: {  	[tilespmem:$0xC830] =	vst v0  }
0x14: {  	[tilespmem:$0xC840] =	vst v0  }
0x15: {  	[tilespmem:$0xC850] =	vst v0  }
0x16: {  	[tilespmem:$0xC860] =	vst v0  }
0x17: {  	[tilespmem:$0xC870] =	vst v0  }
0x18: {  	[tilespmem:$0xC880] =	vst v0  }
0x19: {  	[tilespmem:$0xC890] =	vst v0  }
0x1a: {  	[tilespmem:$0xC8A0] =	vst v0  }
0x1b: {  	[tilespmem:$0xC8B0] =	vst v0  }
0x1c: {  	[tilespmem:$0xC8C0] =	vst v0  }
0x1d: {  	[tilespmem:$0xC8D0] =	vst v0  }
0x1e: {  	[tilespmem:$0xC8E0] =	vst v0  }
0x1f: {  	[tilespmem:$0xC8F0] =	vst v0  }
0x20: {  	[tilespmem:$0xC900] =	vst v0  }
0x21: {  	[tilespmem:$0xC910] =	vst v0  }
0x22: {  	[tilespmem:$0xC920] =	vst v0  }
0x23: {  	[tilespmem:$0xC930] =	vst v0  }
0x24: {  	[tilespmem:$0xC940] =	vst v0  }
0x25: {  	[tilespmem:$0xC950] =	vst v0  }
0x26: {  	[tilespmem:$0xC960] =	vst v0  }
0x27: {  	[tilespmem:$0xC970] =	vst v0  }
0x28: {  	[tilespmem:$0xC980] =	vst v0  }
0x29: {  	[tilespmem:$0xC990] =	vst v0  }
0x2a: {  	[tilespmem:$0xC9A0] =	vst v0  }
0x2b: {  	[tilespmem:$0xC9B0] =	vst v0  }
0x2c: {  	[tilespmem:$0xC9C0] =	vst v0  }
0x2d: {  	[tilespmem:$0xC9D0] =	vst v0  }
0x2e: {  	[tilespmem:$0xC9E0] =	vst v0  }
0x2f: {  	[tilespmem:$0xC9F0] =	vst v0  }
0x30: {  	[tilespmem:$0xCA00] =	vst v0  }
0x31: {  	[tilespmem:$0xCA10] =	vst v0  }
0x32: {  	[tilespmem:$0xCA20] =	vst v0  }
0x33: {  	[tilespmem:$0xCA30] =	vst v0  }
0x34: {  	[tilespmem:$0xCA40] =	vst v0  }
0x35: {  	[tilespmem:$0xCA50] =	vst v0  }
0x36: {  	[tilespmem:$0xCA60] =	vst v0  }
0x37: {  	[tilespmem:$0xCA70] =	vst v0  }
0x38: {  	[spmem:s4] =	stream.linear.scatter [tilespmem:s10], [sflag:$0x1], $0x280, $0x38;
	[tilespmem:$0xCD00] =	vst v63  }
0x39: {  	_ =	swait.ge [sflag:s11], $0x280  }
0x3a: {  	[sflag:s11] =	ssyncset.done $0x0  }
0x3b: {  	[sflag:s11] =	ssyncadd.s32 $0xFFFFFD80  }
0x3c: {  	[tilespmem:s3], [sflag:$0x1] =	stream.linear.gather [hbm4b:s5+s3], $0x2800, $0x38;
	[tilespmem:$0xCD00] =	vst v63  }
0x3d: {  	_ =	swait.ge [sflag:s11], $0x2800  }
0x3e: {  	[sflag:s11] =	ssyncset.done $0x0  }
0x3f: {  	[sflag:s11] =	ssyncadd.s32 $0xFFFFD800  }
0x40: {  	[tilespmem:s12], [sflag:$0x1] =	stream.linear.gather [hbm4b:s6+s3], $0x2800, $0x38;
	[tilespmem:$0xCD00] =	vst v63  }
0x41: {  	_ =	swait.ge [sflag:s11], $0x2800  }
0x42: {  	[sflag:s11] =	ssyncset.done $0x0  }
0x43: {  	[sflag:s11] =	ssyncadd.s32 $0xFFFFD800  }
0x44: {  	[tilespmem:s13], [sflag:$0x1] =	stream.linear.gather [hbm4b:s7+s3], $0x2800, $0x38;
	[tilespmem:$0xCD00] =	vst v63  }
0x45: {  	_ =	swait.ge [sflag:s11], $0x2800  }
0x46: {  	[sflag:s11] =	ssyncset.done $0x0  }
0x47: {  	s22 =	simm.s32 $0x0;
	[sflag:s11] =	ssyncadd.s32 $0xFFFFD800  }
0x48: {  	v2 =	vld [tilespmem:s22+$0x70]  }
0x49: {  	v3 =	vld [tilespmem:s22+$0x2870]  }
0x4a: {  	v4 =	vld [tilespmem:s22+$0x5070]  }
0x4b: {  	v5 =	vld [tilespmem:s22+$0x0]  }
0x4c: {  	v6 =	vld [tilespmem:s22+$0x2800]  }
0x4d: {  	v7 =	vld [tilespmem:s22+$0x10]  }
0x4e: {  	v8 =	vld [tilespmem:s22+$0x2810]  }
0x4f: {  	v9 =	vld [tilespmem:s22+$0x30]  }
0x50: {  	vm0 =	veq.s32 v2, v3;
	v2 =	vld [tilespmem:s22+$0x20]  }
0x51: {  	vm3 =	veq.s32 v5, v6;
	v5 =	vld [tilespmem:s22+$0x2830]  }
0x52: {  	v3 =	vsel vm0, $0x0, v4;
	v4 =	vld [tilespmem:s22+$0x2820]  }
0x53: {  	vm4 =	veq.s32 v7, v8;
	v7 =	vld [tilespmem:s22+$0x2840];
	[tilespmem:s22+$0xA070] =	vst v3;
	v3 =	vsel vm0, $0x0, v1  }
0x54: {  	v8 =	vld [tilespmem:s22+$0x60];
	[tilespmem:s22+$0x7870] =	vst v3;
	v3 =	vsel vm3, $0x0, v1  }
0x55: {  	v6 =	vsel vm4, $0x0, v1;
	[tilespmem:s22+$0x7800] =	vst v3;
	v3 =	vld [tilespmem:s22+$0x40]  }
0x56: {  	[tilespmem:s22+$0x7810] =	vst v6;
	v6 =	vld [tilespmem:s22+$0x2850]  }
0x57: {  	vm5 =	veq.s32 v2, v4;
	v2 =	vld [tilespmem:s22+$0x50]  }
0x58: {  	vm0 =	veq.s32 v9, v5;
	v9 =	vld [tilespmem:s22+$0x2860]  }
0x59: {  	v5 =	vld [tilespmem:s22+$0x5000]  }
0x5a: {  	v4 =	vsel vm5, $0x0, v1;
	vm1 =	veq.s32 v3, v7;
	v3 =	vld [tilespmem:s22+$0x5010]  }
0x5b: {  	v10 =	vld [tilespmem:s22+$0x5020];
	[tilespmem:s22+$0x7820] =	vst v4;
	v4 =	vsel vm0, $0x0, v1  }
0x5c: {  	[tilespmem:s22+$0x7830] =	vst v4;
	v7 =	vld [tilespmem:s22+$0x5030];
	v4 =	vsel vm1, $0x0, v1;
	vm2 =	veq.s32 v2, v6  }
0x5d: {  	[tilespmem:s22+$0x7840] =	vst v4;
	v4 =	vld [tilespmem:s22+$0x5040];
	v2 =	vsel vm2, $0x0, v1  }
0x5e: {  	[tilespmem:s22+$0x7850] =	vst v2;
	v2 =	vsel vm3, $0x0, v5;
	v5 =	vld [tilespmem:s22+$0x5050]  }
0x5f: {  	s23 =	simm.s32 $0x80;
	v6 =	vld [tilespmem:s22+$0x5060];
	vm3 =	veq.s32 v8, v9;
	[tilespmem:s22+$0xA000] =	vst v2;
	v8 =	vsel vm4, $0x0, v3  }
0x60: {  	s24 =	simm.s32 $0x400;
	v3 =	vsel vm3, $0x0, v1;
	v2 =	vld [tilespmem:s23+$0x70];
	[tilespmem:s22+$0xA010] =	vst v8;
	v8 =	vsel vm5, $0x0, v10  }
.LBB2_2:
0x61: {  	p0 =	sne.s32 s24, $0x9E00;
	v9 =	vld [tilespmem:s23+$0x2870];
	[tilespmem:s22+$0xA020] =	vst v8;
	v7 =	vsel vm0, $0x0, v7  }
0x62: {  	v8 =	vld [tilespmem:s23+$0x5070];
	[tilespmem:s22+$0xA030] =	vst v7;
	v4 =	vsel vm1, $0x0, v4  }
0x63: {  	v7 =	vld [tilespmem:s23+$0x0];
	[tilespmem:s22+$0xA040] =	vst v4;
	v4 =	vsel vm2, $0x0, v5  }
0x64: {  	v5 =	vld [tilespmem:s23+$0x2800];
	[tilespmem:s22+$0xA050] =	vst v4;
	v4 =	vsel vm3, $0x0, v6  }
0x65: {  	v6 =	vld [tilespmem:s23+$0x10];
	[tilespmem:s22+$0x7860] =	vst v3  }
0x66: {  	v3 =	vld [tilespmem:s23+$0x2810];
	vm0 =	veq.s32 v2, v9;
	[tilespmem:s22+$0xA060] =	vst v4;
	s22 =	smov.u32 s23  }
0x67: {  	v2 =	vld [tilespmem:s22+$0x20];
	v4 =	vsel vm0, $0x0, v1;
	v8 =	vsel vm0, $0x0, v8  }
0x68: {  	v9 =	vld [tilespmem:s22+$0x2820];
	[tilespmem:s22+$0xA070] =	vst v8  }
0x69: {  	vm4 =	veq.s32 v7, v5;
	v5 =	vld [tilespmem:s22+$0x30];
	[tilespmem:s22+$0x7870] =	vst v4  }
0x6a: {  	v4 =	vsel vm4, $0x0, v1;
	v7 =	vld [tilespmem:s22+$0x2830]  }
0x6b: {  	[tilespmem:s22+$0x7800] =	vst v4;
	vm5 =	veq.s32 v6, v3;
	v3 =	vld [tilespmem:s22+$0x40]  }
0x6c: {  	v4 =	vsel vm5, $0x0, v1;
	v6 =	vld [tilespmem:s22+$0x2840]  }
0x6d: {  	[tilespmem:s22+$0x7810] =	vst v4;
	vm6 =	veq.s32 v2, v9;
	v2 =	vld [tilespmem:s22+$0x50]  }
0x6e: {  	v4 =	vsel vm6, $0x0, v1;
	v8 =	vld [tilespmem:s22+$0x2850]  }
0x6f: {  	[tilespmem:s22+$0x7820] =	vst v4;
	vm0 =	veq.s32 v5, v7;
	v5 =	vld [tilespmem:s22+$0x60]  }
0x70: {  	v4 =	vsel vm0, $0x0, v1;
	v9 =	vld [tilespmem:s22+$0x2860]  }
0x71: {  	v10 =	vld [tilespmem:s22+$0x5000];
	[tilespmem:s22+$0x7830] =	vst v4;
	vm1 =	veq.s32 v3, v6  }
0x72: {  	v6 =	vld [tilespmem:s22+$0x5010];
	v3 =	vsel vm1, $0x0, v1  }
0x73: {  	v11 =	vld [tilespmem:s22+$0x5020];
	[tilespmem:s22+$0x7840] =	vst v3;
	vm2 =	veq.s32 v2, v8  }
.Ltmp0:
0x74: {  	v7 =	vld [tilespmem:s22+$0x5030];
	v2 =	vsel vm2, $0x0, v1;
	(pc) =	sbr.rel @p0 .LBB2_2-.Ltmp0, $4  }
0x75: {  	v4 =	vld [tilespmem:s22+$0x5040];
	[tilespmem:s22+$0x7850] =	vst v2;
	vm3 =	veq.s32 v5, v9  }
0x76: {  	v2 =	vsel vm4, $0x0, v10;
	v5 =	vld [tilespmem:s22+$0x5050];
	v3 =	vsel vm3, $0x0, v1  }
0x77: {  	s23 =	sshra.s32 s24, $0x2;
	[tilespmem:s22+$0xA000] =	vst v2;
	v8 =	vsel vm5, $0x0, v6;
	v6 =	vld [tilespmem:s22+$0x5060]  }
0x78: {  	s24 =	sadd.s32 $0x200, s24;
	v2 =	vld [tilespmem:s23+$0x70];
	[tilespmem:s22+$0xA010] =	vst v8;
	v8 =	vsel vm6, $0x0, v11  }
0x79: {  	v9 =	vld [tilespmem:s23+$0x2870];
	[tilespmem:s22+$0xA020] =	vst v8;
	v7 =	vsel vm0, $0x0, v7  }
0x7a: {  	v8 =	vld [tilespmem:s23+$0x5070];
	[tilespmem:s22+$0xA030] =	vst v7;
	v4 =	vsel vm1, $0x0, v4  }
0x7b: {  	v7 =	vld [tilespmem:s23+$0x0];
	[tilespmem:s22+$0xA040] =	vst v4;
	v45 =	vsel vm2, $0x0, v5  }
0x7c: {  	v46 =	vld [tilespmem:s23+$0x2800];
	[tilespmem:s22+$0xA050] =	vst v45  }
0x7d: {  	v4 =	vld [tilespmem:s23+$0x10];
	[tilespmem:s22+$0x7860] =	vst v3;
	v3 =	vsel vm3, $0x0, v6  }
0x7e: {  	v47 =	vld [tilespmem:s23+$0x2810];
	[tilespmem:s22+$0xA060] =	vst v3  }
0x7f: {  	vm10 =	veq.s32 v2, v9;
	v2 =	vld [tilespmem:s23+$0x20]  }
0x80: {  	v48 =	vld [tilespmem:s23+$0x2820]  }
0x81: {  	v49 =	vld [tilespmem:s23+$0x30]  }
0x82: {  	v3 =	vsel vm10, $0x0, v8;
	v50 =	vld [tilespmem:s23+$0x2830]  }
0x83: {  	v51 =	vld [tilespmem:s23+$0x2840];
	[tilespmem:s23+$0xA070] =	vst v3;
	v3 =	vsel vm10, $0x0, v1;
	vm11 =	veq.s32 v7, v46  }
0x84: {  	v57 =	vld [tilespmem:s23+$0x5000];
	[tilespmem:s23+$0x7870] =	vst v3;
	v3 =	vsel vm11, $0x0, v1  }
0x85: {  	[tilespmem:s23+$0x7800] =	vst v3;
	v3 =	vld [tilespmem:s23+$0x40]  }
0x86: {  	v53 =	vld [tilespmem:s23+$0x2850]  }
0x87: {  	vm13 =	veq.s32 v2, v48;
	v2 =	vld [tilespmem:s23+$0x50]  }
0x88: {  	v54 =	vld [tilespmem:s23+$0x60];
	vm12 =	veq.s32 v4, v47  }
0x89: {  	v55 =	vld [tilespmem:s23+$0x2860];
	v4 =	vsel vm12, $0x0, v1  }
0x8a: {  	v61 =	vsel vm11, $0x0, v57;
	[tilespmem:s23+$0x7810] =	vst v4;
	vm4 =	veq.s32 v3, v51;
	v3 =	vld [tilespmem:s23+$0x5010]  }
0x8b: {  	v58 =	vld [tilespmem:s23+$0x5020];
	vm14 =	veq.s32 v49, v50;
	v52 =	vsel vm13, $0x0, v1;
	[tilespmem:s23+$0xA000] =	vst v61  }
0x8c: {  	v56 =	vsel vm14, $0x0, v1;
	[tilespmem:s23+$0x7820] =	vst v52;
	vm5 =	veq.s32 v2, v53;
	v2 =	vld [tilespmem:s23+$0x5030]  }
0x8d: {  	v60 =	vld [tilespmem:s23+$0x5040];
	[tilespmem:s23+$0x7830] =	vst v56;
	v6 =	vsel vm4, $0x0, v1  }
0x8e: {  	[tilespmem:s23+$0x7840] =	vst v6;
	v59 =	vsel vm5, $0x0, v1  }
0x8f: {  	v62 =	vld [tilespmem:s23+$0x5050];
	[tilespmem:s23+$0x7850] =	vst v59;
	v3 =	vsel vm12, $0x0, v3  }
0x90: {  	v63 =	vld [tilespmem:s23+$0x5060];
	[tilespmem:s23+$0xA010] =	vst v3;
	v3 =	vsel vm13, $0x0, v58  }
0x91: {  	v2 =	vsel vm14, $0x0, v2;
	[tilespmem:s23+$0xA020] =	vst v3  }
0x92: {  	vm15 =	veq.s32 v54, v55;
	[tilespmem:s23+$0xA030] =	vst v2;
	v2 =	vsel vm4, $0x0, v60  }
0x93: {  	v3 =	vsel vm15, $0x0, v1;
	[tilespmem:s23+$0xA040] =	vst v2  }
0x94: {  	v2 =	vsel vm5, $0x0, v62;
	[tilespmem:s23+$0x7860] =	vst v3  }
0x95: {  	[tilespmem:s23+$0xA050] =	vst v2;
	v2 =	vsel vm15, $0x0, v63  }
0x96: {  	[tilespmem:s23+$0xA060] =	vst v2  }
0x97: {  	s29 =	simm.s32 $0x0;
	s30 =	simm.s32 $0x7800;
	[bflag:$0x0] =	sbarrier.arrive $0xFFFF  }
0x98: {  	[spmem:s2] =	stream.indirect.scatter.add.f32 [tilespmem:s30], [sflag:$0x1], $0x1, s29, s14, $0xb8;
	[tilespmem:$0xCD00] =	vst v63  }
0x99: {  	_ =	swait.ge [sflag:s11], $0x80  }
0x9a: {  	[sflag:s11] =	ssyncset.done $0x0  }
0x9b: {  	s31 =	simm.s32 $0x2800;
	[sflag:s11] =	ssyncadd.s32 $0xFFFFFF80  }
0x9c: {  	[spmem:s2] =	stream.indirect.scatter.add.f32 [tilespmem:s30], [sflag:$0x1], $0x1, s31, s14, $0xb8;
	[tilespmem:$0xCD00] =	vst v63  }
0x9d: {  	_ =	swait.ge [sflag:s11], $0x80  }
0x9e: {  	s22 =	simm.s32 $0x80;
	s23 =	simm.s32 $0x400;
	[sflag:s11] =	ssyncset.done $0x0  }
.LBB2_4:
0x9f: {  	s24 =	sadd.s32 $0x7800, s22  }
0xa0: {  	[sflag:s11] =	ssyncadd.s32 $0xFFFFFF80;
	s25 =	smov.u32 s23;
	s26 =	sadd.s32 $0x200, s23  }
0xa1: {  	[spmem:s2] =	stream.indirect.scatter.add.f32 [tilespmem:s24], [sflag:$0x1], $0x1, s22, s14, $0xb8;
	[tilespmem:$0xCD00] =	vst v63  }
0xa2: {  	p0 =	sne.s32 s23, $0x9E00;
	_ =	swait.ge [sflag:s11], $0x80  }
.Ltmp1:
0xa3: {  	[sflag:s11] =	ssyncset.done $0x0;
	(pc) =	sbr.rel @p0 .LBB2_4-.Ltmp1, $4  }
0xa4: {  	s22 =	sadd.s32 $0x2800, s22;
	[sflag:s11] =	ssyncadd.s32 $0xFFFFFF80  }
0xa5: {  	[spmem:s2] =	stream.indirect.scatter.add.f32 [tilespmem:s24], [sflag:$0x1], $0x1, s22, s14, $0xb8;
	[tilespmem:$0xCD00] =	vst v63  }
0xa6: {  	_ =	swait.ge [sflag:s11], $0x80  }
0xa7: {  	s23 =	smov.u32 s26;
	s22 =	sshra.s32 s25, $0x2;
	[sflag:s11] =	ssyncset.done $0x0  }
0xa8: {  	s23 =	sadd.s32 $0x7800, s22;
	[sflag:s11] =	ssyncadd.s32 $0xFFFFFF80  }
0xa9: {  	[spmem:s2] =	stream.indirect.scatter.add.f32 [tilespmem:s23], [sflag:$0x1], $0x1, s22, s14, $0xb8;
	[tilespmem:$0xCD00] =	vst v63  }
0xaa: {  	_ =	swait.ge [sflag:s11], $0x80  }
0xab: {  	[sflag:s11] =	ssyncset.done $0x0  }
0xac: {  	s31 =	sadd.s32 $0x2800, s22;
	[sflag:s11] =	ssyncadd.s32 $0xFFFFFF80  }
0xad: {  	[spmem:s2] =	stream.indirect.scatter.add.f32 [tilespmem:s23], [sflag:$0x1], $0x1, s31, s14, $0xb8;
	[tilespmem:$0xCD00] =	vst v63  }
0xae: {  	_ =	swait.ge [sflag:s11], $0x80  }
0xaf: {  	[sflag:s11] =	ssyncset.done $0x0  }
0xb0: {  	[sflag:s11] =	ssyncadd.s32 $0xFFFFFF80  }
0xb1: {  	[bflag:$0x0] =	sbarrier.arrive $0xFFFF  }
0xb2: {  	[hbm:s15@s18], [sflag:s16] =	dma.strided [spmem:s17@s19], $0x50, s11, $0x10   }
0xb3: {  	s21 =	sadd.s32 $0x1, s21;
	_ =	swait.ge [sflag:s11], $0x50  }
0xb4: {  	p0 =	sne.s32 s21, s9;
	[sflag:s11] =	ssyncset.done $0x0  }
.Ltmp2:
0xb5: {  	[sflag:s11] =	ssyncadd.s32 $0xFFFFFFB0;
	(pc) =	sbr.rel @p0 .LBB2_1-.Ltmp2, $4  }
0xb6: {  	[hbm4b:s8+s3] =	stream.linear.scatter [tilespmem:s20], [sflag:$0x1], $0x2800, $0x38;
	[tilespmem:$0xCD00] =	vst v63  }
0xb7: {  	_ =	swait.ge [sflag:s11], $0x2800  }
0xb8: {  	[sflag:s11] =	ssyncset.done $0x0  }
0xb9: {  	[sflag:s11] =	ssyncadd.s32 $0xFFFFD800  }
0xba: {  	_ =	sfence.sel $0x180000  }
0xbb: {  	[bflag:$0x0] =	sbarrier.arrive $0xFFFF  }
0xbc: {  	p0 =	sne.s32 s0, $0x0;
	_ =	strace $0x90000047  }
0xbd: {  	s0 =	sadd.s32 @!p0 $0x100000, s1;
	[bflag:$0x2] =	sbarrier.arrive $0xFFFF  }
0xbe: {  	[sflag:s0] =	ssyncadd.tile.s32 @!p0 $0x1;
	_ =	shalt  }
.Lfunc_end2:
_tile_overlayer_lowered:
.L_overlay_start_2:
0xbf: {  	(tag) =	ssettag $0x2  }
0xc0: {  	s0 =	rddreg [dreg:$0x0];
	s2 =	stileid.u32  }
0xc1: {  	s1 =	rddreg [dreg:$0x1];
	p0 =	sne.s32 s2, $0x0  }
0xc2: {  	s3 =	rddreg [dreg:$0x2];
	[bflag:$0x3] =	sbarrier.arrive $0xFFFF;
	s2 =	simm.s32 @!p0 $0x1C01  }
0xc3: {  	[timem:s3], [sflag:s2] =	dma.local @!p0 [hbm:s0], s1  }
0xc4: {  	s0 =	simm.s32 @!p0 $0x1  }
0xc5: {  	_ =	swait.ge @!p0 [sflag:s0], s1  }
0xc6: {  	s1 =	ssub.s32 @!p0 $0x0, s1;
	[sflag:s0] =	ssyncset.done @!p0 $0x0  }
0xc7: {  	[sflag:s0] =	ssyncadd.s32 @!p0 s1  }
0xc8: {  	[bflag:$0x3] =	sbarrier.arrive $0xFFFF  }
0xc9: {  	_ =	shalt  }

// kernel: kernel.9.cloned.1.call-start
scs
__scs_entry_jumppad:
0x0: {  	(pc) =	sbr.rel $0x88, $3  }
0x1: {  	(tag) =	ssettag $0x0;
	lr =	simm.s32 $0x1  }
0x2: {  	[smem:$0x3F9C] =	sst lr;
	_ =	strace $0xD0000000  }
0x3: {  	_ = 	snop  }
0x4: {  	_ = 	snop  }
0x5: {  	_ = 	snop  }
0x6: {  	_ = 	snop  }
0x7: {  	_ = 	snop  }
__scs_overlays_trampoline_lowered:
0x8: {  	[smem:$0x3FAB] =	sst s0  }
0x9: {  	[smem:$0x3FAC] =	sst s1  }
0xa: {  	[smem:$0x3FAD] =	sst s2  }
0xb: {  	[smem:$0x3FAE] =	sst s3  }
0xc: {  	[smem:$0x3FAF] =	sst s4  }
0xd: {  	[smem:$0x3FB0] =	sst s5  }
0xe: {  	[smem:$0x3FB1] =	sst s6  }
0xf: {  	[smem:$0x3FB2] =	sst s7  }
0x10: {  	[smem:$0x3FB3] =	sst s8  }
0x11: {  	[smem:$0x3FB4] =	sst s9;
	s0 =	simm.s32 @!p0 $0x0  }
0x12: {  	s1 =	sld [smem:$0x3F9A];
	s0 =	simm.s32 @p0 $0x1  }
0x13: {  	[smem:$0x3FB5] =	sst s0;
	s0 =	simm.s32 @!p1 $0x0  }
0x14: {  	s2 =	sld [smem:$0x3F99];
	s0 =	simm.s32 @p1 $0x1  }
0x15: {  	[smem:$0x3FB6] =	sst s0;
	s0 =	simm.s32 @!p2 $0x0  }
0x16: {  	s3 =	sld [smem:$0x3FDB];
	s0 =	simm.s32 @p2 $0x1  }
0x17: {  	s4 =	simm.s32 $0x1BF5;
	[smem:$0x3FB8] =	sst s0  }
0x18: {  	s0 =	sld [smem:$0x3F9B];
	_ =	swait.ge [sflag:s4], $0x0  }
0x19: {  	s7 =	sld [smem:$0x3F9C]  }
0x1a: {  	s8 =	sadd.s32 $0xFFFFE003, lr  }
0x1b: {  	s9 =	sadd.s32 $0xFFFFFEF7, lr;
	s5 =	simm.s32 $0xFFFFFFFF;
	p2 =	slt.u32 s8, $0xFFFFF086  }
0x1c: {  	p1 =	slt.u32 s9, $0xF7A;
	s5 =	simm.s32 @!p2 $0x0  }
0x1d: {  	s5 =	simm.s32 @p1 $0x1;
	p0 =	seq.s32 s7, s2  }
0x1e: {  	s7 =	smul.u32 @!p0 $0xF7A, s2;
	p2 =	seq.s32 @!p0 s5, $0x0  }
0x1f: {  	s9 =	smul.u32 $0xF7A, s1;
	s8 =	simm.s32 @!p0 $0x1BF5;
	p2 =	por !p2, p0  }
0x20: {  	[sflag:s8] =	ssyncset.s32 @!p0 $0xFFFFF086;
	s6 =	sadd.s32 @!p0 s3, s7;
	s7 =	simm.s32 @!p0 $0x108  }
0x21: {  	s3 =	sadd.s32 s3, s9;
	s6 =	sadd.s32 @!p0 $0x88, s6;
	s7 =	simm.s32 @p2 $0x1082  }
0x22: {  	[simem:s7], [sflag:s8] =	dma.local @!p0 [hbm:s6], $0xF7A  }
0x23: {  	s9 =	sor.u32 $0xD0000000, s2;
	s6 =	simm.s32 $0x108;
	_ =	swait.ge @!p0 [sflag:s8], $0x0  }
0x24: {  	s3 =	sadd.s32 $0x88, s3;
	s6 =	simm.s32 @!p1 $0x1082;
	[sflag:s4] =	ssyncset.s32 $0xFFFFF086  }
0x25: {  	[simem:s6], [sflag:s4] =	dma.local [hbm:s3], $0xF7A  }
0x26: {  	[smem:$0x3F9C] =	sst s1;
	(tag) =	ssettag s2;
	_ =	strace s9  }
0x27: {  	s1 =	sld [smem:$0x3FAC]  }
0x28: {  	s2 =	sld [smem:$0x3FAD]  }
0x29: {  	s4 =	sld [smem:$0x3FAF]  }
0x2a: {  	p0 =	seq.s32 s5, $0x0;
	s5 =	sld [smem:$0x3FB0]  }
0x2b: {  	s6 =	sld [smem:$0x3FB1]  }
0x2c: {  	s7 =	sld [smem:$0x3FB2]  }
0x2d: {  	s3 =	simm.s32 $0x108;
	s8 =	sld [smem:$0x3FB3]  }
0x2e: {  	s3 =	simm.s32 @!p0 $0x1082;
	s9 =	sld [smem:$0x3FB4]  }
0x2f: {  	lr =	sadd.s32 s0, s3;
	s0 =	sld [smem:$0x3FAB]  }
0x30: {  	s3 =	sld [smem:$0x3FAE]  }
0x31: {  	[smem:$0x3FB7] =	sst s10  }
0x32: {  	s10 =	sld [smem:$0x3FB5];
	_ =	sdelay $0x3  }
0x33: {  	p0 =	seq.s32 s10, $0x1;
	s10 =	sld [smem:$0x3FB7];
	_ =	sdelay $0x3  }
0x34: {  	[smem:$0x3FB7] =	sst s10  }
0x35: {  	s10 =	sld [smem:$0x3FB6];
	_ =	sdelay $0x3  }
0x36: {  	p1 =	seq.s32 s10, $0x1;
	s10 =	sld [smem:$0x3FB7];
	_ =	sdelay $0x3  }
0x37: {  	[smem:$0x3FB7] =	sst s10  }
0x38: {  	s10 =	sld [smem:$0x3FB8]  }
0x39: {  	_ = 	snop;
	(pc) =	sbr.ind lr, $3  }
0x3a: {  	_ = 	snop  }
0x3b: {  	_ = 	snop  }
0x3c: {  	p2 =	seq.s32 s10, $0x1;
	s10 =	sld [smem:$0x3FB7]  }
0x3d: {  	_ =	shalt  }
0x3e: {  	_ =	shalt  }
0x3f: {  	_ =	shalt  }
0x40: {  	_ =	shalt  }
0x41: {  	_ =	shalt  }
0x42: {  	_ =	shalt  }
0x43: {  	_ =	shalt  }
0x44: {  	_ =	shalt  }
0x45: {  	_ =	shalt  }
0x46: {  	_ =	shalt  }
0x47: {  	_ =	shalt  }
0x48: {  	_ =	shalt  }
0x49: {  	_ =	shalt  }
0x4a: {  	_ =	shalt  }
0x4b: {  	_ =	shalt  }
0x4c: {  	_ =	shalt  }
0x4d: {  	_ =	shalt  }
0x4e: {  	_ =	shalt  }
0x4f: {  	_ =	shalt  }
0x50: {  	_ =	shalt  }
0x51: {  	_ =	shalt  }
0x52: {  	_ =	shalt  }
0x53: {  	_ =	shalt  }
0x54: {  	_ =	shalt  }
0x55: {  	_ =	shalt  }
0x56: {  	_ =	shalt  }
0x57: {  	_ =	shalt  }
0x58: {  	_ =	shalt  }
0x59: {  	_ =	shalt  }
0x5a: {  	_ =	shalt  }
0x5b: {  	_ =	shalt  }
0x5c: {  	_ =	shalt  }
0x5d: {  	_ =	shalt  }
0x5e: {  	_ =	shalt  }
0x5f: {  	_ =	shalt  }
0x60: {  	_ =	shalt  }
0x61: {  	_ =	shalt  }
0x62: {  	_ =	shalt  }
0x63: {  	_ =	shalt  }
0x64: {  	_ =	shalt  }
0x65: {  	_ =	shalt  }
0x66: {  	_ =	shalt  }
0x67: {  	_ =	shalt  }
0x68: {  	_ =	shalt  }
0x69: {  	_ =	shalt  }
0x6a: {  	_ =	shalt  }
0x6b: {  	_ =	shalt  }
0x6c: {  	_ =	shalt  }
0x6d: {  	_ =	shalt  }
0x6e: {  	_ =	shalt  }
0x6f: {  	_ =	shalt  }
0x70: {  	_ =	shalt  }
0x71: {  	_ =	shalt  }
0x72: {  	_ =	shalt  }
0x73: {  	_ =	shalt  }
0x74: {  	_ =	shalt  }
0x75: {  	_ =	shalt  }
0x76: {  	_ =	shalt  }
0x77: {  	_ =	shalt  }
0x78: {  	_ =	shalt  }
0x79: {  	_ =	shalt  }
0x7a: {  	_ =	shalt  }
0x7b: {  	_ =	shalt  }
0x7c: {  	_ =	shalt  }
0x7d: {  	_ =	shalt  }
0x7e: {  	_ =	shalt  }
0x7f: {  	_ =	shalt  }
0x80: {  	_ =	shalt  }
0x81: {  	_ =	shalt  }
0x82: {  	_ =	shalt  }
0x83: {  	_ =	shalt  }
0x84: {  	_ =	shalt  }
0x85: {  	_ =	shalt  }
0x86: {  	_ =	shalt  }
0x87: {  	_ =	shalt  }
.Lfunc_end0:
.L_simem_size_0:
called_computation.1_lowered:
.L_overlay_start_0:
0x88: {  	s2 =	sld [smem:$0x3FD9]  }
0x89: {  	s3 =	sld [smem:$0x3FFE];
	_ =	sdelay $0x1  }
0x8a: {  	s1 =	srdreg.scid  }
0x8b: {  	s0 =	sand.u32 $0x1, s1  }
0x8c: {  	s17 =	sshll.u32 s0, $0xA;
	s2 =	sadd.s32 s3, s2  }
0x8d: {  	s2 =	sadd.s32 s2, s17  }
0x8e: {  	[smem:$0x3FC3] =	sst s2  }
0x8f: {  	_ = 	snop  }
0x90: {  	s2 =	sld [smem:$0x3FD0];
	(tm) =	ssettm $0x1  }
0x91: {  	s18 =	sld [smem:$0x3FFB];
	_ =	sdelay $0x3  }
0x92: {  	_ =	strace s18  }
0x93: {  	s3 =	sld [smem:$0x3FFC];
	_ =	sdelay $0x3  }
0x94: {  	_ =	strace s3  }
0x95: {  	s3 =	sld [smem:$0x3FFD];
	_ =	sdelay $0x3  }
0x96: {  	_ =	strace s3  }
0x97: {  	_ =	strace $0x8FFFFFFF  }
0x98: {  	s19 =	sld [smem:$0x3FDB];
	_ =	sdelay $0x1  }
0x99: {  	s4 =	simm.s32 $_scs_section_size  }
0x9a: {  	s5 =	simm.s32 $_size__tile_overlayer_lowered;
	s6 =	simm.s32 $_tile_overlayer_lowered  }
0x9b: {  	s22 =	simm.s32 $0x1BFF;
	s21 =	sshll.u32 s6, $0x1;
	s3 =	sadd.s32 s4, s19  }
0x9c: {  	s7 =	simm.s32 $0x0;
	s20 =	sshll.u32 s5, $0x1;
	s5 =	sadd.s32 s21, s3  }
0x9d: {  	[timem:s7], [sflag:s22] =	dma.local [hbm:s5], s20  }
0x9e: {  	_ =	swait.ge [sflag:s22], s20  }
0x9f: {  	s4 =	ssub.s32 $0x0, s20;
	[sflag:s22] =	ssyncset.done $0x0  }
0xa0: {  	[sflag:s22] =	ssyncadd.s32 s4;
	_ =	sdelay $0x1  }
0xa1: {  	s23 =	simm.s32 $0x1B8B  }
0xa2: {  	_ =	swait.ge [sflag:s23], $0x1  }
0xa3: {  	[sflag:s23] =	ssyncset.done $0x0  }
0xa4: {  	s25 =	simm.s32 $0x1B8E;
	s24 =	sld [smem:$0x3FFE];
	[sflag:s23] =	ssyncadd.s32 $0xFFFFFFFF  }
0xa5: {  	s26 =	simm.s32 $execute0_lowered;
	[smem:$0x3FD2] =	sst s25  }
0xa6: {  	s5 =	sshll.u32 s26, $0x1;
	_ =	strace $0x80000049;
	[dreg:$0x1] =	wrdreg $0xFFFFFFFF  }
0xa7: {  	s28 =	simm.s32 $_size_execute0_lowered;
	s3 =	sadd.s32 s3, s5;
	[dreg:$0x0] =	wrdreg $0x0  }
0xa8: {  	s5 =	sshll.u32 s28, $0x1;
	[dreg:$0x2] =	wrdreg s3  }
0xa9: {  	[dreg:$0x3] =	wrdreg s5  }
0xaa: {  	[dreg:$0x4] =	wrdreg $0xC0  }
0xab: {  	_ =	task [dreg:s7], $0x5FFFF  }
0xac: {  	[dreg:$0x1] =	wrdreg $0xFFFFFFFF  }
0xad: {  	[dreg:$0x0] =	wrdreg $0x60  }
0xae: {  	[dreg:$0x2] =	wrdreg s2  }
0xaf: {  	[dreg:$0x3] =	wrdreg s24  }
0xb0: {  	[dreg:$0x4] =	wrdreg $0x98000  }
0xb1: {  	[dreg:$0x5] =	wrdreg $0x9  }
0xb2: {  	_ =	task.clear_ibuf [dreg:s7], $0x6FFFF;
	_ =	strace $0x90000049  }
0xb3: {  	s29 =	simm.s32 $0x9;
	_ =	strace $0x8000004B  }
0xb4: {  	_ =	swait.ge [sflag:s29], $0x1  }
0xb5: {  	[sflag:s29] =	ssyncadd.s32 $0xFFFFFFFF  }
0xb6: {  	_ =	strace $0x9000004B  }
0xb7: {  	_ =	sfence  }
0xb8: {  	s30 =	sld [smem:$0x0];
	_ =	sdelay $0x2  }
0xb9: {  	s31 =	sshll.u32 s1, $0xD;
	s1 =	sshrl.u32 s1, $0x2  }
0xba: {  	s3 =	sand.u32 $0x4000, s31;
	s1 =	sadd.s32 s1, s30  }
0xbb: {  	s0 =	sor.u32 s3, s0;
	s1 =	sshll.u32 s1, $0x11  }
0xbc: {  	s0 =	sor.u32 s1, s0  }
0xbd: {  	s0 =	sadd.s32 $0x8F2B, s0  }
0xbe: {  	[sflag:s0] =	ssyncadd.remote.s32 $0x1  }
0xbf: {  	_ =	sfence.sel $0xFFFF  }
0xc0: {  	[dreg:$0x0] =	wrdreg $0xFFFFFFFF;
	(pc) =	sbr.abs _section_cstart, $3  }
0xc1: {  	[dreg:$0x1] =	wrdreg $0xFFFFFFFF  }
0xc2: {  	_ =	task.clear_ibuf [dreg:s7], $0x2FFFF;
	_ =	strace $0x9FFFFFFF  }
0xc3: {  	(tm) =	ssettm $0x7FFFFFFF  }
tec
execute0_lowered:
.L_overlay_start_1:
0x0: {  	(tag) =	ssettag $0x1  }
0x1: {  	s0 =	srdreg.scid;
	s4 =	stileid.u32  }
0x2: {  	s1 =	rddreg [dreg:$0x0];
	s15 =	smul.u32 $0xA0, s4  }
0x3: {  	s7 =	rddreg [dreg:$0x1];
	s0 =	sand.u32 $0x1, s0;
	s10 =	smul.u32 $0x50000, s4  }
0x4: {  	s2 =	rddreg [dreg:$0x2];
	s6 =	sshll.u32 s0, $0x4;
	s8 =	smul.u32 $0x28000, s0  }
0x5: {  	s0 =	ssub.s32 $0x2, s0;
	s3 =	sor.u32 s4, s6;
	s12 =	sadd.s32 s15, s7  }
0x6: {  	s26 =	sshrl.u32 s0, $0x1;
	s10 =	sshrl.u32 s10, $0x2;
	s14 =	sadd.s32 s6, s7  }
0x7: {  	s9 =	smul.u32 $0xA00, s3;
	s3 =	simm.s32 $0x0;
	s0 =	ssub.s32 s0, s26  }
0x8: {  	s6 =	sadd.s32 s10, s2;
	s10 =	sadd.s32 $0x2A800, s12;
	[smem:$0x7FF] =	sst s3  }
0x9: {  	s12 =	sadd.s32 $0x16800, s14;
	_ =	strace $0x8000004A;
	[dreg:$0x5] =	wrdreg s10  }
0xa: {  	s28 =	simm.s32 $0x100;
	s0 =	smax.u32 s0, $0x1;
	[dreg:$0x6] =	wrdreg s12  }
0xb: {  	s29 =	simm.s32 $0x7000;
	s16 =	sadd.s32 $0x2000, s6;
	[dreg:$0x7] =	wrdreg s0  }
0xc: {  	s31 =	simm.s32 $0x1000;
	s17 =	sadd.s32 $0x4000, s6;
	[dreg:$0x8] =	wrdreg s16  }
0xd: {  	s30 =	simm.s32 $0x40;
	s18 =	sadd.s32 $0x6000, s6;
	[dreg:$0x9] =	wrdreg s17  }
0xe: {  	s5 =	sadd.s32 $0x3F200, s7;
	s19 =	sadd.s32 $0x8000, s6;
	[dreg:$0xa] =	wrdreg s18  }
0xf: {  	s13 =	sadd.s32 s8, s7;
	s20 =	sadd.s32 $0xA000, s6;
	[dreg:$0xb] =	wrdreg s19  }
0x10: {  	s14 =	smul.u32 $0x2800, s4;
	s21 =	sadd.s32 $0xC000, s6;
	[dreg:$0xc] =	wrdreg s20  }
0x11: {  	s13 =	sadd.s32 $0x67200, s13;
	s22 =	sadd.s32 $0xE000, s6;
	[dreg:$0xd] =	wrdreg s21  }
0x12: {  	s23 =	sadd.s32 $0x10000, s6;
	s24 =	sadd.s32 $0x12000, s6;
	[dreg:$0xe] =	wrdreg s22  }
0x13: {  	s11 =	sadd.s32 s9, s7;
	s7 =	sadd.s32 $0x2A810, s7;
	[dreg:$0xf] =	wrdreg s23  }
0x14: {  	s9 =	sadd.s32 s1, s9;
	[dreg:$0x10] =	wrdreg s24;
	s22 =	simm.s32 $0x3000  }
.Ltmp0:
0x15: {  	s25 =	sadd.s32 s14, s13;
	s24 =	simm.s32 $0x3;
	(pc) =	sbr.rel .LBB2_1-.Ltmp0, $4  }
0x16: {  	[dreg:$0x4] =	wrdreg s15;
	s1 =	simm.s32 $0x2000;
	s0 =	simm.s32 $0x1080  }
0x17: {  	s12 =	simm.s32 $0x1;
	s13 =	simm.s32 $0x2;
	s10 =	sadd.s32 $0x2B200, s11  }
0x18: {  	s11 =	sadd.s32 $0x2800, s11;
	[dreg:$0x11] =	wrdreg s25;
	s26 =	sadd.s32 s15, s7  }
0x19: {  	v0 =	vimm.f32 $0.0e+00;
	s7 =	simm.s32 $0x5000;
	[dreg:$0x12] =	wrdreg s26;
	s26 =	simm.s32 $0x80  }
.LBB2_16:
0x1a: {  	s4 =	stileid.u32  }
0x1b: {  	[bflag:$0x0] =	sbarrier.arrive $0xFFFF;
	s4 =	sshll.u32 s4, $0x6  }
0x1c: {  	s8 =	sshrl.u32 s6, $0x3;
	s14 =	rddreg [dreg:$0x11];
	s4 =	sor.u32 $0x1C03, s4  }
0x1d: {  	[hbm:s14], [sflag:s4] =	dma.local [spmem:s8], $0x2800  }
0x1e: {  	_ =	swait.ge [sflag:s24], $0x2800  }
0x1f: {  	s3 =	sadd.s32 $0x1, s3;
	s25 =	rddreg [dreg:$0x7]  }
0x20: {  	p0 =	sne.s32 s3, s25  }
.Ltmp1:
0x21: {  	_ = 	snop;
	(pc) =	sbr.rel @!p0 .LBB2_17-.Ltmp1, $3  }
0x22: {  	_ =	sdelay $0x1  }
0x23: {  	[sflag:s24] =	ssyncset.done $0x0  }
0x24: {  	[sflag:s24] =	ssyncadd.s32 $0xFFFFD800  }
.LBB2_1:
0x25: {  	s14 =	simm.s32 $0x0;
	s15 =	simm.s32 $0x1000  }
.LBB2_2:
0x26: {  	p0 =	sne.s32 s15, $0x7000;
	[tilespmem:s14+$0x33F0] =	vst v0  }
0x27: {  	[tilespmem:s14+$0x3000] =	vst v0  }
0x28: {  	[tilespmem:s14+$0x3010] =	vst v0  }
0x29: {  	[tilespmem:s14+$0x3020] =	vst v0  }
0x2a: {  	[tilespmem:s14+$0x3030] =	vst v0  }
0x2b: {  	[tilespmem:s14+$0x3040] =	vst v0  }
0x2c: {  	[tilespmem:s14+$0x3050] =	vst v0  }
0x2d: {  	[tilespmem:s14+$0x3060] =	vst v0  }
0x2e: {  	[tilespmem:s14+$0x3070] =	vst v0  }
0x2f: {  	[tilespmem:s14+$0x3080] =	vst v0  }
0x30: {  	[tilespmem:s14+$0x3090] =	vst v0  }
0x31: {  	[tilespmem:s14+$0x30A0] =	vst v0  }
0x32: {  	[tilespmem:s14+$0x30B0] =	vst v0  }
0x33: {  	[tilespmem:s14+$0x30C0] =	vst v0  }
0x34: {  	[tilespmem:s14+$0x30D0] =	vst v0  }
0x35: {  	[tilespmem:s14+$0x30E0] =	vst v0  }
0x36: {  	[tilespmem:s14+$0x30F0] =	vst v0  }
0x37: {  	[tilespmem:s14+$0x3100] =	vst v0  }
0x38: {  	[tilespmem:s14+$0x3110] =	vst v0  }
0x39: {  	[tilespmem:s14+$0x3120] =	vst v0  }
0x3a: {  	[tilespmem:s14+$0x3130] =	vst v0  }
0x3b: {  	[tilespmem:s14+$0x3140] =	vst v0  }
0x3c: {  	[tilespmem:s14+$0x3150] =	vst v0  }
0x3d: {  	[tilespmem:s14+$0x3160] =	vst v0  }
0x3e: {  	[tilespmem:s14+$0x3170] =	vst v0  }
0x3f: {  	[tilespmem:s14+$0x3180] =	vst v0  }
0x40: {  	[tilespmem:s14+$0x3190] =	vst v0  }
0x41: {  	[tilespmem:s14+$0x31A0] =	vst v0  }
0x42: {  	[tilespmem:s14+$0x31B0] =	vst v0  }
0x43: {  	[tilespmem:s14+$0x31C0] =	vst v0  }
0x44: {  	[tilespmem:s14+$0x31D0] =	vst v0  }
0x45: {  	[tilespmem:s14+$0x31E0] =	vst v0  }
0x46: {  	[tilespmem:s14+$0x31F0] =	vst v0  }
0x47: {  	[tilespmem:s14+$0x3200] =	vst v0  }
0x48: {  	[tilespmem:s14+$0x3210] =	vst v0  }
0x49: {  	[tilespmem:s14+$0x3220] =	vst v0  }
0x4a: {  	[tilespmem:s14+$0x3230] =	vst v0  }
0x4b: {  	[tilespmem:s14+$0x3240] =	vst v0  }
0x4c: {  	[tilespmem:s14+$0x3250] =	vst v0  }
0x4d: {  	[tilespmem:s14+$0x3260] =	vst v0  }
0x4e: {  	[tilespmem:s14+$0x3270] =	vst v0  }
0x4f: {  	[tilespmem:s14+$0x3280] =	vst v0  }
0x50: {  	[tilespmem:s14+$0x3290] =	vst v0  }
0x51: {  	[tilespmem:s14+$0x32A0] =	vst v0  }
0x52: {  	[tilespmem:s14+$0x32B0] =	vst v0  }
0x53: {  	[tilespmem:s14+$0x32C0] =	vst v0  }
0x54: {  	[tilespmem:s14+$0x32D0] =	vst v0  }
0x55: {  	[tilespmem:s14+$0x32E0] =	vst v0  }
0x56: {  	[tilespmem:s14+$0x32F0] =	vst v0  }
0x57: {  	[tilespmem:s14+$0x3300] =	vst v0  }
0x58: {  	[tilespmem:s14+$0x3310] =	vst v0  }
0x59: {  	[tilespmem:s14+$0x3320] =	vst v0  }
0x5a: {  	[tilespmem:s14+$0x3330] =	vst v0  }
0x5b: {  	[tilespmem:s14+$0x3340] =	vst v0  }
0x5c: {  	[tilespmem:s14+$0x3350] =	vst v0  }
0x5d: {  	[tilespmem:s14+$0x3360] =	vst v0  }
0x5e: {  	[tilespmem:s14+$0x3370] =	vst v0  }
0x5f: {  	[tilespmem:s14+$0x3380] =	vst v0  }
0x60: {  	[tilespmem:s14+$0x3390] =	vst v0  }
.Ltmp2:
0x61: {  	[tilespmem:s14+$0x33A0] =	vst v0;
	(pc) =	sbr.rel @p0 .LBB2_2-.Ltmp2, $4  }
0x62: {  	[tilespmem:s14+$0x33B0] =	vst v0  }
0x63: {  	[tilespmem:s14+$0x33C0] =	vst v0  }
0x64: {  	[tilespmem:s14+$0x33D0] =	vst v0  }
0x65: {  	[tilespmem:s14+$0x33E0] =	vst v0;
	s14 =	sshra.s32 s15, $0x2;
	s15 =	sadd.s32 $0x1000, s15  }
0x66: {  	[tilespmem:s14+$0x33F0] =	vst v0  }
0x67: {  	[tilespmem:s14+$0x3000] =	vst v0  }
0x68: {  	[tilespmem:s14+$0x3010] =	vst v0  }
0x69: {  	[tilespmem:s14+$0x3020] =	vst v0  }
0x6a: {  	[tilespmem:s14+$0x3030] =	vst v0  }
0x6b: {  	[tilespmem:s14+$0x3040] =	vst v0  }
0x6c: {  	[tilespmem:s14+$0x3050] =	vst v0  }
0x6d: {  	[tilespmem:s14+$0x3060] =	vst v0  }
0x6e: {  	[tilespmem:s14+$0x3070] =	vst v0  }
0x6f: {  	[tilespmem:s14+$0x3080] =	vst v0  }
0x70: {  	[tilespmem:s14+$0x3090] =	vst v0  }
0x71: {  	[tilespmem:s14+$0x30A0] =	vst v0  }
0x72: {  	[tilespmem:s14+$0x30B0] =	vst v0  }
0x73: {  	[tilespmem:s14+$0x30C0] =	vst v0  }
0x74: {  	[tilespmem:s14+$0x30D0] =	vst v0  }
0x75: {  	[tilespmem:s14+$0x30E0] =	vst v0  }
0x76: {  	[tilespmem:s14+$0x30F0] =	vst v0  }
0x77: {  	[tilespmem:s14+$0x3100] =	vst v0  }
0x78: {  	[tilespmem:s14+$0x3110] =	vst v0  }
0x79: {  	[tilespmem:s14+$0x3120] =	vst v0  }
0x7a: {  	[tilespmem:s14+$0x3130] =	vst v0  }
0x7b: {  	[tilespmem:s14+$0x3140] =	vst v0  }
0x7c: {  	[tilespmem:s14+$0x3150] =	vst v0  }
0x7d: {  	[tilespmem:s14+$0x3160] =	vst v0  }
0x7e: {  	[tilespmem:s14+$0x3170] =	vst v0  }
0x7f: {  	[tilespmem:s14+$0x3180] =	vst v0  }
0x80: {  	[tilespmem:s14+$0x3190] =	vst v0  }
0x81: {  	[tilespmem:s14+$0x31A0] =	vst v0  }
0x82: {  	[tilespmem:s14+$0x31B0] =	vst v0  }
0x83: {  	[tilespmem:s14+$0x31C0] =	vst v0  }
0x84: {  	[tilespmem:s14+$0x31D0] =	vst v0  }
0x85: {  	[tilespmem:s14+$0x31E0] =	vst v0  }
0x86: {  	[tilespmem:s14+$0x31F0] =	vst v0  }
0x87: {  	[tilespmem:s14+$0x3200] =	vst v0  }
0x88: {  	[tilespmem:s14+$0x3210] =	vst v0  }
0x89: {  	[tilespmem:s14+$0x3220] =	vst v0  }
0x8a: {  	[tilespmem:s14+$0x3230] =	vst v0  }
0x8b: {  	[tilespmem:s14+$0x3240] =	vst v0  }
0x8c: {  	[tilespmem:s14+$0x3250] =	vst v0  }
0x8d: {  	[tilespmem:s14+$0x3260] =	vst v0  }
0x8e: {  	[tilespmem:s14+$0x3270] =	vst v0  }
0x8f: {  	[tilespmem:s14+$0x3280] =	vst v0  }
0x90: {  	[tilespmem:s14+$0x3290] =	vst v0  }
0x91: {  	[tilespmem:s14+$0x32A0] =	vst v0  }
0x92: {  	[tilespmem:s14+$0x32B0] =	vst v0  }
0x93: {  	[tilespmem:s14+$0x32C0] =	vst v0  }
0x94: {  	[tilespmem:s14+$0x32D0] =	vst v0  }
0x95: {  	[tilespmem:s14+$0x32E0] =	vst v0  }
0x96: {  	[tilespmem:s14+$0x32F0] =	vst v0  }
0x97: {  	[tilespmem:s14+$0x3300] =	vst v0  }
0x98: {  	[tilespmem:s14+$0x3310] =	vst v0  }
0x99: {  	[tilespmem:s14+$0x3320] =	vst v0  }
0x9a: {  	[tilespmem:s14+$0x3330] =	vst v0  }
0x9b: {  	[tilespmem:s14+$0x3340] =	vst v0  }
0x9c: {  	[tilespmem:s14+$0x3350] =	vst v0  }
0x9d: {  	[tilespmem:s14+$0x3360] =	vst v0  }
0x9e: {  	[tilespmem:s14+$0x3370] =	vst v0  }
0x9f: {  	[tilespmem:s14+$0x3380] =	vst v0  }
0xa0: {  	[tilespmem:s14+$0x3390] =	vst v0  }
0xa1: {  	[tilespmem:s14+$0x33A0] =	vst v0  }
0xa2: {  	[tilespmem:s14+$0x33B0] =	vst v0  }
0xa3: {  	[tilespmem:s14+$0x33C0] =	vst v0  }
0xa4: {  	[tilespmem:s14+$0x33D0] =	vst v0  }
0xa5: {  	[tilespmem:s14+$0x33E0] =	vst v0  }
0xa6: {  	[spmem:s6] =	stream.linear.scatter [tilespmem:s22], [sflag:$0x3], $0x2000, $0x38;
	[tilespmem:$0x1D800] =	vst v63  }
0xa7: {  	_ =	swait.ge [sflag:s24], $0x2000  }
0xa8: {  	[sflag:s24] =	ssyncset.done $0x0  }
0xa9: {  	s4 =	rddreg [dreg:$0x8];
	[sflag:s24] =	ssyncadd.s32 $0xFFFFE000  }
0xaa: {  	[spmem:s4] =	stream.linear.scatter [tilespmem:s22], [sflag:$0x3], $0x2000, $0x38;
	[tilespmem:$0x1D800] =	vst v63  }
0xab: {  	_ =	swait.ge [sflag:s24], $0x2000  }
0xac: {  	[sflag:s24] =	ssyncset.done $0x0  }
0xad: {  	s14 =	rddreg [dreg:$0x9];
	[sflag:s24] =	ssyncadd.s32 $0xFFFFE000  }
0xae: {  	[spmem:s14] =	stream.linear.scatter [tilespmem:s22], [sflag:$0x3], $0x2000, $0x38;
	[tilespmem:$0x1D800] =	vst v63  }
0xaf: {  	_ =	swait.ge [sflag:s24], $0x2000  }
0xb0: {  	[sflag:s24] =	ssyncset.done $0x0  }
0xb1: {  	s15 =	rddreg [dreg:$0xa];
	[sflag:s24] =	ssyncadd.s32 $0xFFFFE000  }
0xb2: {  	[spmem:s15] =	stream.linear.scatter [tilespmem:s22], [sflag:$0x3], $0x2000, $0x38;
	[tilespmem:$0x1D800] =	vst v63  }
0xb3: {  	_ =	swait.ge [sflag:s24], $0x2000  }
0xb4: {  	[sflag:s24] =	ssyncset.done $0x0  }
0xb5: {  	s16 =	rddreg [dreg:$0xb];
	[sflag:s24] =	ssyncadd.s32 $0xFFFFE000  }
0xb6: {  	[spmem:s16] =	stream.linear.scatter [tilespmem:s22], [sflag:$0x3], $0x2000, $0x38;
	[tilespmem:$0x1D800] =	vst v63  }
0xb7: {  	_ =	swait.ge [sflag:s24], $0x2000  }
0xb8: {  	[sflag:s24] =	ssyncset.done $0x0  }
0xb9: {  	s17 =	rddreg [dreg:$0xc];
	[sflag:s24] =	ssyncadd.s32 $0xFFFFE000  }
0xba: {  	[spmem:s17] =	stream.linear.scatter [tilespmem:s22], [sflag:$0x3], $0x2000, $0x38;
	[tilespmem:$0x1D800] =	vst v63  }
0xbb: {  	_ =	swait.ge [sflag:s24], $0x2000  }
0xbc: {  	[sflag:s24] =	ssyncset.done $0x0  }
0xbd: {  	s18 =	rddreg [dreg:$0xd];
	[sflag:s24] =	ssyncadd.s32 $0xFFFFE000  }
0xbe: {  	[spmem:s18] =	stream.linear.scatter [tilespmem:s22], [sflag:$0x3], $0x2000, $0x38;
	[tilespmem:$0x1D800] =	vst v63  }
0xbf: {  	_ =	swait.ge [sflag:s24], $0x2000  }
0xc0: {  	[sflag:s24] =	ssyncset.done $0x0  }
0xc1: {  	s19 =	rddreg [dreg:$0xe];
	[sflag:s24] =	ssyncadd.s32 $0xFFFFE000  }
0xc2: {  	[spmem:s19] =	stream.linear.scatter [tilespmem:s22], [sflag:$0x3], $0x2000, $0x38;
	[tilespmem:$0x1D800] =	vst v63  }
0xc3: {  	_ =	swait.ge [sflag:s24], $0x2000  }
0xc4: {  	[sflag:s24] =	ssyncset.done $0x0  }
0xc5: {  	s20 =	rddreg [dreg:$0xf];
	[sflag:s24] =	ssyncadd.s32 $0xFFFFE000  }
0xc6: {  	[spmem:s20] =	stream.linear.scatter [tilespmem:s22], [sflag:$0x3], $0x2000, $0x38;
	[tilespmem:$0x1D800] =	vst v63  }
0xc7: {  	_ =	swait.ge [sflag:s24], $0x2000  }
0xc8: {  	[sflag:s24] =	ssyncset.done $0x0  }
0xc9: {  	s21 =	rddreg [dreg:$0x10];
	[sflag:s24] =	ssyncadd.s32 $0xFFFFE000  }
0xca: {  	[spmem:s21] =	stream.linear.scatter [tilespmem:s22], [sflag:$0x3], $0x2000, $0x38;
	[tilespmem:$0x1D800] =	vst v63  }
0xcb: {  	_ =	swait.ge [sflag:s24], $0x2000  }
0xcc: {  	[sflag:s24] =	ssyncset.done $0x0  }
0xcd: {  	s23 =	rddreg [dreg:$0x5];
	[sflag:s24] =	ssyncadd.s32 $0xFFFFE000  }
0xce: {  	[tilespmem:s29], [sflag:$0x3] =	stream.strided.gather [hbm4b:s23+s26], $0x280, s28, s26, $0x38;
	[tilespmem:$0x1D800] =	vst v63  }
0xcf: {  	_ =	swait.ge [sflag:s24], $0x280  }
0xd0: {  	[sflag:s24] =	ssyncset.done $0x0  }
0xd1: {  	s8 =	simm.s32 $0x7280;
	s25 =	rddreg [dreg:$0x12];
	[sflag:s24] =	ssyncadd.s32 $0xFFFFFD80  }
0xd2: {  	[tilespmem:s8], [sflag:$0x3] =	stream.strided.gather [hbm4b:s25+s26], $0x280, s28, s26, $0x38;
	[tilespmem:$0x1D800] =	vst v63  }
0xd3: {  	_ =	swait.ge [sflag:s24], $0x280  }
0xd4: {  	[sflag:s24] =	ssyncset.done $0x0  }
0xd5: {  	s14 =	simm.s32 $0x0;
	[sflag:s24] =	ssyncadd.s32 $0xFFFFFD80  }
0xd6: {  	s15 =	simm.s32 $0x40;
	v1 =	vld [tilespmem:s14+$0x7280]  }
.LBB2_4:
0xd7: {  	p0 =	sne.s32 s15, $0x9C0;
	v2 =	vld [tilespmem:s14+$0x7000];
	_ =	sdelay $0x4  }
0xd8: {  	v1 =	vadd.f32 v1, v2;
	_ =	sdelay $0x1  }
0xd9: {  	v1 =	vadd.f32 $2.000000000e+00, v1;
	_ =	sdelay $0x1  }
0xda: {  	v2 =	vshrl.u32 v1, $0x1;
	v1 =	vmul.f32 $5.000000000e-01, v1  }
0xdb: {  	v2 =	vsub.s32 $0x5F3759DF, v2  }
0xdc: {  	v3 =	vmul.f32 v2, v1;
	_ =	sdelay $0x1  }
0xdd: {  	v3 =	vmul.f32 v2, v3;
	_ =	sdelay $0x1  }
0xde: {  	v3 =	vsub.f32 $1.500000000e+00, v3;
	_ =	sdelay $0x1  }
0xdf: {  	v2 =	vmul.f32 v2, v3;
	_ =	sdelay $0x1  }
0xe0: {  	v3 =	vmul.f32 v2, v1;
	_ =	sdelay $0x1  }
0xe1: {  	v3 =	vmul.f32 v3, v2;
	_ =	sdelay $0x1  }
0xe2: {  	v3 =	vsub.f32 $1.500000000e+00, v3;
	_ =	sdelay $0x1  }
0xe3: {  	v2 =	vmul.f32 v3, v2;
	_ =	sdelay $0x1  }
0xe4: {  	v1 =	vmul.f32 v2, v1;
	_ =	sdelay $0x1  }
0xe5: {  	v1 =	vmul.f32 v1, v2;
	_ =	sdelay $0x1  }
.Ltmp3:
0xe6: {  	v1 =	vsub.f32 $1.500000000e+00, v1;
	(pc) =	sbr.rel @p0 .LBB2_4-.Ltmp3, $4  }
0xe7: {  	_ = 	snop  }
0xe8: {  	v2 =	vmul.f32 v1, v2  }
0xe9: {  	s16 =	sshra.s32 s15, $0x2  }
0xea: {  	s15 =	sadd.s32 $0x40, s15;
	v1 =	vld [tilespmem:s16+$0x7280];
	[tilespmem:s14+$0x7000] =	vst v2;
	s14 =	smov.u32 s16  }
0xeb: {  	v2 =	vld [tilespmem:s14+$0x7000];
	_ =	sdelay $0x4  }
0xec: {  	v1 =	vadd.f32 v1, v2;
	_ =	sdelay $0x1  }
0xed: {  	v1 =	vadd.f32 $2.000000000e+00, v1;
	_ =	sdelay $0x1  }
0xee: {  	v2 =	vshrl.u32 v1, $0x1;
	v1 =	vmul.f32 $5.000000000e-01, v1  }
0xef: {  	v2 =	vsub.s32 $0x5F3759DF, v2  }
0xf0: {  	v3 =	vmul.f32 v2, v1;
	_ =	sdelay $0x1  }
0xf1: {  	v3 =	vmul.f32 v2, v3;
	_ =	sdelay $0x1  }
0xf2: {  	v3 =	vsub.f32 $1.500000000e+00, v3;
	_ =	sdelay $0x1  }
0xf3: {  	v2 =	vmul.f32 v2, v3;
	_ =	sdelay $0x1  }
0xf4: {  	v3 =	vmul.f32 v2, v1;
	_ =	sdelay $0x1  }
0xf5: {  	v3 =	vmul.f32 v3, v2;
	_ =	sdelay $0x1  }
0xf6: {  	v3 =	vsub.f32 $1.500000000e+00, v3;
	_ =	sdelay $0x1  }
0xf7: {  	v2 =	vmul.f32 v3, v2;
	_ =	sdelay $0x1  }
0xf8: {  	v1 =	vmul.f32 v2, v1;
	_ =	sdelay $0x1  }
0xf9: {  	v1 =	vmul.f32 v1, v2;
	_ =	sdelay $0x1  }
0xfa: {  	v1 =	vsub.f32 $1.500000000e+00, v1;
	_ =	sdelay $0x1  }
0xfb: {  	s4 =	rddreg [dreg:$0x4];
	v1 =	vmul.f32 v1, v2  }
0xfc: {  	s8 =	rddreg [dreg:$0x6]  }
0xfd: {  	s25 =	sadd.s32 s4, s8;
	[tilespmem:s14+$0x7000] =	vst v1  }
0xfe: {  	[hbm4b:s25+s26] =	stream.strided.scatter [tilespmem:s29], [sflag:$0x3], $0x280, s28, s26, $0x38;
	[tilespmem:$0x1D800] =	vst v63  }
0xff: {  	_ =	swait.ge [sflag:s24], $0x280  }
0x100: {  	[sflag:s24] =	ssyncset.done $0x0  }
0x101: {  	[sflag:s24] =	ssyncadd.s32 $0xFFFFFD80  }
.Ltmp4:
0x102: {  	[bflag:$0x0] =	sbarrier.arrive $0xFFFF;
	(pc) =	sbr.rel .LBB2_6-.Ltmp4, $4  }
0x103: {  	[tilespmem:s29], [sflag:$0x3] =	stream.strided.gather [hbm4b:s8+s26], $0x2800, s28, s26, $0x38;
	[tilespmem:$0x1D800] =	vst v63  }
0x104: {  	_ =	swait.ge [sflag:s24], $0x2800  }
0x105: {  	[sflag:s24] =	ssyncset.done $0x0  }
0x106: {  	s15 =	simm.s32 $0x0;
	s14 =	simm.s32 $0x0;
	[sflag:s24] =	ssyncadd.s32 $0xFFFFD800  }
.LBB2_15:
0x107: {  	s15 =	sadd.s32 $0x1, s15  }
0x108: {  	p0 =	sne.s32 s15, $0x5  }
.Ltmp5:
0x109: {  	_ = 	snop;
	(pc) =	sbr.rel @!p0 .LBB2_16-.Ltmp5, $1  }
0x10a: {  	_ =	sdelay $0x3  }
.LBB2_6:
0x10b: {  	s16 =	sshll.u32 s15, $0x9  }
0x10c: {  	s17 =	sadd.s32 s16, s9  }
0x10d: {  	[tilespmem:s14], [sflag:$0x3] =	stream.linear.gather [hbm4b:s17+s14], $0x1000, $0x38;
	[tilespmem:$0x1D800] =	vst v63  }
0x10e: {  	_ =	swait.ge [sflag:s24], $0x1000  }
0x10f: {  	[sflag:s24] =	ssyncset.done $0x0  }
0x110: {  	s25 =	sadd.s32 s16, s10;
	[sflag:s24] =	ssyncadd.s32 $0xFFFFF000  }
0x111: {  	[tilespmem:s31], [sflag:$0x3] =	stream.linear.gather [hbm4b:s25+s14], $0x1000, $0x38;
	[tilespmem:$0x1D800] =	vst v63  }
0x112: {  	_ =	swait.ge [sflag:s24], $0x1000  }
0x113: {  	[sflag:s24] =	ssyncset.done $0x0  }
0x114: {  	s16 =	sadd.s32 s16, s11;
	[sflag:s24] =	ssyncadd.s32 $0xFFFFF000  }
0x115: {  	[tilespmem:s1], [sflag:$0x3] =	stream.linear.gather [hbm4b:s16+s14], $0x1000, $0x38;
	[tilespmem:$0x1D800] =	vst v63  }
0x116: {  	_ =	swait.ge [sflag:s24], $0x1000  }
0x117: {  	[sflag:s24] =	ssyncset.done $0x0  }
0x118: {  	[sflag:s24] =	ssyncadd.s32 $0xFFFFF000  }
0x119: {  	[tilespmem:s22], [sflag:$0x1] =	stream.indirect.gather [hbm4b:s5+s30], $0x80, s31, s30, $0xb8;
	[tilespmem:$0x1D800] =	vst v63  }
0x11a: {  	s16 =	simm.s32 $0x0  }
0x11b: {  	[tilespmem:s7], [sflag:$0x2] =	stream.indirect.gather [hbm4b:s5+s30], $0x80, s0, s30, $0xb8;
	[tilespmem:$0x1D800] =	vst v63  }
0x11c: {  	v1 =	vld [tilespmem:s16+$0x0];
	_ =	sdelay $0x1  }
0x11d: {  	v2 =	vld [tilespmem:s16+$0x1000];
	_ =	sdelay $0x4  }
0x11e: {  	v3 =	vld [tilespmem:s16+$0x2000]  }
0x11f: {  	v1 =	vld.idx.msk [tilespmem:v1+s29+$0x0], $0xffff  }
0x120: {  	v4 =	vld [tilespmem:s16+$0x10]  }
0x121: {  	v2 =	vld.idx.msk [tilespmem:v2+s29+$0x0], $0xffff  }
0x122: {  	v5 =	vld [tilespmem:s16+$0x1010];
	_ =	sdelay $0x1  }
0x123: {  	v1 =	vmul.f32 v3, v1;
	_ =	sdelay $0x1  }
0x124: {  	v1 =	vmul.f32 v1, v2;
	_ =	sdelay $0x1  }
0x125: {  	v2 =	vld [tilespmem:s16+$0x2010];
	[tilespmem:s16+$0x2000] =	vst v1  }
0x126: {  	v1 =	vld.idx.msk [tilespmem:v4+s29+$0x0], $0xffff  }
0x127: {  	v3 =	vld.idx.msk [tilespmem:v5+s29+$0x0], $0xffff  }
0x128: {  	v4 =	vld [tilespmem:s16+$0x20]  }
0x129: {  	v5 =	vld [tilespmem:s16+$0x1020];
	_ =	sdelay $0x1  }
0x12a: {  	v1 =	vmul.f32 v2, v1;
	_ =	sdelay $0x1  }
0x12b: {  	v1 =	vmul.f32 v1, v3;
	_ =	sdelay $0x1  }
0x12c: {  	v2 =	vld [tilespmem:s16+$0x2020];
	[tilespmem:s16+$0x2010] =	vst v1  }
0x12d: {  	v1 =	vld.idx.msk [tilespmem:v4+s29+$0x0], $0xffff  }
0x12e: {  	v3 =	vld.idx.msk [tilespmem:v5+s29+$0x0], $0xffff  }
0x12f: {  	v4 =	vld [tilespmem:s16+$0x30]  }
0x130: {  	v5 =	vld [tilespmem:s16+$0x1030];
	_ =	sdelay $0x1  }
0x131: {  	v1 =	vmul.f32 v2, v1;
	_ =	sdelay $0x1  }
0x132: {  	v1 =	vmul.f32 v1, v3;
	_ =	sdelay $0x1  }
0x133: {  	[tilespmem:s16+$0x2020] =	vst v1;
	v1 =	vld [tilespmem:s16+$0x2030]  }
0x134: {  	v3 =	vld.idx.msk [tilespmem:v4+s29+$0x0], $0xffff  }
0x135: {  	s18 =	simm.s32 $0x80;
	s17 =	simm.s32 $0x400;
	v2 =	vld.idx.msk [tilespmem:v5+s29+$0x0], $0xffff  }
.LBB2_7:
0x136: {  	p0 =	sne.s32 s17, $0x3E00;
	v4 =	vld [tilespmem:s18+$0x0]  }
0x137: {  	v5 =	vld [tilespmem:s18+$0x1000];
	_ =	sdelay $0x1  }
0x138: {  	v1 =	vmul.f32 v1, v3;
	_ =	sdelay $0x1  }
0x139: {  	v1 =	vmul.f32 v1, v2;
	_ =	sdelay $0x1  }
0x13a: {  	v2 =	vld [tilespmem:s18+$0x2000];
	[tilespmem:s16+$0x2030] =	vst v1;
	s16 =	smov.u32 s18  }
0x13b: {  	v1 =	vld.idx.msk [tilespmem:v4+s29+$0x0], $0xffff  }
0x13c: {  	v3 =	vld.idx.msk [tilespmem:v5+s29+$0x0], $0xffff;
	_ =	sdelay $0x1  }
0x13d: {  	v4 =	vld [tilespmem:s16+$0x10];
	_ =	sdelay $0x1  }
0x13e: {  	v5 =	vld [tilespmem:s16+$0x1010]  }
0x13f: {  	v1 =	vmul.f32 v2, v1;
	_ =	sdelay $0x1  }
0x140: {  	v1 =	vmul.f32 v1, v3;
	_ =	sdelay $0x1  }
0x141: {  	[tilespmem:s16+$0x2000] =	vst v1  }
0x142: {  	v1 =	vld.idx.msk [tilespmem:v4+s29+$0x0], $0xffff  }
0x143: {  	v2 =	vld [tilespmem:s16+$0x2010]  }
0x144: {  	v3 =	vld.idx.msk [tilespmem:v5+s29+$0x0], $0xffff  }
0x145: {  	v4 =	vld [tilespmem:s16+$0x20];
	_ =	sdelay $0x1  }
0x146: {  	v5 =	vld [tilespmem:s16+$0x1020]  }
0x147: {  	v1 =	vmul.f32 v2, v1;
	_ =	sdelay $0x1  }
0x148: {  	v1 =	vmul.f32 v1, v3;
	_ =	sdelay $0x1  }
0x149: {  	[tilespmem:s16+$0x2010] =	vst v1  }
0x14a: {  	v1 =	vld.idx.msk [tilespmem:v4+s29+$0x0], $0xffff  }
0x14b: {  	v2 =	vld [tilespmem:s16+$0x2020]  }
0x14c: {  	v3 =	vld.idx.msk [tilespmem:v5+s29+$0x0], $0xffff  }
0x14d: {  	v4 =	vld [tilespmem:s16+$0x30]  }
0x14e: {  	v5 =	vld [tilespmem:s16+$0x1030];
	_ =	sdelay $0x1  }
0x14f: {  	v1 =	vmul.f32 v2, v1;
	_ =	sdelay $0x1  }
0x150: {  	v1 =	vmul.f32 v1, v3  }
.Ltmp6:
0x151: {  	(pc) =	sbr.rel @p0 .LBB2_7-.Ltmp6, $4  }
0x152: {  	[tilespmem:s16+$0x2020] =	vst v1;
	v1 =	vld [tilespmem:s16+$0x2030]  }
0x153: {  	v3 =	vld.idx.msk [tilespmem:v4+s29+$0x0], $0xffff  }
0x154: {  	v2 =	vld.idx.msk [tilespmem:v5+s29+$0x0], $0xffff  }
0x155: {  	s18 =	sshra.s32 s17, $0x2;
	s17 =	sadd.s32 $0x200, s17  }
0x156: {  	v4 =	vld [tilespmem:s18+$0x0];
	_ =	sdelay $0x1  }
0x157: {  	v5 =	vld [tilespmem:s18+$0x1000]  }
0x158: {  	v1 =	vmul.f32 v1, v3;
	_ =	sdelay $0x1  }
0x159: {  	v1 =	vmul.f32 v1, v2;
	_ =	sdelay $0x1  }
0x15a: {  	v2 =	vld [tilespmem:s18+$0x2000];
	[tilespmem:s16+$0x2030] =	vst v1  }
0x15b: {  	v1 =	vld.idx.msk [tilespmem:v4+s29+$0x0], $0xffff  }
0x15c: {  	v58 =	vld [tilespmem:s18+$0x10]  }
0x15d: {  	v3 =	vld.idx.msk [tilespmem:v5+s29+$0x0], $0xffff;
	_ =	sdelay $0x1  }
0x15e: {  	v59 =	vld [tilespmem:s18+$0x1010]  }
0x15f: {  	v1 =	vmul.f32 v2, v1;
	_ =	sdelay $0x1  }
0x160: {  	v1 =	vmul.f32 v1, v3;
	_ =	sdelay $0x1  }
0x161: {  	v2 =	vld [tilespmem:s18+$0x2010];
	[tilespmem:s18+$0x2000] =	vst v1  }
0x162: {  	v1 =	vld.idx.msk [tilespmem:v58+s29+$0x0], $0xffff  }
0x163: {  	v60 =	vld [tilespmem:s18+$0x20]  }
0x164: {  	v3 =	vld.idx.msk [tilespmem:v59+s29+$0x0], $0xffff;
	_ =	sdelay $0x1  }
0x165: {  	v61 =	vld [tilespmem:s18+$0x1020]  }
0x166: {  	v1 =	vmul.f32 v2, v1;
	_ =	sdelay $0x1  }
0x167: {  	v1 =	vmul.f32 v1, v3;
	_ =	sdelay $0x1  }
0x168: {  	v2 =	vld [tilespmem:s18+$0x2020];
	[tilespmem:s18+$0x2010] =	vst v1  }
0x169: {  	v1 =	vld.idx.msk [tilespmem:v60+s29+$0x0], $0xffff  }
0x16a: {  	v62 =	vld [tilespmem:s18+$0x30]  }
0x16b: {  	v3 =	vld.idx.msk [tilespmem:v61+s29+$0x0], $0xffff;
	_ =	sdelay $0x1  }
0x16c: {  	v63 =	vld [tilespmem:s18+$0x1030]  }
0x16d: {  	v1 =	vmul.f32 v2, v1;
	_ =	sdelay $0x1  }
0x16e: {  	v1 =	vmul.f32 v1, v3;
	_ =	sdelay $0x1  }
0x16f: {  	[tilespmem:s18+$0x2020] =	vst v1;
	v1 =	vld [tilespmem:s18+$0x2030]  }
0x170: {  	v2 =	vld.idx.msk [tilespmem:v62+s29+$0x0], $0xffff;
	_ =	sdelay $0x1  }
0x171: {  	v3 =	vld.idx.msk [tilespmem:v63+s29+$0x0], $0xffff;
	_ =	sdelay $0x2  }
0x172: {  	v1 =	vmul.f32 v1, v2;
	_ =	sdelay $0x1  }
0x173: {  	v1 =	vmul.f32 v1, v3;
	_ =	sdelay $0x1  }
0x174: {  	s17 =	simm.s32 $0x0;
	s16 =	simm.s32 $0x0;
	[tilespmem:s18+$0x2030] =	vst v1  }
.LBB2_9:
0x175: {  	s18 =	sshll.u32 s17, $0x8;
	v2 =	vmov s16  }
0x176: {  	v1 =	vmov s18;
	v2 =	vand.u32 $0x7C, v2  }
0x177: {  	v2 =	vor.u32 v1, v2  }
0x178: {  	v2 =	vbroadcast v2, $0x0;
	_ =	sdelay $0x1  }
0x179: {  	_ =	swait.ge [sflag:s12], $0x2000  }
0x17a: {  	[sflag:s12] =	ssyncset.done $0x0  }
0x17b: {  	s18 =	simm.s32 $0x3100;
	[sflag:s12] =	ssyncadd.s32 $0xFFFFE000  }
0x17c: {  	v4 =	vld [tilespmem:s18+$0xFFFFFF70]  }
0x17d: {  	v2 =	vld.idx.msk [tilespmem:v2+s1+$0x0], $0xffff  }
0x17e: {  	v5 =	vld [tilespmem:s18+$0xFFFFFF00]  }
0x17f: {  	v6 =	vld [tilespmem:s18+$0xFFFFFF20]  }
0x180: {  	v7 =	vld [tilespmem:s18+$0xFFFFFF30]  }
0x181: {  	v3 =	vld [tilespmem:s18+$0xFFFFFF50]  }
0x182: {  	s19 =	simm.s32 $0x1;
	v9 =	vld [tilespmem:s18+$0xFFFFFF10];
	v4 =	vmul.f32 v4, v2  }
0x183: {  	v11 =	vmov s19;
	v8 =	vld [tilespmem:s18+$0xFFFFFF60];
	v5 =	vmul.f32 v5, v2  }
0x184: {  	v10 =	vld [tilespmem:s18+$0xFFFFFF40];
	v6 =	vmul.f32 v6, v2;
	[tilespmem:s18+$0xFFFFFF70] =	vst v4;
	v4 =	vand.u32 $0x7D, v11  }
0x185: {  	v7 =	vmul.f32 v7, v2;
	[tilespmem:s18+$0xFFFFFF00] =	vst v5;
	v4 =	vor.u32 v1, v4  }
0x186: {  	v3 =	vmul.f32 v3, v2;
	[tilespmem:s18+$0xFFFFFF20] =	vst v6;
	v4 =	vbroadcast v4, $0x0  }
0x187: {  	v5 =	vmul.f32 v9, v2;
	[tilespmem:s18+$0xFFFFFF30] =	vst v7  }
0x188: {  	v6 =	vmul.f32 v8, v2;
	[tilespmem:s18+$0xFFFFFF50] =	vst v3  }
0x189: {  	v2 =	vmul.f32 v10, v2;
	[tilespmem:s18+$0xFFFFFF10] =	vst v5  }
0x18a: {  	[tilespmem:s18+$0xFFFFFF60] =	vst v6  }
0x18b: {  	[tilespmem:s18+$0xFFFFFF40] =	vst v2;
	v2 =	vld [tilespmem:s18+$0xFFFFFF80]  }
0x18c: {  	v4 =	vld.idx.msk [tilespmem:v4+s1+$0x0], $0xffff  }
0x18d: {  	v3 =	vld [tilespmem:s18+$0xFFFFFFA0]  }
0x18e: {  	v5 =	vld [tilespmem:s18+$0xFFFFFFF0]  }
0x18f: {  	v6 =	vld [tilespmem:s18+$0xFFFFFFC0]  }
0x190: {  	v7 =	vld [tilespmem:s18+$0xFFFFFF90]  }
0x191: {  	s25 =	simm.s32 $0x2;
	v8 =	vld [tilespmem:s18+$0xFFFFFFD0];
	v2 =	vmul.f32 v2, v4  }
0x192: {  	v9 =	vld [tilespmem:s18+$0xFFFFFFB0];
	v10 =	vmov s25;
	v3 =	vmul.f32 v3, v4  }
0x193: {  	v11 =	vld [tilespmem:s18+$0xFFFFFFE0];
	v5 =	vmul.f32 v5, v4;
	[tilespmem:s18+$0xFFFFFF80] =	vst v2;
	v2 =	vand.u32 $0x7E, v10  }
0x194: {  	v6 =	vmul.f32 v6, v4;
	[tilespmem:s18+$0xFFFFFFA0] =	vst v3;
	v2 =	vor.u32 v1, v2  }
0x195: {  	v3 =	vmul.f32 v7, v4;
	[tilespmem:s18+$0xFFFFFFF0] =	vst v5;
	v5 =	vbroadcast v2, $0x0  }
0x196: {  	v7 =	vmul.f32 v8, v4;
	[tilespmem:s18+$0xFFFFFFC0] =	vst v6;
	v8 =	vld [tilespmem:s18+$0x30]  }
0x197: {  	v6 =	vmul.f32 v9, v4;
	v2 =	vld [tilespmem:s18+$0x60];
	[tilespmem:s18+$0xFFFFFF90] =	vst v3  }
0x198: {  	v4 =	vmul.f32 v11, v4;
	v3 =	vld [tilespmem:s18+$0x70];
	[tilespmem:s18+$0xFFFFFFD0] =	vst v7  }
0x199: {  	[tilespmem:s18+$0xFFFFFFB0] =	vst v6;
	v6 =	vld [tilespmem:s18+$0x20]  }
0x19a: {  	[tilespmem:s18+$0xFFFFFFE0] =	vst v4;
	v7 =	vld [tilespmem:s18+$0x0]  }
0x19b: {  	s21 =	simm.s32 $0x4;
	v4 =	vld.idx.msk [tilespmem:v5+s1+$0x0], $0xffff  }
0x19c: {  	s23 =	simm.s32 $0x3100;
	s20 =	simm.s32 $0x0;
	s19 =	sshll.u32 s17, $0x1;
	v5 =	vld [tilespmem:s18+$0x10]  }
.LBB2_10:
0x19d: {  	p0 =	sne.s32 s21, $0x3C  }
0x19e: {  	v9 =	vld [tilespmem:s18+$0x50];
	s23 =	sadd.s32 $0x200, s23;
	s25 =	smov.u32 s21;
	s21 =	sadd.s32 $0x4, s21  }
0x19f: {  	v10 =	vld [tilespmem:s18+$0x40];
	_ =	sdelay $0x1  }
0x1a0: {  	s4 =	sadd.s32 $0x3, s20;
	s20 =	smov.u32 s25;
	v8 =	vmul.f32 v8, v4;
	v7 =	vmul.f32 v7, v4  }
0x1a1: {  	v11 =	vmov s4;
	v6 =	vmul.f32 v6, v4;
	v5 =	vmul.f32 v5, v4  }
0x1a2: {  	v2 =	vmul.f32 v2, v4;
	v3 =	vmul.f32 v3, v4;
	[tilespmem:s18+$0x30] =	vst v8;
	v8 =	vand.u32 $0x7F, v11  }
0x1a3: {  	[tilespmem:s18+$0x20] =	vst v6;
	v6 =	vmul.f32 v10, v4;
	v4 =	vmul.f32 v9, v4;
	v8 =	vor.u32 v1, v8  }
0x1a4: {  	[tilespmem:s18+$0x70] =	vst v3;
	v8 =	vbroadcast v8, $0x0;
	v9 =	vld [tilespmem:s18+$0x80]  }
0x1a5: {  	[tilespmem:s18+$0x60] =	vst v2;
	v10 =	vld [tilespmem:s18+$0xF0]  }
0x1a6: {  	v2 =	vld [tilespmem:s23+$0x60];
	[tilespmem:s18+$0x50] =	vst v4  }
0x1a7: {  	v3 =	vld [tilespmem:s23+$0x70];
	[tilespmem:s18+$0x40] =	vst v6  }
0x1a8: {  	[tilespmem:s18+$0x0] =	vst v7;
	v4 =	vld [tilespmem:s18+$0xD0]  }
0x1a9: {  	[tilespmem:s18+$0x10] =	vst v5;
	v5 =	vld [tilespmem:s18+$0xB0]  }
0x1aa: {  	v6 =	vld.idx.msk [tilespmem:v8+s1+$0x0], $0xffff  }
0x1ab: {  	v7 =	vld [tilespmem:s18+$0x90]  }
0x1ac: {  	v8 =	vld [tilespmem:s18+$0xA0]  }
0x1ad: {  	v11 =	vld [tilespmem:s18+$0xC0]  }
0x1ae: {  	v12 =	vld [tilespmem:s18+$0xE0];
	_ =	sdelay $0x1  }
0x1af: {  	v9 =	vmul.f32 v9, v6;
	v7 =	vmul.f32 v7, v6  }
0x1b0: {  	v13 =	vmov s20;
	v5 =	vmul.f32 v5, v6;
	v8 =	vmul.f32 v8, v6  }
0x1b1: {  	v13 =	vand.u32 $0x7C, v13;
	v4 =	vmul.f32 v4, v6;
	[tilespmem:s18+$0x80] =	vst v9;
	v9 =	vmul.f32 v11, v6  }
0x1b2: {  	v11 =	vor.u32 v1, v13;
	[tilespmem:s18+$0xB0] =	vst v5;
	v5 =	vmul.f32 v12, v6;
	v6 =	vmul.f32 v10, v6  }
0x1b3: {  	v10 =	vbroadcast v11, $0x0;
	[tilespmem:s18+$0xA0] =	vst v8  }
0x1b4: {  	[tilespmem:s18+$0xD0] =	vst v4  }
0x1b5: {  	v4 =	vld [tilespmem:s23+$0xFFFFFF50];
	[tilespmem:s18+$0xF0] =	vst v6  }
0x1b6: {  	v6 =	vld [tilespmem:s23+$0xFFFFFF30];
	[tilespmem:s18+$0x90] =	vst v7  }
0x1b7: {  	v7 =	vld [tilespmem:s23+$0xFFFFFF60];
	[tilespmem:s18+$0xC0] =	vst v9  }
0x1b8: {  	v8 =	vld [tilespmem:s23+$0xFFFFFF70];
	[tilespmem:s18+$0xE0] =	vst v5;
	s18 =	smov.u32 s23  }
0x1b9: {  	v5 =	vld.idx.msk [tilespmem:v10+s1+$0x0], $0xffff  }
0x1ba: {  	v9 =	vld [tilespmem:s23+$0xFFFFFF00]  }
0x1bb: {  	v10 =	vld [tilespmem:s23+$0xFFFFFF20]  }
0x1bc: {  	v11 =	vld [tilespmem:s23+$0xFFFFFF10]  }
0x1bd: {  	v12 =	vld [tilespmem:s23+$0xFFFFFF40];
	_ =	sdelay $0x1  }
0x1be: {  	s4 =	sadd.s32 $0x1, s20;
	v8 =	vmul.f32 v8, v5;
	v9 =	vmul.f32 v9, v5  }
0x1bf: {  	v13 =	vmov s4;
	v7 =	vmul.f32 v7, v5;
	v10 =	vmul.f32 v10, v5  }
0x1c0: {  	v6 =	vmul.f32 v6, v5;
	v11 =	vmul.f32 v11, v5;
	[tilespmem:s23+$0xFFFFFF70] =	vst v8;
	v8 =	vand.u32 $0x7D, v13  }
0x1c1: {  	v4 =	vmul.f32 v4, v5;
	[tilespmem:s23+$0xFFFFFF00] =	vst v9;
	v9 =	vmul.f32 v12, v5;
	v5 =	vor.u32 v1, v8  }
0x1c2: {  	[tilespmem:s23+$0xFFFFFF20] =	vst v10;
	v5 =	vbroadcast v5, $0x0  }
0x1c3: {  	[tilespmem:s23+$0xFFFFFF30] =	vst v6  }
0x1c4: {  	[tilespmem:s23+$0xFFFFFF50] =	vst v4;
	v4 =	vld [tilespmem:s23+$0xFFFFFFD0]  }
0x1c5: {  	[tilespmem:s23+$0xFFFFFF10] =	vst v11;
	v6 =	vld [tilespmem:s23+$0xFFFFFFE0]  }
0x1c6: {  	[tilespmem:s23+$0xFFFFFF60] =	vst v7;
	v7 =	vld [tilespmem:s23+$0xFFFFFFB0]  }
0x1c7: {  	[tilespmem:s23+$0xFFFFFF40] =	vst v9;
	v8 =	vld [tilespmem:s23+$0xFFFFFFF0]  }
0x1c8: {  	v5 =	vld.idx.msk [tilespmem:v5+s1+$0x0], $0xffff  }
0x1c9: {  	v9 =	vld [tilespmem:s23+$0xFFFFFF80]  }
0x1ca: {  	v10 =	vld [tilespmem:s23+$0xFFFFFFA0]  }
0x1cb: {  	v11 =	vld [tilespmem:s23+$0xFFFFFFC0]  }
0x1cc: {  	v12 =	vld [tilespmem:s23+$0xFFFFFF90];
	_ =	sdelay $0x1  }
0x1cd: {  	s4 =	sadd.s32 $0x2, s20;
	v8 =	vmul.f32 v8, v5;
	v9 =	vmul.f32 v9, v5  }
0x1ce: {  	v13 =	vmov s4;
	v7 =	vmul.f32 v7, v5;
	v10 =	vmul.f32 v10, v5  }
0x1cf: {  	v6 =	vmul.f32 v6, v5;
	[tilespmem:s23+$0xFFFFFF80] =	vst v9;
	v9 =	vmul.f32 v11, v5;
	v11 =	vand.u32 $0x7E, v13  }
0x1d0: {  	v4 =	vmul.f32 v4, v5;
	v12 =	vmul.f32 v12, v5;
	[tilespmem:s23+$0xFFFFFFA0] =	vst v10;
	v5 =	vor.u32 v1, v11  }
0x1d1: {  	[tilespmem:s23+$0xFFFFFFF0] =	vst v8;
	v5 =	vbroadcast v5, $0x0  }
0x1d2: {  	[tilespmem:s23+$0xFFFFFFC0] =	vst v9  }
0x1d3: {  	[tilespmem:s23+$0xFFFFFF90] =	vst v12  }
0x1d4: {  	[tilespmem:s23+$0xFFFFFFD0] =	vst v4  }
.Ltmp7:
0x1d5: {  	[tilespmem:s23+$0xFFFFFFB0] =	vst v7;
	v8 =	vld [tilespmem:s23+$0x30];
	(pc) =	sbr.rel @p0 .LBB2_10-.Ltmp7, $4  }
0x1d6: {  	[tilespmem:s23+$0xFFFFFFE0] =	vst v6;
	v6 =	vld [tilespmem:s23+$0x20]  }
0x1d7: {  	v4 =	vld.idx.msk [tilespmem:v5+s1+$0x0], $0xffff  }
0x1d8: {  	v7 =	vld [tilespmem:s23+$0x0]  }
0x1d9: {  	v5 =	vld [tilespmem:s23+$0x10]  }
0x1da: {  	_ =	sdelay $0x1  }
0x1db: {  	v9 =	vld [tilespmem:s18+$0x50];
	s4 =	sadd.s32 $0x3, s20;
	v8 =	vmul.f32 v8, v4  }
0x1dc: {  	v10 =	vld [tilespmem:s18+$0x40];
	v11 =	vmov s4;
	v3 =	vmul.f32 v3, v4  }
0x1dd: {  	v2 =	vmul.f32 v2, v4;
	[tilespmem:s18+$0x30] =	vst v8;
	v8 =	vand.u32 $0x7F, v11  }
0x1de: {  	v6 =	vmul.f32 v6, v4;
	[tilespmem:s18+$0x70] =	vst v3;
	v1 =	vor.u32 v1, v8  }
0x1df: {  	[tilespmem:s18+$0x60] =	vst v2;
	v2 =	vmul.f32 v7, v4;
	v1 =	vbroadcast v1, $0x0  }
0x1e0: {  	[tilespmem:s18+$0x20] =	vst v6;
	v3 =	vmul.f32 v9, v4  }
0x1e1: {  	v8 =	vmul.f32 v10, v4;
	[tilespmem:s18+$0x0] =	vst v2  }
0x1e2: {  	[tilespmem:s18+$0x50] =	vst v3;
	v3 =	vmul.f32 v5, v4  }
0x1e3: {  	[tilespmem:s18+$0x40] =	vst v8  }
0x1e4: {  	v6 =	vld [tilespmem:s18+$0x80];
	[tilespmem:s18+$0x10] =	vst v3  }
0x1e5: {  	v1 =	vld.idx.msk [tilespmem:v1+s1+$0x0], $0xffff  }
0x1e6: {  	v2 =	vld [tilespmem:s18+$0xB0]  }
0x1e7: {  	v3 =	vld [tilespmem:s18+$0xA0]  }
0x1e8: {  	v4 =	vld [tilespmem:s18+$0xD0]  }
0x1e9: {  	v5 =	vld [tilespmem:s18+$0xF0]  }
0x1ea: {  	v7 =	vld [tilespmem:s18+$0x90];
	v6 =	vmul.f32 v6, v1  }
0x1eb: {  	v8 =	vld [tilespmem:s18+$0xC0];
	v2 =	vmul.f32 v2, v1  }
0x1ec: {  	v9 =	vld [tilespmem:s18+$0xE0];
	v3 =	vmul.f32 v3, v1;
	[tilespmem:s18+$0x80] =	vst v6  }
0x1ed: {  	v4 =	vmul.f32 v4, v1;
	[tilespmem:s18+$0xB0] =	vst v2  }
0x1ee: {  	v2 =	vmul.f32 v5, v1;
	[tilespmem:s18+$0xA0] =	vst v3  }
0x1ef: {  	v3 =	vmul.f32 v7, v1;
	[tilespmem:s18+$0xD0] =	vst v4  }
0x1f0: {  	v4 =	vmul.f32 v8, v1;
	[tilespmem:s18+$0xF0] =	vst v2  }
0x1f1: {  	v1 =	vmul.f32 v9, v1;
	[tilespmem:s18+$0x90] =	vst v3  }
0x1f2: {  	s19 =	sor.u32 $0x1, s19;
	s4 =	sshll.u32 s17, $0xA;
	[tilespmem:s18+$0xC0] =	vst v4  }
0x1f3: {  	s21 =	simm.s32 $0x0;
	s19 =	sshll.u32 s19, $0x7;
	[tilespmem:s18+$0xE0] =	vst v1;
	s18 =	sshrl.u32 s4, $0x2  }
0x1f4: {  	v2 =	vmov s21;
	[spmem:s2] =	stream.indirect.scatter.add.f32 [tilespmem:s22], [sflag:$0x3], $0x80, s18, s30, $0xb8;
	[tilespmem:$0x1D800] =	vst v63  }
0x1f5: {  	p0 =	seq.s32 s17, $0xF;
	v1 =	vmov s19;
	v2 =	vand.u32 $0x7C, v2;
	_ =	swait.ge [sflag:s24], $0x2000  }
0x1f6: {  	s20 =	simm.s32 @!p0 $0x40;
	s4 =	sshrl.u32 @!p0 s4, $0x2;
	v2 =	vor.u32 v1, v2;
	[sflag:s24] =	ssyncset.done $0x0  }
0x1f7: {  	s23 =	simm.s32 @!p0 $0x3000;
	s4 =	sadd.s32 @!p0 $0x1100, s4;
	v2 =	vbroadcast v2, $0x0;
	[sflag:s24] =	ssyncadd.s32 $0xFFFFE000  }
0x1f8: {  	[tilespmem:s23], [sflag:$0x1] =	stream.indirect.gather @!p0 [hbm4b:s5+s20], $0x80, s4, s20, $0xb8;
	[tilespmem:$0x1D800] =	vst v63  }
0x1f9: {  	_ =	swait.ge [sflag:s13], $0x2000  }
0x1fa: {  	[sflag:s13] =	ssyncset.done $0x0  }
0x1fb: {  	s20 =	simm.s32 $0x5100;
	[sflag:s13] =	ssyncadd.s32 $0xFFFFE000  }
0x1fc: {  	v4 =	vld [tilespmem:s20+$0xFFFFFF70]  }
0x1fd: {  	v2 =	vld.idx.msk [tilespmem:v2+s1+$0x0], $0xffff  }
0x1fe: {  	v5 =	vld [tilespmem:s20+$0xFFFFFF00]  }
0x1ff: {  	v6 =	vld [tilespmem:s20+$0xFFFFFF20]  }
0x200: {  	v7 =	vld [tilespmem:s20+$0xFFFFFF30]  }
0x201: {  	v3 =	vld [tilespmem:s20+$0xFFFFFF50]  }
0x202: {  	s23 =	simm.s32 $0x1;
	v9 =	vld [tilespmem:s20+$0xFFFFFF10];
	v4 =	vmul.f32 v4, v2  }
0x203: {  	v11 =	vmov s23;
	v8 =	vld [tilespmem:s20+$0xFFFFFF60];
	v5 =	vmul.f32 v5, v2  }
0x204: {  	v10 =	vld [tilespmem:s20+$0xFFFFFF40];
	v6 =	vmul.f32 v6, v2;
	[tilespmem:s20+$0xFFFFFF70] =	vst v4;
	v4 =	vand.u32 $0x7D, v11  }
0x205: {  	v7 =	vmul.f32 v7, v2;
	[tilespmem:s20+$0xFFFFFF00] =	vst v5;
	v4 =	vor.u32 v1, v4  }
0x206: {  	v3 =	vmul.f32 v3, v2;
	[tilespmem:s20+$0xFFFFFF20] =	vst v6;
	v4 =	vbroadcast v4, $0x0  }
0x207: {  	v5 =	vmul.f32 v9, v2;
	[tilespmem:s20+$0xFFFFFF30] =	vst v7  }
0x208: {  	v6 =	vmul.f32 v8, v2;
	[tilespmem:s20+$0xFFFFFF50] =	vst v3  }
0x209: {  	v2 =	vmul.f32 v10, v2;
	[tilespmem:s20+$0xFFFFFF10] =	vst v5  }
0x20a: {  	[tilespmem:s20+$0xFFFFFF60] =	vst v6  }
0x20b: {  	[tilespmem:s20+$0xFFFFFF40] =	vst v2;
	v2 =	vld [tilespmem:s20+$0xFFFFFF80]  }
0x20c: {  	v4 =	vld.idx.msk [tilespmem:v4+s1+$0x0], $0xffff  }
0x20d: {  	v3 =	vld [tilespmem:s20+$0xFFFFFFA0]  }
0x20e: {  	v5 =	vld [tilespmem:s20+$0xFFFFFFF0]  }
0x20f: {  	v6 =	vld [tilespmem:s20+$0xFFFFFFC0]  }
0x210: {  	v7 =	vld [tilespmem:s20+$0xFFFFFF90]  }
0x211: {  	s25 =	simm.s32 $0x2;
	v8 =	vld [tilespmem:s20+$0xFFFFFFD0];
	v2 =	vmul.f32 v2, v4  }
0x212: {  	v9 =	vld [tilespmem:s20+$0xFFFFFFB0];
	v10 =	vmov s25;
	v3 =	vmul.f32 v3, v4  }
0x213: {  	v11 =	vld [tilespmem:s20+$0xFFFFFFE0];
	v5 =	vmul.f32 v5, v4;
	[tilespmem:s20+$0xFFFFFF80] =	vst v2;
	v2 =	vand.u32 $0x7E, v10  }
0x214: {  	v6 =	vmul.f32 v6, v4;
	[tilespmem:s20+$0xFFFFFFA0] =	vst v3;
	v2 =	vor.u32 v1, v2  }
0x215: {  	v3 =	vmul.f32 v7, v4;
	[tilespmem:s20+$0xFFFFFFF0] =	vst v5;
	v5 =	vbroadcast v2, $0x0  }
0x216: {  	v7 =	vmul.f32 v8, v4;
	[tilespmem:s20+$0xFFFFFFC0] =	vst v6;
	v8 =	vld [tilespmem:s20+$0x30]  }
0x217: {  	v6 =	vmul.f32 v9, v4;
	v2 =	vld [tilespmem:s20+$0x60];
	[tilespmem:s20+$0xFFFFFF90] =	vst v3  }
0x218: {  	v4 =	vmul.f32 v11, v4;
	v3 =	vld [tilespmem:s20+$0x70];
	[tilespmem:s20+$0xFFFFFFD0] =	vst v7  }
0x219: {  	[tilespmem:s20+$0xFFFFFFB0] =	vst v6;
	v7 =	vld [tilespmem:s20+$0x20]  }
0x21a: {  	[tilespmem:s20+$0xFFFFFFE0] =	vst v4;
	v6 =	vld [tilespmem:s20+$0x0]  }
0x21b: {  	v4 =	vld.idx.msk [tilespmem:v5+s1+$0x0], $0xffff  }
0x21c: {  	s23 =	simm.s32 $0x4;
	s25 =	simm.s32 $0x5100;
	v5 =	vld [tilespmem:s20+$0x10]  }
.LBB2_12:
0x21d: {  	p1 =	sne.s32 s23, $0x3C  }
0x21e: {  	v9 =	vld [tilespmem:s20+$0x50];
	s25 =	sadd.s32 $0x200, s25;
	s4 =	smov.u32 s23;
	s23 =	sadd.s32 $0x4, s23  }
0x21f: {  	v10 =	vld [tilespmem:s20+$0x40];
	_ =	sdelay $0x1  }
0x220: {  	s8 =	sadd.s32 $0x3, s21;
	s21 =	smov.u32 s4;
	v8 =	vmul.f32 v8, v4;
	v6 =	vmul.f32 v6, v4  }
0x221: {  	v11 =	vmov s8;
	v7 =	vmul.f32 v7, v4;
	v5 =	vmul.f32 v5, v4  }
0x222: {  	v2 =	vmul.f32 v2, v4;
	v3 =	vmul.f32 v3, v4;
	[tilespmem:s20+$0x30] =	vst v8;
	v8 =	vand.u32 $0x7F, v11  }
0x223: {  	[tilespmem:s20+$0x20] =	vst v7;
	v7 =	vmul.f32 v10, v4;
	v4 =	vmul.f32 v9, v4;
	v8 =	vor.u32 v1, v8  }
0x224: {  	[tilespmem:s20+$0x70] =	vst v3;
	v8 =	vbroadcast v8, $0x0;
	v9 =	vld [tilespmem:s20+$0x80]  }
0x225: {  	[tilespmem:s20+$0x60] =	vst v2;
	v10 =	vld [tilespmem:s20+$0xF0]  }
0x226: {  	v2 =	vld [tilespmem:s25+$0x60];
	[tilespmem:s20+$0x50] =	vst v4  }
0x227: {  	v3 =	vld [tilespmem:s25+$0x70];
	[tilespmem:s20+$0x40] =	vst v7  }
0x228: {  	[tilespmem:s20+$0x0] =	vst v6;
	v4 =	vld [tilespmem:s20+$0xD0]  }
0x229: {  	[tilespmem:s20+$0x10] =	vst v5;
	v5 =	vld [tilespmem:s20+$0xB0]  }
0x22a: {  	v6 =	vld.idx.msk [tilespmem:v8+s1+$0x0], $0xffff  }
0x22b: {  	v7 =	vld [tilespmem:s20+$0x90]  }
0x22c: {  	v8 =	vld [tilespmem:s20+$0xA0]  }
0x22d: {  	v11 =	vld [tilespmem:s20+$0xC0]  }
0x22e: {  	v12 =	vld [tilespmem:s20+$0xE0];
	_ =	sdelay $0x1  }
0x22f: {  	v9 =	vmul.f32 v9, v6;
	v7 =	vmul.f32 v7, v6  }
0x230: {  	v13 =	vmov s21;
	v5 =	vmul.f32 v5, v6;
	v8 =	vmul.f32 v8, v6  }
0x231: {  	v13 =	vand.u32 $0x7C, v13;
	v4 =	vmul.f32 v4, v6;
	[tilespmem:s20+$0x80] =	vst v9;
	v9 =	vmul.f32 v11, v6  }
0x232: {  	v11 =	vor.u32 v1, v13;
	[tilespmem:s20+$0xB0] =	vst v5;
	v5 =	vmul.f32 v12, v6;
	v6 =	vmul.f32 v10, v6  }
0x233: {  	v10 =	vbroadcast v11, $0x0;
	[tilespmem:s20+$0xA0] =	vst v8  }
0x234: {  	[tilespmem:s20+$0xD0] =	vst v4  }
0x235: {  	v4 =	vld [tilespmem:s25+$0xFFFFFF50];
	[tilespmem:s20+$0xF0] =	vst v6  }
0x236: {  	v6 =	vld [tilespmem:s25+$0xFFFFFF30];
	[tilespmem:s20+$0x90] =	vst v7  }
0x237: {  	v7 =	vld [tilespmem:s25+$0xFFFFFF60];
	[tilespmem:s20+$0xC0] =	vst v9  }
0x238: {  	v8 =	vld [tilespmem:s25+$0xFFFFFF70];
	[tilespmem:s20+$0xE0] =	vst v5;
	s20 =	smov.u32 s25  }
0x239: {  	v5 =	vld.idx.msk [tilespmem:v10+s1+$0x0], $0xffff  }
0x23a: {  	v9 =	vld [tilespmem:s25+$0xFFFFFF00]  }
0x23b: {  	v10 =	vld [tilespmem:s25+$0xFFFFFF20]  }
0x23c: {  	v11 =	vld [tilespmem:s25+$0xFFFFFF10]  }
0x23d: {  	v12 =	vld [tilespmem:s25+$0xFFFFFF40];
	_ =	sdelay $0x1  }
0x23e: {  	s4 =	sadd.s32 $0x1, s21;
	v8 =	vmul.f32 v8, v5;
	v9 =	vmul.f32 v9, v5  }
0x23f: {  	v13 =	vmov s4;
	v7 =	vmul.f32 v7, v5;
	v10 =	vmul.f32 v10, v5  }
0x240: {  	v6 =	vmul.f32 v6, v5;
	v11 =	vmul.f32 v11, v5;
	[tilespmem:s25+$0xFFFFFF70] =	vst v8;
	v8 =	vand.u32 $0x7D, v13  }
0x241: {  	v4 =	vmul.f32 v4, v5;
	[tilespmem:s25+$0xFFFFFF00] =	vst v9;
	v9 =	vmul.f32 v12, v5;
	v5 =	vor.u32 v1, v8  }
0x242: {  	[tilespmem:s25+$0xFFFFFF20] =	vst v10;
	v5 =	vbroadcast v5, $0x0  }
0x243: {  	[tilespmem:s25+$0xFFFFFF30] =	vst v6  }
0x244: {  	[tilespmem:s25+$0xFFFFFF50] =	vst v4;
	v4 =	vld [tilespmem:s25+$0xFFFFFFD0]  }
0x245: {  	[tilespmem:s25+$0xFFFFFF10] =	vst v11;
	v6 =	vld [tilespmem:s25+$0xFFFFFFE0]  }
0x246: {  	[tilespmem:s25+$0xFFFFFF60] =	vst v7;
	v7 =	vld [tilespmem:s25+$0xFFFFFFB0]  }
0x247: {  	[tilespmem:s25+$0xFFFFFF40] =	vst v9;
	v8 =	vld [tilespmem:s25+$0xFFFFFFF0]  }
0x248: {  	v5 =	vld.idx.msk [tilespmem:v5+s1+$0x0], $0xffff  }
0x249: {  	v9 =	vld [tilespmem:s25+$0xFFFFFF80]  }
0x24a: {  	v10 =	vld [tilespmem:s25+$0xFFFFFFA0]  }
0x24b: {  	v11 =	vld [tilespmem:s25+$0xFFFFFFC0]  }
0x24c: {  	v12 =	vld [tilespmem:s25+$0xFFFFFF90];
	_ =	sdelay $0x1  }
0x24d: {  	s4 =	sadd.s32 $0x2, s21;
	v8 =	vmul.f32 v8, v5;
	v9 =	vmul.f32 v9, v5  }
0x24e: {  	v13 =	vmov s4;
	v7 =	vmul.f32 v7, v5;
	v10 =	vmul.f32 v10, v5  }
0x24f: {  	v6 =	vmul.f32 v6, v5;
	[tilespmem:s25+$0xFFFFFF80] =	vst v9;
	v9 =	vmul.f32 v11, v5;
	v11 =	vand.u32 $0x7E, v13  }
0x250: {  	v4 =	vmul.f32 v4, v5;
	v12 =	vmul.f32 v12, v5;
	[tilespmem:s25+$0xFFFFFFA0] =	vst v10;
	v5 =	vor.u32 v1, v11  }
0x251: {  	[tilespmem:s25+$0xFFFFFFF0] =	vst v8;
	v5 =	vbroadcast v5, $0x0  }
0x252: {  	[tilespmem:s25+$0xFFFFFFC0] =	vst v9  }
0x253: {  	[tilespmem:s25+$0xFFFFFF90] =	vst v12  }
0x254: {  	[tilespmem:s25+$0xFFFFFFD0] =	vst v4  }
.Ltmp8:
0x255: {  	[tilespmem:s25+$0xFFFFFFB0] =	vst v7;
	v8 =	vld [tilespmem:s25+$0x30];
	(pc) =	sbr.rel @p1 .LBB2_12-.Ltmp8, $4  }
0x256: {  	[tilespmem:s25+$0xFFFFFFE0] =	vst v6;
	v7 =	vld [tilespmem:s25+$0x20]  }
0x257: {  	v4 =	vld.idx.msk [tilespmem:v5+s1+$0x0], $0xffff  }
0x258: {  	v6 =	vld [tilespmem:s25+$0x0]  }
0x259: {  	v5 =	vld [tilespmem:s25+$0x10]  }
0x25a: {  	_ =	sdelay $0x1  }
0x25b: {  	v9 =	vld [tilespmem:s20+$0x50];
	s4 =	sadd.s32 $0x3, s21;
	v8 =	vmul.f32 v8, v4  }
0x25c: {  	v10 =	vld [tilespmem:s20+$0x40];
	v11 =	vmov s4;
	v3 =	vmul.f32 v3, v4  }
0x25d: {  	v55 =	vand.u32 $0x7F, v11;
	v2 =	vmul.f32 v2, v4;
	[tilespmem:s20+$0x30] =	vst v8  }
0x25e: {  	v7 =	vmul.f32 v7, v4;
	v1 =	vor.u32 v1, v55;
	[tilespmem:s20+$0x70] =	vst v3  }
0x25f: {  	v1 =	vbroadcast v1, $0x0;
	[tilespmem:s20+$0x60] =	vst v2;
	v2 =	vmul.f32 v6, v4  }
0x260: {  	[tilespmem:s20+$0x20] =	vst v7;
	v3 =	vmul.f32 v9, v4  }
0x261: {  	v57 =	vmul.f32 v10, v4;
	[tilespmem:s20+$0x0] =	vst v2  }
0x262: {  	[tilespmem:s20+$0x50] =	vst v3;
	v3 =	vmul.f32 v5, v4  }
0x263: {  	[tilespmem:s20+$0x40] =	vst v57  }
0x264: {  	v56 =	vld [tilespmem:s20+$0x80];
	[tilespmem:s20+$0x10] =	vst v3  }
0x265: {  	v1 =	vld.idx.msk [tilespmem:v1+s1+$0x0], $0xffff  }
0x266: {  	v2 =	vld [tilespmem:s20+$0xB0]  }
0x267: {  	v3 =	vld [tilespmem:s20+$0xA0]  }
0x268: {  	v58 =	vld [tilespmem:s20+$0xD0]  }
0x269: {  	v61 =	vld [tilespmem:s20+$0xC0]  }
0x26a: {  	v59 =	vld [tilespmem:s20+$0xF0];
	v7 =	vmul.f32 v56, v1  }
0x26b: {  	v60 =	vld [tilespmem:s20+$0x90];
	v2 =	vmul.f32 v2, v1  }
0x26c: {  	v62 =	vld [tilespmem:s20+$0xE0];
	v3 =	vmul.f32 v3, v1;
	[tilespmem:s20+$0x80] =	vst v7  }
0x26d: {  	v4 =	vmul.f32 v58, v1;
	[tilespmem:s20+$0xB0] =	vst v2  }
0x26e: {  	v63 =	vmul.f32 v61, v1;
	[tilespmem:s20+$0xA0] =	vst v3  }
0x26f: {  	v2 =	vmul.f32 v59, v1;
	[tilespmem:s20+$0xD0] =	vst v4  }
0x270: {  	v3 =	vmul.f32 v60, v1;
	[tilespmem:s20+$0xC0] =	vst v63  }
0x271: {  	v1 =	vmul.f32 v62, v1;
	[tilespmem:s20+$0xF0] =	vst v2  }
0x272: {  	[tilespmem:s20+$0x90] =	vst v3  }
.Ltmp9:
0x273: {  	s25 =	sand.u32 $0x3FFFFF80, s19;
	[tilespmem:s20+$0xE0] =	vst v1;
	(pc) =	sbr.rel @p0 .LBB2_15-.Ltmp9, $4  }
0x274: {  	[spmem:s2] =	stream.indirect.scatter.add.f32 [tilespmem:s7], [sflag:$0x3], $0x80, s25, s30, $0xb8;
	[tilespmem:$0x1D800] =	vst v63  }
0x275: {  	_ =	swait.ge [sflag:s24], $0x2000  }
0x276: {  	[sflag:s24] =	ssyncset.done $0x0  }
0x277: {  	[sflag:s24] =	ssyncadd.s32 $0xFFFFE000  }
.Ltmp10:
0x278: {  	(pc) =	sbr.rel .LBB2_9-.Ltmp10, $3  }
0x279: {  	_ =	sdelay $0x1  }
0x27a: {  	s4 =	sadd.s32 $0x1180, s18;
	s17 =	sadd.s32 $0x1, s17  }
0x27b: {  	[tilespmem:s7], [sflag:$0x2] =	stream.indirect.gather [hbm4b:s5+s30], $0x80, s4, s30, $0xb8;
	[tilespmem:$0x1D800] =	vst v63  }
.LBB2_17:
0x27c: {  	_ =	sfence.sel $0x180000  }
0x27d: {  	[bflag:$0x0] =	sbarrier.arrive $0xFFFF  }
0x27e: {  	_ =	strace $0x9000004A  }
0x27f: {  	s0 =	stileid.u32;
	[bflag:$0x2] =	sbarrier.arrive $0xFFFF  }
0x280: {  	p0 =	sne.s32 s0, $0x0;
	s0 =	rddreg [dreg:$0x3]  }
0x281: {  	s0 =	sadd.s32 @!p0 $0x100000, s0  }
0x282: {  	[sflag:s0] =	ssyncadd.tile.s32 @!p0 $0x1;
	_ =	shalt  }
.Lfunc_end2:
_tile_overlayer_lowered:
.L_overlay_start_2:
0x283: {  	(tag) =	ssettag $0x2  }
0x284: {  	s0 =	rddreg [dreg:$0x0];
	s2 =	stileid.u32  }
0x285: {  	s1 =	rddreg [dreg:$0x1];
	p0 =	sne.s32 s2, $0x0  }
0x286: {  	s3 =	rddreg [dreg:$0x2];
	[bflag:$0x3] =	sbarrier.arrive $0xFFFF;
	s2 =	simm.s32 @!p0 $0x1C03  }
0x287: {  	[timem:s3], [sflag:s2] =	dma.local @!p0 [hbm:s0], s1  }
0x288: {  	s0 =	simm.s32 @!p0 $0x3  }
0x289: {  	_ =	swait.ge @!p0 [sflag:s0], s1  }
0x28a: {  	s1 =	ssub.s32 @!p0 $0x0, s1;
	[sflag:s0] =	ssyncset.done @!p0 $0x0  }
0x28b: {  	[sflag:s0] =	ssyncadd.s32 @!p0 s1  }
0x28c: {  	[bflag:$0x3] =	sbarrier.arrive $0xFFFF  }
0x28d: {  	_ =	shalt  }

</sc_bundles>
